<compile_context>
chip_gen: v7x
topology: tpu7x:2x2x1
jax: 0.10.2.dev20260603
libtpu: 0.0.44.dev20260713+nightly
codegen_flags: <defaults>
</compile_context>

<pallas_src>
import jax
import jax.numpy as jnp
from jax import lax
from jax.experimental import pallas as pl
from jax.experimental.pallas import tpu as pltpu
from jax.experimental.pallas import tpu_sc as plsc

B = 128
I = 512
O = 512
W = 512
K = 154
WB = 8
GRID = W // WB

NC = 2
NS = 16
NW = NC * NS
TPW = B // NW
NV = W // 16


def _gate_body(x_ref, gw_ref, gb_ref, logits_ref, keys_ref):
    logits = jax.lax.dot_general(
        x_ref[...], gw_ref[...], (((1,), (1,)), ((), ())),
        preferred_element_type=jnp.float32,
    ) + gb_ref[...]
    logits_ref[...] = logits
    bits = jax.lax.bitcast_convert_type(logits, jnp.int32)
    keys_ref[...] = jnp.where(
        bits >= 0, bits, (~bits) ^ jnp.int32(-2147483648)
    )


def _route_sc_body(logits_hbm, keys_hbm, out_hbm, row_v, key_v, out_v):
    wid = lax.axis_index("s") * NC + lax.axis_index("c")
    base = wid * TPW
    pltpu.sync_copy(logits_hbm.at[pl.ds(base, TPW)], row_v)
    pltpu.sync_copy(keys_hbm.at[pl.ds(base, TPW)], key_v)

    def _splat(v, op):
        for sh in (8, 4, 2, 1):
            perm = lax.iota(jnp.int32, 16) ^ jnp.full(
                (16,), sh, dtype=jnp.int32
            )
            v = op(
                v,
                lax.gather(
                    v,
                    perm[:, None],
                    lax.GatherDimensionNumbers(
                        offset_dims=(), collapsed_slice_dims=(0,),
                        start_index_map=(0,),
                    ),
                    (1,),
                    mode=lax.GatherScatterMode.PROMISE_IN_BOUNDS,
                ),
            )
        return v

    one_v = jnp.ones((16,), jnp.int32)
    zero_v = jnp.zeros((16,), jnp.int32)
    k_v = jnp.full((16,), K, dtype=jnp.int32)
    zf_v = jnp.zeros((16,), jnp.float32)
    TS = tuple(range(TPW))

    los = tuple(jnp.full((16,), -2147483648, dtype=jnp.int32) for _ in TS)
    his = tuple(jnp.full((16,), 2147483647, dtype=jnp.int32) for _ in TS)

    def bis(_, carry):
        los, his = carry
        mids = tuple(
            (los[t] >> one_v) + (his[t] >> one_v) + (los[t] & his[t] & one_v)
            for t in TS
        )

        def cnt_body(j, cnts):
            return tuple(
                cnts[t]
                + jnp.where(
                    key_v[t, pl.ds(j * 16, 16)] >= mids[t], one_v, zero_v
                )
                for t in TS
            )

        cnts = lax.fori_loop(
            0, NV, cnt_body, tuple(zero_v for _ in TS), unroll=4
        )
        ges = tuple(_splat(cnts[t], jnp.add) >= k_v for t in TS)
        return (
            tuple(jnp.where(ges[t], mids[t], los[t]) for t in TS),
            tuple(jnp.where(ges[t], his[t], mids[t]) for t in TS),
        )

    los, his = lax.fori_loop(0, 32, bis, (los, his))

    def mx_body(j, mxs):
        return tuple(
            jnp.maximum(mxs[t], row_v[t, pl.ds(j * 16, 16)]) for t in TS
        )

    mxs = lax.fori_loop(
        0, NV, mx_body,
        tuple(jnp.full((16,), -3.0e38, dtype=jnp.float32) for _ in TS),
        unroll=4,
    )
    mvs = tuple(_splat(mxs[t], jnp.maximum) for t in TS)

    def e_body(j, dens):
        outs = []
        for t in TS:
            v = row_v[t, pl.ds(j * 16, 16)]
            kv = key_v[t, pl.ds(j * 16, 16)]
            e = jnp.where(kv >= los[t], jnp.exp(v - mvs[t]), zf_v)
            out_v[t, pl.ds(j * 16, 16)] = e
            outs.append(dens[t] + e)
        return tuple(outs)

    dens = lax.fori_loop(
        0, NV, e_body, tuple(zf_v for _ in TS), unroll=4
    )
    invs = tuple(
        jnp.ones((16,), jnp.float32) / _splat(dens[t], jnp.add) for t in TS
    )

    def sc_body(j, _):
        for t in TS:
            out_v[t, pl.ds(j * 16, 16)] = (
                out_v[t, pl.ds(j * 16, 16)] * invs[t]
            )
        return 0

    lax.fori_loop(0, NV, sc_body, 0, unroll=4)

    pltpu.sync_copy(out_v, out_hbm.at[pl.ds(base, TPW)])


def _moe_body(x_ref, dw_ref, tiles_ref, out_ref, dwt_scr, acc_scr):
    i = pl.program_id(0)

    @pl.when(i == 0)
    def _prologue():
        dwt_scr[...] = dw_ref[...].T
        acc_scr[...] = jnp.zeros_like(acc_scr)

    @pl.when(i > 0)
    def _accum():
        x = x_ref[...]
        blk = i - 1
        dwb = dwt_scr[pl.ds(blk * WB, WB), :]
        acc = acc_scr[...]
        for j in range(WB):
            t = tiles_ref[j]
            pt = jax.lax.dot_general(
                t, x, (((1,), (1,)), ((), ())),
                preferred_element_type=jnp.float32,
            )
            acc = acc + dwb[j : j + 1, :] * pt
        acc_scr[...] = acc

    @pl.when(i == GRID)
    def _final():
        out_ref[...] = acc_scr[...].T


def kernel(x, gate_w, gate_b, tiles):
    logits, keys = pl.pallas_call(
        _gate_body,
        in_specs=[
            pl.BlockSpec((B, I), lambda: (0, 0)),
            pl.BlockSpec((W, I), lambda: (0, 0)),
            pl.BlockSpec((1, W), lambda: (0, 0)),
        ],
        out_specs=[
            pl.BlockSpec((B, W), lambda: (0, 0)),
            pl.BlockSpec((B, W), lambda: (0, 0)),
        ],
        out_shape=[
            jax.ShapeDtypeStruct((B, W), jnp.float32),
            jax.ShapeDtypeStruct((B, W), jnp.int32),
        ],
    )(x, gate_w, gate_b.reshape(1, W))

    mesh = plsc.VectorSubcoreMesh(core_axis_name="c", subcore_axis_name="s")
    dw = pl.kernel(
        _route_sc_body,
        mesh=mesh,
        out_type=jax.ShapeDtypeStruct((B, W), jnp.float32),
        scratch_types=[
            pltpu.VMEM((TPW, W), jnp.float32),
            pltpu.VMEM((TPW, W), jnp.int32),
            pltpu.VMEM((TPW, W), jnp.float32),
        ],
    )(logits, keys)

    out = pl.pallas_call(
        _moe_body,
        grid=(GRID + 1,),
        in_specs=[
            pl.BlockSpec((B, I), lambda i: (0, 0)),
            pl.BlockSpec((B, W), lambda i: (0, 0)),
            pl.BlockSpec(
                (WB, O, I), lambda i: (jnp.maximum(i - 1, 0), 0, 0)
            ),
        ],
        out_specs=pl.BlockSpec((B, O), lambda i: (0, 0)),
        out_shape=jax.ShapeDtypeStruct((B, O), jnp.float32),
        scratch_shapes=[
            pltpu.VMEM((W, B), jnp.float32),
            pltpu.VMEM((O, B), jnp.float32),
        ],
    )(x, dw, tiles)
    return out

# --- scband reference (transcript-rebuilt; emitter-appended) ---
"""Pipeline reference for scband-pipe-25305947308850 (READ-ONLY COPY).

The authoritative reference and input builder live on the scoring server;
editing this copy changes nothing except your own understanding.
"""

import jax, jax.numpy as jnp
import numpy as np

BATCH = 128
INPUT_DIM = 512
OUTPUT_DIM = 512
NUM_WORKERS = 512
TOP_K = 154


def setup_inputs(seed: int = 0) -> dict:
    key = jax.random.key(seed)
    k1, k2, k3 = jax.random.split(key, 3)
    x = jax.random.normal(k1, (BATCH, INPUT_DIM), dtype=jnp.float32)
    # router gate: nn.Linear(input_dim, num_workers), weight ~ N(0, 0.01), bias = 0
    gate_w = jax.random.normal(k2, (NUM_WORKERS, INPUT_DIM), dtype=jnp.float32) * 0.01
    gate_b = jnp.zeros((NUM_WORKERS,), dtype=jnp.float32)
    # each PipeWorker tile: randn(tile_shape) * 0.01, tile_shape = (output_dim, input_dim)
    tiles = jax.random.normal(k3, (NUM_WORKERS, OUTPUT_DIM, INPUT_DIM), dtype=jnp.float32) * 0.01
    return {"x": x, "gate_w": gate_w, "gate_b": gate_b, "tiles": tiles}


def reference(x, gate_w, gate_b, tiles):
    # MicroMoERouter: gate_logits = x @ W.T + b; top-k; softmax over selected scores
    gate_logits = x @ gate_w.T + gate_b  # [B, NUM_WORKERS]
    scores, indices = jax.lax.top_k(gate_logits, TOP_K)  # [B, K], [B, K]
    weights = jax.nn.softmax(scores, axis=-1)  # [B, K]
    # Pipe.forward (use_router=True): output[b] = sum_k weights[b,k] * (x[b] @ tiles[indices[b,k]].T)
    # Mathematically identical vectorized form: compute all worker outputs then gather selected.
    all_out = jnp.einsum('bi,woi->bwo', x, tiles)  # [B, NUM_WORKERS, OUTPUT_DIM]
    sel = jnp.take_along_axis(all_out, indices[:, :, None], axis=1)  # [B, K, OUTPUT_DIM]
    output = jnp.sum(weights[:, :, None] * sel, axis=1)  # [B, OUTPUT_DIM]
    return output

if __name__ == "__main__":
    import jax
    _d = setup_inputs()
    print(jax.jit(kernel)(*tuple(_d.values())))

</pallas_src>

<mosaic_0001>
#map = affine_map<(d0, d1) -> (0, 0)>
module attributes {stable_mosaic.version = 14 : i64} {
  func.func @_route_sc_body(%arg0: i32, %arg1: i32, %arg2: memref<128x512xf32, #tpu.memory_space<hbm>>, %arg3: memref<128x512xi32, #tpu.memory_space<hbm>>, %arg4: memref<128x512xf32, #tpu.memory_space<hbm>>, %arg5: memref<4x512xf32, #tpu.memory_space<vmem>>, %arg6: memref<4x512xi32, #tpu.memory_space<vmem>>, %arg7: memref<4x512xf32, #tpu.memory_space<vmem>>) attributes {dimension_semantics = [#tpu.dimension_semantics<core_parallel>, #tpu.dimension_semantics<subcore_parallel>], iteration_bounds = array<i64: 2, 16>, scalar_prefetch = 0 : i64, scratch_operands = 3 : i64, tpu.core_type = #tpu.core_type<sc_vector_subcore>, window_params = [{transform_indices = #map}, {transform_indices = #map}, {transform_indices = #map}]} {
    %mul3A = arith.constant 2 : i32
    %mul3A_0 = arith.muli %arg1, %mul3A : i32
    %add3A = arith.addi %mul3A_0, %arg0 : i32
    %mul3A_1 = arith.constant 4 : i32
    %mul3A_2 = arith.muli %add3A, %mul3A_1 : i32
    "tpu.region"() ({
      %run_scoped3A = tpu.sem_alloc : memref<!tpu.dma_semaphore, #tpu.memory_space<semaphore_mem>>
      %dma_start3A = arith.constant 0 : i32
      %dma_start3A_321 = tpu.memref_slice %arg2[%mul3A_2, %dma_start3A] : memref<128x512xf32, #tpu.memory_space<hbm>> -> memref<4x512xf32, #tpu.memory_space<hbm>>
      %dma_start3A_322 = arith.constant 0 : i32
      %dma_start3A_323 = tpu.memref_slice %arg2[%mul3A_2, %dma_start3A_322] : memref<128x512xf32, #tpu.memory_space<hbm>> -> memref<4x512xf32, #tpu.memory_space<hbm>>
      tpu.enqueue_dma source(%dma_start3A_323 : memref<4x512xf32, #tpu.memory_space<hbm>>) target(%arg5 : memref<4x512xf32, #tpu.memory_space<vmem>>) target_semaphore(%run_scoped3A : memref<!tpu.dma_semaphore, #tpu.memory_space<semaphore_mem>>)
      %dma_wait3A = arith.constant 0 : i32
      %dma_wait3A_324 = tpu.memref_slice %arg2[%mul3A_2, %dma_wait3A] : memref<128x512xf32, #tpu.memory_space<hbm>> -> memref<4x512xf32, #tpu.memory_space<hbm>>
      %dma_wait3A_325 = arith.constant 0 : i32
      %dma_wait3A_326 = tpu.memref_slice %arg2[%mul3A_2, %dma_wait3A_325] : memref<128x512xf32, #tpu.memory_space<hbm>> -> memref<4x512xf32, #tpu.memory_space<hbm>>
      tpu.wait_dma2 semaphore(%run_scoped3A : memref<!tpu.dma_semaphore, #tpu.memory_space<semaphore_mem>>) src(%dma_wait3A_326 : memref<4x512xf32, #tpu.memory_space<hbm>>) dst(%arg5 : memref<4x512xf32, #tpu.memory_space<vmem>>)
      tpu.yield
    }) : () -> ()
    "tpu.region"() ({
      %run_scoped3A = tpu.sem_alloc : memref<!tpu.dma_semaphore, #tpu.memory_space<semaphore_mem>>
      %dma_start3A = arith.constant 0 : i32
      %dma_start3A_321 = tpu.memref_slice %arg3[%mul3A_2, %dma_start3A] : memref<128x512xi32, #tpu.memory_space<hbm>> -> memref<4x512xi32, #tpu.memory_space<hbm>>
      %dma_start3A_322 = arith.constant 0 : i32
      %dma_start3A_323 = tpu.memref_slice %arg3[%mul3A_2, %dma_start3A_322] : memref<128x512xi32, #tpu.memory_space<hbm>> -> memref<4x512xi32, #tpu.memory_space<hbm>>
      tpu.enqueue_dma source(%dma_start3A_323 : memref<4x512xi32, #tpu.memory_space<hbm>>) target(%arg6 : memref<4x512xi32, #tpu.memory_space<vmem>>) target_semaphore(%run_scoped3A : memref<!tpu.dma_semaphore, #tpu.memory_space<semaphore_mem>>)
      %dma_wait3A = arith.constant 0 : i32
      %dma_wait3A_324 = tpu.memref_slice %arg3[%mul3A_2, %dma_wait3A] : memref<128x512xi32, #tpu.memory_space<hbm>> -> memref<4x512xi32, #tpu.memory_space<hbm>>
      %dma_wait3A_325 = arith.constant 0 : i32
      %dma_wait3A_326 = tpu.memref_slice %arg3[%mul3A_2, %dma_wait3A_325] : memref<128x512xi32, #tpu.memory_space<hbm>> -> memref<4x512xi32, #tpu.memory_space<hbm>>
      tpu.wait_dma2 semaphore(%run_scoped3A : memref<!tpu.dma_semaphore, #tpu.memory_space<semaphore_mem>>) src(%dma_wait3A_326 : memref<4x512xi32, #tpu.memory_space<hbm>>) dst(%arg6 : memref<4x512xi32, #tpu.memory_space<vmem>>)
      tpu.yield
    }) : () -> ()
    %broadcast_in_dim3A = arith.constant 1 : i32
    %broadcast_in_dim3A_3 = vector.broadcast %broadcast_in_dim3A : i32 to vector<16xi32>
    %broadcast_in_dim3A_4 = arith.constant 0 : i32
    %broadcast_in_dim3A_5 = vector.broadcast %broadcast_in_dim3A_4 : i32 to vector<16xi32>
    %broadcast_in_dim3A_6 = arith.constant 154 : i32
    %broadcast_in_dim3A_7 = vector.broadcast %broadcast_in_dim3A_6 : i32 to vector<16xi32>
    %broadcast_in_dim3A_8 = arith.constant 0.000000e+00 : f32
    %broadcast_in_dim3A_9 = vector.broadcast %broadcast_in_dim3A_8 : f32 to vector<16xf32>
    %broadcast_in_dim3A_10 = arith.constant -2147483648 : i32
    %broadcast_in_dim3A_11 = vector.broadcast %broadcast_in_dim3A_10 : i32 to vector<16xi32>
    %broadcast_in_dim3A_12 = arith.constant -2147483648 : i32
    %broadcast_in_dim3A_13 = vector.broadcast %broadcast_in_dim3A_12 : i32 to vector<16xi32>
    %broadcast_in_dim3A_14 = arith.constant -2147483648 : i32
    %broadcast_in_dim3A_15 = vector.broadcast %broadcast_in_dim3A_14 : i32 to vector<16xi32>
    %broadcast_in_dim3A_16 = arith.constant -2147483648 : i32
    %broadcast_in_dim3A_17 = vector.broadcast %broadcast_in_dim3A_16 : i32 to vector<16xi32>
    %broadcast_in_dim3A_18 = arith.constant 2147483647 : i32
    %broadcast_in_dim3A_19 = vector.broadcast %broadcast_in_dim3A_18 : i32 to vector<16xi32>
    %broadcast_in_dim3A_20 = arith.constant 2147483647 : i32
    %broadcast_in_dim3A_21 = vector.broadcast %broadcast_in_dim3A_20 : i32 to vector<16xi32>
    %broadcast_in_dim3A_22 = arith.constant 2147483647 : i32
    %broadcast_in_dim3A_23 = vector.broadcast %broadcast_in_dim3A_22 : i32 to vector<16xi32>
    %broadcast_in_dim3A_24 = arith.constant 2147483647 : i32
    %broadcast_in_dim3A_25 = vector.broadcast %broadcast_in_dim3A_24 : i32 to vector<16xi32>
    %scan3A = arith.constant 0 : i32
    %scan3A_26 = arith.constant 32 : i32
    %scan3A_27 = arith.addi %scan3A, %scan3A_26 : i32
    %scan3A_28 = arith.constant 1 : i32
    %scan3A_29:8 = scf.for %scan3A_321 = %scan3A to %scan3A_27 step %scan3A_28 iter_args(%scan3A_322 = %broadcast_in_dim3A_11, %scan3A_323 = %broadcast_in_dim3A_13, %scan3A_324 = %broadcast_in_dim3A_15, %scan3A_325 = %broadcast_in_dim3A_17, %scan3A_326 = %broadcast_in_dim3A_19, %scan3A_327 = %broadcast_in_dim3A_21, %scan3A_328 = %broadcast_in_dim3A_23, %scan3A_329 = %broadcast_in_dim3A_25) -> (vector<16xi32>, vector<16xi32>, vector<16xi32>, vector<16xi32>, vector<16xi32>, vector<16xi32>, vector<16xi32>, vector<16xi32>)  : i32 {
      %shift_right_arithmetic3A = arith.shrsi %scan3A_322, %broadcast_in_dim3A_3 : vector<16xi32>
      %shift_right_arithmetic3A_330 = arith.shrsi %scan3A_326, %broadcast_in_dim3A_3 : vector<16xi32>
      %add3A_331 = arith.addi %shift_right_arithmetic3A, %shift_right_arithmetic3A_330 : vector<16xi32>
      %and3A = arith.andi %scan3A_322, %scan3A_326 : vector<16xi32>
      %and3A_332 = arith.andi %and3A, %broadcast_in_dim3A_3 : vector<16xi32>
      %add3A_333 = arith.addi %add3A_331, %and3A_332 : vector<16xi32>
      %shift_right_arithmetic3A_334 = arith.shrsi %scan3A_323, %broadcast_in_dim3A_3 : vector<16xi32>
      %shift_right_arithmetic3A_335 = arith.shrsi %scan3A_327, %broadcast_in_dim3A_3 : vector<16xi32>
      %add3A_336 = arith.addi %shift_right_arithmetic3A_334, %shift_right_arithmetic3A_335 : vector<16xi32>
      %and3A_337 = arith.andi %scan3A_323, %scan3A_327 : vector<16xi32>
      %and3A_338 = arith.andi %and3A_337, %broadcast_in_dim3A_3 : vector<16xi32>
      %add3A_339 = arith.addi %add3A_336, %and3A_338 : vector<16xi32>
      %shift_right_arithmetic3A_340 = arith.shrsi %scan3A_324, %broadcast_in_dim3A_3 : vector<16xi32>
      %shift_right_arithmetic3A_341 = arith.shrsi %scan3A_328, %broadcast_in_dim3A_3 : vector<16xi32>
      %add3A_342 = arith.addi %shift_right_arithmetic3A_340, %shift_right_arithmetic3A_341 : vector<16xi32>
      %and3A_343 = arith.andi %scan3A_324, %scan3A_328 : vector<16xi32>
      %and3A_344 = arith.andi %and3A_343, %broadcast_in_dim3A_3 : vector<16xi32>
      %add3A_345 = arith.addi %add3A_342, %and3A_344 : vector<16xi32>
      %shift_right_arithmetic3A_346 = arith.shrsi %scan3A_325, %broadcast_in_dim3A_3 : vector<16xi32>
      %shift_right_arithmetic3A_347 = arith.shrsi %scan3A_329, %broadcast_in_dim3A_3 : vector<16xi32>
      %add3A_348 = arith.addi %shift_right_arithmetic3A_346, %shift_right_arithmetic3A_347 : vector<16xi32>
      %and3A_349 = arith.andi %scan3A_325, %scan3A_329 : vector<16xi32>
      %and3A_350 = arith.andi %and3A_349, %broadcast_in_dim3A_3 : vector<16xi32>
      %add3A_351 = arith.addi %add3A_348, %and3A_350 : vector<16xi32>
      %scan3A_352 = arith.constant 0 : i32
      %scan3A_353 = arith.constant 32 : i32
      %scan3A_354 = arith.addi %scan3A_352, %scan3A_353 : i32
      %scan3A_355 = arith.constant 4 : i32
      %scan3A_356:4 = scf.for %scan3A_496 = %scan3A_352 to %scan3A_354 step %scan3A_355 iter_args(%scan3A_497 = %broadcast_in_dim3A_5, %scan3A_498 = %broadcast_in_dim3A_5, %scan3A_499 = %broadcast_in_dim3A_5, %scan3A_500 = %broadcast_in_dim3A_5) -> (vector<16xi32>, vector<16xi32>, vector<16xi32>, vector<16xi32>)  : i32 {
        %mul3A_501 = arith.constant 16 : i32
        %mul3A_502 = arith.muli %scan3A_496, %mul3A_501 : i32
        %get3A = arith.constant 0 : i32
        %get3A_503 = arith.index_cast %get3A : i32 to index
        %get3A_504 = arith.index_cast %mul3A_502 : i32 to index
        %get3A_505 = tpu.vector_load %arg6[%get3A_503, %get3A_504] {strides = array<i32>} : memref<4x512xi32, #tpu.memory_space<vmem>>, vector<1x16xi32>,
        %get3A_506 = vector.shape_cast %get3A_505 : vector<1x16xi32> to vector<16xi32>
        %ge3A_507 = arith.cmpi sge, %get3A_506, %add3A_333 : vector<16xi32>
        %select_n3A_508 = arith.select %ge3A_507, %broadcast_in_dim3A_3, %broadcast_in_dim3A_5 : vector<16xi1>, vector<16xi32>
        %add3A_509 = arith.addi %scan3A_497, %select_n3A_508 : vector<16xi32>
        %mul3A_510 = arith.constant 16 : i32
        %mul3A_511 = arith.muli %scan3A_496, %mul3A_510 : i32
        %get3A_512 = arith.constant 1 : i32
        %get3A_513 = arith.index_cast %get3A_512 : i32 to index
        %get3A_514 = arith.index_cast %mul3A_511 : i32 to index
        %get3A_515 = tpu.vector_load %arg6[%get3A_513, %get3A_514] {strides = array<i32>} : memref<4x512xi32, #tpu.memory_space<vmem>>, vector<1x16xi32>,
        %get3A_516 = vector.shape_cast %get3A_515 : vector<1x16xi32> to vector<16xi32>
        %ge3A_517 = arith.cmpi sge, %get3A_516, %add3A_339 : vector<16xi32>
        %select_n3A_518 = arith.select %ge3A_517, %broadcast_in_dim3A_3, %broadcast_in_dim3A_5 : vector<16xi1>, vector<16xi32>
        %add3A_519 = arith.addi %scan3A_498, %select_n3A_518 : vector<16xi32>
        %mul3A_520 = arith.constant 16 : i32
        %mul3A_521 = arith.muli %scan3A_496, %mul3A_520 : i32
        %get3A_522 = arith.constant 2 : i32
        %get3A_523 = arith.index_cast %get3A_522 : i32 to index
        %get3A_524 = arith.index_cast %mul3A_521 : i32 to index
        %get3A_525 = tpu.vector_load %arg6[%get3A_523, %get3A_524] {strides = array<i32>} : memref<4x512xi32, #tpu.memory_space<vmem>>, vector<1x16xi32>,
        %get3A_526 = vector.shape_cast %get3A_525 : vector<1x16xi32> to vector<16xi32>
        %ge3A_527 = arith.cmpi sge, %get3A_526, %add3A_345 : vector<16xi32>
        %select_n3A_528 = arith.select %ge3A_527, %broadcast_in_dim3A_3, %broadcast_in_dim3A_5 : vector<16xi1>, vector<16xi32>
        %add3A_529 = arith.addi %scan3A_499, %select_n3A_528 : vector<16xi32>
        %mul3A_530 = arith.constant 16 : i32
        %mul3A_531 = arith.muli %scan3A_496, %mul3A_530 : i32
        %get3A_532 = arith.constant 3 : i32
        %get3A_533 = arith.index_cast %get3A_532 : i32 to index
        %get3A_534 = arith.index_cast %mul3A_531 : i32 to index
        %get3A_535 = tpu.vector_load %arg6[%get3A_533, %get3A_534] {strides = array<i32>} : memref<4x512xi32, #tpu.memory_space<vmem>>, vector<1x16xi32>,
        %get3A_536 = vector.shape_cast %get3A_535 : vector<1x16xi32> to vector<16xi32>
        %ge3A_537 = arith.cmpi sge, %get3A_536, %add3A_351 : vector<16xi32>
        %select_n3A_538 = arith.select %ge3A_537, %broadcast_in_dim3A_3, %broadcast_in_dim3A_5 : vector<16xi1>, vector<16xi32>
        %add3A_539 = arith.addi %scan3A_500, %select_n3A_538 : vector<16xi32>
        %scan3A_540 = arith.constant 1 : i32
        %scan3A_541 = arith.addi %scan3A_496, %scan3A_540 : i32
        %mul3A_542 = arith.constant 16 : i32
        %mul3A_543 = arith.muli %scan3A_541, %mul3A_542 : i32
        %get3A_544 = arith.constant 0 : i32
        %get3A_545 = arith.index_cast %get3A_544 : i32 to index
        %get3A_546 = arith.index_cast %mul3A_543 : i32 to index
        %get3A_547 = tpu.vector_load %arg6[%get3A_545, %get3A_546] {strides = array<i32>} : memref<4x512xi32, #tpu.memory_space<vmem>>, vector<1x16xi32>,
        %get3A_548 = vector.shape_cast %get3A_547 : vector<1x16xi32> to vector<16xi32>
        %ge3A_549 = arith.cmpi sge, %get3A_548, %add3A_333 : vector<16xi32>
        %select_n3A_550 = arith.select %ge3A_549, %broadcast_in_dim3A_3, %broadcast_in_dim3A_5 : vector<16xi1>, vector<16xi32>
        %add3A_551 = arith.addi %add3A_509, %select_n3A_550 : vector<16xi32>
        %mul3A_552 = arith.constant 16 : i32
        %mul3A_553 = arith.muli %scan3A_541, %mul3A_552 : i32
        %get3A_554 = arith.constant 1 : i32
        %get3A_555 = arith.index_cast %get3A_554 : i32 to index
        %get3A_556 = arith.index_cast %mul3A_553 : i32 to index
        %get3A_557 = tpu.vector_load %arg6[%get3A_555, %get3A_556] {strides = array<i32>} : memref<4x512xi32, #tpu.memory_space<vmem>>, vector<1x16xi32>,
        %get3A_558 = vector.shape_cast %get3A_557 : vector<1x16xi32> to vector<16xi32>
        %ge3A_559 = arith.cmpi sge, %get3A_558, %add3A_339 : vector<16xi32>
        %select_n3A_560 = arith.select %ge3A_559, %broadcast_in_dim3A_3, %broadcast_in_dim3A_5 : vector<16xi1>, vector<16xi32>
        %add3A_561 = arith.addi %add3A_519, %select_n3A_560 : vector<16xi32>
        %mul3A_562 = arith.constant 16 : i32
        %mul3A_563 = arith.muli %scan3A_541, %mul3A_562 : i32
        %get3A_564 = arith.constant 2 : i32
        %get3A_565 = arith.index_cast %get3A_564 : i32 to index
        %get3A_566 = arith.index_cast %mul3A_563 : i32 to index
        %get3A_567 = tpu.vector_load %arg6[%get3A_565, %get3A_566] {strides = array<i32>} : memref<4x512xi32, #tpu.memory_space<vmem>>, vector<1x16xi32>,
        %get3A_568 = vector.shape_cast %get3A_567 : vector<1x16xi32> to vector<16xi32>
        %ge3A_569 = arith.cmpi sge, %get3A_568, %add3A_345 : vector<16xi32>
        %select_n3A_570 = arith.select %ge3A_569, %broadcast_in_dim3A_3, %broadcast_in_dim3A_5 : vector<16xi1>, vector<16xi32>
        %add3A_571 = arith.addi %add3A_529, %select_n3A_570 : vector<16xi32>
        %mul3A_572 = arith.constant 16 : i32
        %mul3A_573 = arith.muli %scan3A_541, %mul3A_572 : i32
        %get3A_574 = arith.constant 3 : i32
        %get3A_575 = arith.index_cast %get3A_574 : i32 to index
        %get3A_576 = arith.index_cast %mul3A_573 : i32 to index
        %get3A_577 = tpu.vector_load %arg6[%get3A_575, %get3A_576] {strides = array<i32>} : memref<4x512xi32, #tpu.memory_space<vmem>>, vector<1x16xi32>,
        %get3A_578 = vector.shape_cast %get3A_577 : vector<1x16xi32> to vector<16xi32>
        %ge3A_579 = arith.cmpi sge, %get3A_578, %add3A_351 : vector<16xi32>
        %select_n3A_580 = arith.select %ge3A_579, %broadcast_in_dim3A_3, %broadcast_in_dim3A_5 : vector<16xi1>, vector<16xi32>
        %add3A_581 = arith.addi %add3A_539, %select_n3A_580 : vector<16xi32>
        %scan3A_582 = arith.constant 2 : i32
        %scan3A_583 = arith.addi %scan3A_496, %scan3A_582 : i32
        %mul3A_584 = arith.constant 16 : i32
        %mul3A_585 = arith.muli %scan3A_583, %mul3A_584 : i32
        %get3A_586 = arith.constant 0 : i32
        %get3A_587 = arith.index_cast %get3A_586 : i32 to index
        %get3A_588 = arith.index_cast %mul3A_585 : i32 to index
        %get3A_589 = tpu.vector_load %arg6[%get3A_587, %get3A_588] {strides = array<i32>} : memref<4x512xi32, #tpu.memory_space<vmem>>, vector<1x16xi32>,
        %get3A_590 = vector.shape_cast %get3A_589 : vector<1x16xi32> to vector<16xi32>
        %ge3A_591 = arith.cmpi sge, %get3A_590, %add3A_333 : vector<16xi32>
        %select_n3A_592 = arith.select %ge3A_591, %broadcast_in_dim3A_3, %broadcast_in_dim3A_5 : vector<16xi1>, vector<16xi32>
        %add3A_593 = arith.addi %add3A_551, %select_n3A_592 : vector<16xi32>
        %mul3A_594 = arith.constant 16 : i32
        %mul3A_595 = arith.muli %scan3A_583, %mul3A_594 : i32
        %get3A_596 = arith.constant 1 : i32
        %get3A_597 = arith.index_cast %get3A_596 : i32 to index
        %get3A_598 = arith.index_cast %mul3A_595 : i32 to index
        %get3A_599 = tpu.vector_load %arg6[%get3A_597, %get3A_598] {strides = array<i32>} : memref<4x512xi32, #tpu.memory_space<vmem>>, vector<1x16xi32>,
        %get3A_600 = vector.shape_cast %get3A_599 : vector<1x16xi32> to vector<16xi32>
        %ge3A_601 = arith.cmpi sge, %get3A_600, %add3A_339 : vector<16xi32>
        %select_n3A_602 = arith.select %ge3A_601, %broadcast_in_dim3A_3, %broadcast_in_dim3A_5 : vector<16xi1>, vector<16xi32>
        %add3A_603 = arith.addi %add3A_561, %select_n3A_602 : vector<16xi32>
        %mul3A_604 = arith.constant 16 : i32
        %mul3A_605 = arith.muli %scan3A_583, %mul3A_604 : i32
        %get3A_606 = arith.constant 2 : i32
        %get3A_607 = arith.index_cast %get3A_606 : i32 to index
        %get3A_608 = arith.index_cast %mul3A_605 : i32 to index
        %get3A_609 = tpu.vector_load %arg6[%get3A_607, %get3A_608] {strides = array<i32>} : memref<4x512xi32, #tpu.memory_space<vmem>>, vector<1x16xi32>,
        %get3A_610 = vector.shape_cast %get3A_609 : vector<1x16xi32> to vector<16xi32>
        %ge3A_611 = arith.cmpi sge, %get3A_610, %add3A_345 : vector<16xi32>
        %select_n3A_612 = arith.select %ge3A_611, %broadcast_in_dim3A_3, %broadcast_in_dim3A_5 : vector<16xi1>, vector<16xi32>
        %add3A_613 = arith.addi %add3A_571, %select_n3A_612 : vector<16xi32>
        %mul3A_614 = arith.constant 16 : i32
        %mul3A_615 = arith.muli %scan3A_583, %mul3A_614 : i32
        %get3A_616 = arith.constant 3 : i32
        %get3A_617 = arith.index_cast %get3A_616 : i32 to index
        %get3A_618 = arith.index_cast %mul3A_615 : i32 to index
        %get3A_619 = tpu.vector_load %arg6[%get3A_617, %get3A_618] {strides = array<i32>} : memref<4x512xi32, #tpu.memory_space<vmem>>, vector<1x16xi32>,
        %get3A_620 = vector.shape_cast %get3A_619 : vector<1x16xi32> to vector<16xi32>
        %ge3A_621 = arith.cmpi sge, %get3A_620, %add3A_351 : vector<16xi32>
        %select_n3A_622 = arith.select %ge3A_621, %broadcast_in_dim3A_3, %broadcast_in_dim3A_5 : vector<16xi1>, vector<16xi32>
        %add3A_623 = arith.addi %add3A_581, %select_n3A_622 : vector<16xi32>
        %scan3A_624 = arith.constant 3 : i32
        %scan3A_625 = arith.addi %scan3A_496, %scan3A_624 : i32
        %mul3A_626 = arith.constant 16 : i32
        %mul3A_627 = arith.muli %scan3A_625, %mul3A_626 : i32
        %get3A_628 = arith.constant 0 : i32
        %get3A_629 = arith.index_cast %get3A_628 : i32 to index
        %get3A_630 = arith.index_cast %mul3A_627 : i32 to index
        %get3A_631 = tpu.vector_load %arg6[%get3A_629, %get3A_630] {strides = array<i32>} : memref<4x512xi32, #tpu.memory_space<vmem>>, vector<1x16xi32>,
        %get3A_632 = vector.shape_cast %get3A_631 : vector<1x16xi32> to vector<16xi32>
        %ge3A_633 = arith.cmpi sge, %get3A_632, %add3A_333 : vector<16xi32>
        %select_n3A_634 = arith.select %ge3A_633, %broadcast_in_dim3A_3, %broadcast_in_dim3A_5 : vector<16xi1>, vector<16xi32>
        %add3A_635 = arith.addi %add3A_593, %select_n3A_634 : vector<16xi32>
        %mul3A_636 = arith.constant 16 : i32
        %mul3A_637 = arith.muli %scan3A_625, %mul3A_636 : i32
        %get3A_638 = arith.constant 1 : i32
        %get3A_639 = arith.index_cast %get3A_638 : i32 to index
        %get3A_640 = arith.index_cast %mul3A_637 : i32 to index
        %get3A_641 = tpu.vector_load %arg6[%get3A_639, %get3A_640] {strides = array<i32>} : memref<4x512xi32, #tpu.memory_space<vmem>>, vector<1x16xi32>,
        %get3A_642 = vector.shape_cast %get3A_641 : vector<1x16xi32> to vector<16xi32>
        %ge3A_643 = arith.cmpi sge, %get3A_642, %add3A_339 : vector<16xi32>
        %select_n3A_644 = arith.select %ge3A_643, %broadcast_in_dim3A_3, %broadcast_in_dim3A_5 : vector<16xi1>, vector<16xi32>
        %add3A_645 = arith.addi %add3A_603, %select_n3A_644 : vector<16xi32>
        %mul3A_646 = arith.constant 16 : i32
        %mul3A_647 = arith.muli %scan3A_625, %mul3A_646 : i32
        %get3A_648 = arith.constant 2 : i32
        %get3A_649 = arith.index_cast %get3A_648 : i32 to index
        %get3A_650 = arith.index_cast %mul3A_647 : i32 to index
        %get3A_651 = tpu.vector_load %arg6[%get3A_649, %get3A_650] {strides = array<i32>} : memref<4x512xi32, #tpu.memory_space<vmem>>, vector<1x16xi32>,
        %get3A_652 = vector.shape_cast %get3A_651 : vector<1x16xi32> to vector<16xi32>
        %ge3A_653 = arith.cmpi sge, %get3A_652, %add3A_345 : vector<16xi32>
        %select_n3A_654 = arith.select %ge3A_653, %broadcast_in_dim3A_3, %broadcast_in_dim3A_5 : vector<16xi1>, vector<16xi32>
        %add3A_655 = arith.addi %add3A_613, %select_n3A_654 : vector<16xi32>
        %mul3A_656 = arith.constant 16 : i32
        %mul3A_657 = arith.muli %scan3A_625, %mul3A_656 : i32
        %get3A_658 = arith.constant 3 : i32
        %get3A_659 = arith.index_cast %get3A_658 : i32 to index
        %get3A_660 = arith.index_cast %mul3A_657 : i32 to index
        %get3A_661 = tpu.vector_load %arg6[%get3A_659, %get3A_660] {strides = array<i32>} : memref<4x512xi32, #tpu.memory_space<vmem>>, vector<1x16xi32>,
        %get3A_662 = vector.shape_cast %get3A_661 : vector<1x16xi32> to vector<16xi32>
        %ge3A_663 = arith.cmpi sge, %get3A_662, %add3A_351 : vector<16xi32>
        %select_n3A_664 = arith.select %ge3A_663, %broadcast_in_dim3A_3, %broadcast_in_dim3A_5 : vector<16xi1>, vector<16xi32>
        %add3A_665 = arith.addi %add3A_623, %select_n3A_664 : vector<16xi32>
        scf.yield %add3A_635, %add3A_645, %add3A_655, %add3A_665 : vector<16xi32>, vector<16xi32>, vector<16xi32>, vector<16xi32>
      }
      %scan3A_357 = arith.constant 32 : i32
      %iota3A_358 = tpu.iota {dimensions = array<i32: 0>} : vector<16xi32>
      %broadcast_in_dim3A_359 = arith.constant 8 : i32
      %broadcast_in_dim3A_360 = vector.broadcast %broadcast_in_dim3A_359 : i32 to vector<16xi32>
      %xor3A_361 = arith.xori %iota3A_358, %broadcast_in_dim3A_360 : vector<16xi32>
      %broadcast_in_dim3A_362 = vector.shape_cast %xor3A_361 : vector<16xi32> to vector<16x1xi32>
      %gather3A_363 = vector.shape_cast %broadcast_in_dim3A_362 : vector<16x1xi32> to vector<16xi32>
      %gather3A_364 = tpu.dynamic_gather %scan3A_356#0[%gather3A_363] in [0] : vector<16xi32>, vector<16xi32> -> vector<16xi32>
      %add3A_365 = arith.addi %scan3A_356#0, %gather3A_364 : vector<16xi32>
      %iota3A_366 = tpu.iota {dimensions = array<i32: 0>} : vector<16xi32>
      %broadcast_in_dim3A_367 = arith.constant 4 : i32
      %broadcast_in_dim3A_368 = vector.broadcast %broadcast_in_dim3A_367 : i32 to vector<16xi32>
      %xor3A_369 = arith.xori %iota3A_366, %broadcast_in_dim3A_368 : vector<16xi32>
      %broadcast_in_dim3A_370 = vector.shape_cast %xor3A_369 : vector<16xi32> to vector<16x1xi32>
      %gather3A_371 = vector.shape_cast %broadcast_in_dim3A_370 : vector<16x1xi32> to vector<16xi32>
      %gather3A_372 = tpu.dynamic_gather %add3A_365[%gather3A_371] in [0] : vector<16xi32>, vector<16xi32> -> vector<16xi32>
      %add3A_373 = arith.addi %add3A_365, %gather3A_372 : vector<16xi32>
      %iota3A_374 = tpu.iota {dimensions = array<i32: 0>} : vector<16xi32>
      %broadcast_in_dim3A_375 = arith.constant 2 : i32
      %broadcast_in_dim3A_376 = vector.broadcast %broadcast_in_dim3A_375 : i32 to vector<16xi32>
      %xor3A_377 = arith.xori %iota3A_374, %broadcast_in_dim3A_376 : vector<16xi32>
      %broadcast_in_dim3A_378 = vector.shape_cast %xor3A_377 : vector<16xi32> to vector<16x1xi32>
      %gather3A_379 = vector.shape_cast %broadcast_in_dim3A_378 : vector<16x1xi32> to vector<16xi32>
      %gather3A_380 = tpu.dynamic_gather %add3A_373[%gather3A_379] in [0] : vector<16xi32>, vector<16xi32> -> vector<16xi32>
      %add3A_381 = arith.addi %add3A_373, %gather3A_380 : vector<16xi32>
      %iota3A_382 = tpu.iota {dimensions = array<i32: 0>} : vector<16xi32>
      %broadcast_in_dim3A_383 = arith.constant 1 : i32
      %broadcast_in_dim3A_384 = vector.broadcast %broadcast_in_dim3A_383 : i32 to vector<16xi32>
      %xor3A_385 = arith.xori %iota3A_382, %broadcast_in_dim3A_384 : vector<16xi32>
      %broadcast_in_dim3A_386 = vector.shape_cast %xor3A_385 : vector<16xi32> to vector<16x1xi32>
      %gather3A_387 = vector.shape_cast %broadcast_in_dim3A_386 : vector<16x1xi32> to vector<16xi32>
      %gather3A_388 = tpu.dynamic_gather %add3A_381[%gather3A_387] in [0] : vector<16xi32>, vector<16xi32> -> vector<16xi32>
      %add3A_389 = arith.addi %add3A_381, %gather3A_388 : vector<16xi32>
      %ge3A = arith.cmpi sge, %add3A_389, %broadcast_in_dim3A_7 : vector<16xi32>
      %iota3A_390 = tpu.iota {dimensions = array<i32: 0>} : vector<16xi32>
      %broadcast_in_dim3A_391 = arith.constant 8 : i32
      %broadcast_in_dim3A_392 = vector.broadcast %broadcast_in_dim3A_391 : i32 to vector<16xi32>
      %xor3A_393 = arith.xori %iota3A_390, %broadcast_in_dim3A_392 : vector<16xi32>
      %broadcast_in_dim3A_394 = vector.shape_cast %xor3A_393 : vector<16xi32> to vector<16x1xi32>
      %gather3A_395 = vector.shape_cast %broadcast_in_dim3A_394 : vector<16x1xi32> to vector<16xi32>
      %gather3A_396 = tpu.dynamic_gather %scan3A_356#1[%gather3A_395] in [0] : vector<16xi32>, vector<16xi32> -> vector<16xi32>
      %add3A_397 = arith.addi %scan3A_356#1, %gather3A_396 : vector<16xi32>
      %iota3A_398 = tpu.iota {dimensions = array<i32: 0>} : vector<16xi32>
      %broadcast_in_dim3A_399 = arith.constant 4 : i32
      %broadcast_in_dim3A_400 = vector.broadcast %broadcast_in_dim3A_399 : i32 to vector<16xi32>
      %xor3A_401 = arith.xori %iota3A_398, %broadcast_in_dim3A_400 : vector<16xi32>
      %broadcast_in_dim3A_402 = vector.shape_cast %xor3A_401 : vector<16xi32> to vector<16x1xi32>
      %gather3A_403 = vector.shape_cast %broadcast_in_dim3A_402 : vector<16x1xi32> to vector<16xi32>
      %gather3A_404 = tpu.dynamic_gather %add3A_397[%gather3A_403] in [0] : vector<16xi32>, vector<16xi32> -> vector<16xi32>
      %add3A_405 = arith.addi %add3A_397, %gather3A_404 : vector<16xi32>
      %iota3A_406 = tpu.iota {dimensions = array<i32: 0>} : vector<16xi32>
      %broadcast_in_dim3A_407 = arith.constant 2 : i32
      %broadcast_in_dim3A_408 = vector.broadcast %broadcast_in_dim3A_407 : i32 to vector<16xi32>
      %xor3A_409 = arith.xori %iota3A_406, %broadcast_in_dim3A_408 : vector<16xi32>
      %broadcast_in_dim3A_410 = vector.shape_cast %xor3A_409 : vector<16xi32> to vector<16x1xi32>
      %gather3A_411 = vector.shape_cast %broadcast_in_dim3A_410 : vector<16x1xi32> to vector<16xi32>
      %gather3A_412 = tpu.dynamic_gather %add3A_405[%gather3A_411] in [0] : vector<16xi32>, vector<16xi32> -> vector<16xi32>
      %add3A_413 = arith.addi %add3A_405, %gather3A_412 : vector<16xi32>
      %iota3A_414 = tpu.iota {dimensions = array<i32: 0>} : vector<16xi32>
      %broadcast_in_dim3A_415 = arith.constant 1 : i32
      %broadcast_in_dim3A_416 = vector.broadcast %broadcast_in_dim3A_415 : i32 to vector<16xi32>
      %xor3A_417 = arith.xori %iota3A_414, %broadcast_in_dim3A_416 : vector<16xi32>
      %broadcast_in_dim3A_418 = vector.shape_cast %xor3A_417 : vector<16xi32> to vector<16x1xi32>
      %gather3A_419 = vector.shape_cast %broadcast_in_dim3A_418 : vector<16x1xi32> to vector<16xi32>
      %gather3A_420 = tpu.dynamic_gather %add3A_413[%gather3A_419] in [0] : vector<16xi32>, vector<16xi32> -> vector<16xi32>
      %add3A_421 = arith.addi %add3A_413, %gather3A_420 : vector<16xi32>
      %ge3A_422 = arith.cmpi sge, %add3A_421, %broadcast_in_dim3A_7 : vector<16xi32>
      %iota3A_423 = tpu.iota {dimensions = array<i32: 0>} : vector<16xi32>
      %broadcast_in_dim3A_424 = arith.constant 8 : i32
      %broadcast_in_dim3A_425 = vector.broadcast %broadcast_in_dim3A_424 : i32 to vector<16xi32>
      %xor3A_426 = arith.xori %iota3A_423, %broadcast_in_dim3A_425 : vector<16xi32>
      %broadcast_in_dim3A_427 = vector.shape_cast %xor3A_426 : vector<16xi32> to vector<16x1xi32>
      %gather3A_428 = vector.shape_cast %broadcast_in_dim3A_427 : vector<16x1xi32> to vector<16xi32>
      %gather3A_429 = tpu.dynamic_gather %scan3A_356#2[%gather3A_428] in [0] : vector<16xi32>, vector<16xi32> -> vector<16xi32>
      %add3A_430 = arith.addi %scan3A_356#2, %gather3A_429 : vector<16xi32>
      %iota3A_431 = tpu.iota {dimensions = array<i32: 0>} : vector<16xi32>
      %broadcast_in_dim3A_432 = arith.constant 4 : i32
      %broadcast_in_dim3A_433 = vector.broadcast %broadcast_in_dim3A_432 : i32 to vector<16xi32>
      %xor3A_434 = arith.xori %iota3A_431, %broadcast_in_dim3A_433 : vector<16xi32>
      %broadcast_in_dim3A_435 = vector.shape_cast %xor3A_434 : vector<16xi32> to vector<16x1xi32>
      %gather3A_436 = vector.shape_cast %broadcast_in_dim3A_435 : vector<16x1xi32> to vector<16xi32>
      %gather3A_437 = tpu.dynamic_gather %add3A_430[%gather3A_436] in [0] : vector<16xi32>, vector<16xi32> -> vector<16xi32>
      %add3A_438 = arith.addi %add3A_430, %gather3A_437 : vector<16xi32>
      %iota3A_439 = tpu.iota {dimensions = array<i32: 0>} : vector<16xi32>
      %broadcast_in_dim3A_440 = arith.constant 2 : i32
      %broadcast_in_dim3A_441 = vector.broadcast %broadcast_in_dim3A_440 : i32 to vector<16xi32>
      %xor3A_442 = arith.xori %iota3A_439, %broadcast_in_dim3A_441 : vector<16xi32>
      %broadcast_in_dim3A_443 = vector.shape_cast %xor3A_442 : vector<16xi32> to vector<16x1xi32>
      %gather3A_444 = vector.shape_cast %broadcast_in_dim3A_443 : vector<16x1xi32> to vector<16xi32>
      %gather3A_445 = tpu.dynamic_gather %add3A_438[%gather3A_444] in [0] : vector<16xi32>, vector<16xi32> -> vector<16xi32>
      %add3A_446 = arith.addi %add3A_438, %gather3A_445 : vector<16xi32>
      %iota3A_447 = tpu.iota {dimensions = array<i32: 0>} : vector<16xi32>
      %broadcast_in_dim3A_448 = arith.constant 1 : i32
      %broadcast_in_dim3A_449 = vector.broadcast %broadcast_in_dim3A_448 : i32 to vector<16xi32>
      %xor3A_450 = arith.xori %iota3A_447, %broadcast_in_dim3A_449 : vector<16xi32>
      %broadcast_in_dim3A_451 = vector.shape_cast %xor3A_450 : vector<16xi32> to vector<16x1xi32>
      %gather3A_452 = vector.shape_cast %broadcast_in_dim3A_451 : vector<16x1xi32> to vector<16xi32>
      %gather3A_453 = tpu.dynamic_gather %add3A_446[%gather3A_452] in [0] : vector<16xi32>, vector<16xi32> -> vector<16xi32>
      %add3A_454 = arith.addi %add3A_446, %gather3A_453 : vector<16xi32>
      %ge3A_455 = arith.cmpi sge, %add3A_454, %broadcast_in_dim3A_7 : vector<16xi32>
      %iota3A_456 = tpu.iota {dimensions = array<i32: 0>} : vector<16xi32>
      %broadcast_in_dim3A_457 = arith.constant 8 : i32
      %broadcast_in_dim3A_458 = vector.broadcast %broadcast_in_dim3A_457 : i32 to vector<16xi32>
      %xor3A_459 = arith.xori %iota3A_456, %broadcast_in_dim3A_458 : vector<16xi32>
      %broadcast_in_dim3A_460 = vector.shape_cast %xor3A_459 : vector<16xi32> to vector<16x1xi32>
      %gather3A_461 = vector.shape_cast %broadcast_in_dim3A_460 : vector<16x1xi32> to vector<16xi32>
      %gather3A_462 = tpu.dynamic_gather %scan3A_356#3[%gather3A_461] in [0] : vector<16xi32>, vector<16xi32> -> vector<16xi32>
      %add3A_463 = arith.addi %scan3A_356#3, %gather3A_462 : vector<16xi32>
      %iota3A_464 = tpu.iota {dimensions = array<i32: 0>} : vector<16xi32>
      %broadcast_in_dim3A_465 = arith.constant 4 : i32
      %broadcast_in_dim3A_466 = vector.broadcast %broadcast_in_dim3A_465 : i32 to vector<16xi32>
      %xor3A_467 = arith.xori %iota3A_464, %broadcast_in_dim3A_466 : vector<16xi32>
      %broadcast_in_dim3A_468 = vector.shape_cast %xor3A_467 : vector<16xi32> to vector<16x1xi32>
      %gather3A_469 = vector.shape_cast %broadcast_in_dim3A_468 : vector<16x1xi32> to vector<16xi32>
      %gather3A_470 = tpu.dynamic_gather %add3A_463[%gather3A_469] in [0] : vector<16xi32>, vector<16xi32> -> vector<16xi32>
      %add3A_471 = arith.addi %add3A_463, %gather3A_470 : vector<16xi32>
      %iota3A_472 = tpu.iota {dimensions = array<i32: 0>} : vector<16xi32>
      %broadcast_in_dim3A_473 = arith.constant 2 : i32
      %broadcast_in_dim3A_474 = vector.broadcast %broadcast_in_dim3A_473 : i32 to vector<16xi32>
      %xor3A_475 = arith.xori %iota3A_472, %broadcast_in_dim3A_474 : vector<16xi32>
      %broadcast_in_dim3A_476 = vector.shape_cast %xor3A_475 : vector<16xi32> to vector<16x1xi32>
      %gather3A_477 = vector.shape_cast %broadcast_in_dim3A_476 : vector<16x1xi32> to vector<16xi32>
      %gather3A_478 = tpu.dynamic_gather %add3A_471[%gather3A_477] in [0] : vector<16xi32>, vector<16xi32> -> vector<16xi32>
      %add3A_479 = arith.addi %add3A_471, %gather3A_478 : vector<16xi32>
      %iota3A_480 = tpu.iota {dimensions = array<i32: 0>} : vector<16xi32>
      %broadcast_in_dim3A_481 = arith.constant 1 : i32
      %broadcast_in_dim3A_482 = vector.broadcast %broadcast_in_dim3A_481 : i32 to vector<16xi32>
      %xor3A_483 = arith.xori %iota3A_480, %broadcast_in_dim3A_482 : vector<16xi32>
      %broadcast_in_dim3A_484 = vector.shape_cast %xor3A_483 : vector<16xi32> to vector<16x1xi32>
      %gather3A_485 = vector.shape_cast %broadcast_in_dim3A_484 : vector<16x1xi32> to vector<16xi32>
      %gather3A_486 = tpu.dynamic_gather %add3A_479[%gather3A_485] in [0] : vector<16xi32>, vector<16xi32> -> vector<16xi32>
      %add3A_487 = arith.addi %add3A_479, %gather3A_486 : vector<16xi32>
      %ge3A_488 = arith.cmpi sge, %add3A_487, %broadcast_in_dim3A_7 : vector<16xi32>
      %select_n3A = arith.select %ge3A, %add3A_333, %scan3A_322 : vector<16xi1>, vector<16xi32>
      %select_n3A_489 = arith.select %ge3A_422, %add3A_339, %scan3A_323 : vector<16xi1>, vector<16xi32>
      %select_n3A_490 = arith.select %ge3A_455, %add3A_345, %scan3A_324 : vector<16xi1>, vector<16xi32>
      %select_n3A_491 = arith.select %ge3A_488, %add3A_351, %scan3A_325 : vector<16xi1>, vector<16xi32>
      %select_n3A_492 = arith.select %ge3A, %scan3A_326, %add3A_333 : vector<16xi1>, vector<16xi32>
      %select_n3A_493 = arith.select %ge3A_422, %scan3A_327, %add3A_339 : vector<16xi1>, vector<16xi32>
      %select_n3A_494 = arith.select %ge3A_455, %scan3A_328, %add3A_345 : vector<16xi1>, vector<16xi32>
      %select_n3A_495 = arith.select %ge3A_488, %scan3A_329, %add3A_351 : vector<16xi1>, vector<16xi32>
      scf.yield %select_n3A, %select_n3A_489, %select_n3A_490, %select_n3A_491, %select_n3A_492, %select_n3A_493, %select_n3A_494, %select_n3A_495 : vector<16xi32>, vector<16xi32>, vector<16xi32>, vector<16xi32>, vector<16xi32>, vector<16xi32>, vector<16xi32>, vector<16xi32>
    }
    %scan3A_30 = arith.constant 32 : i32
    %broadcast_in_dim3A_31 = arith.constant -3.000000e+38 : f32
    %broadcast_in_dim3A_32 = vector.broadcast %broadcast_in_dim3A_31 : f32 to vector<16xf32>
    %broadcast_in_dim3A_33 = arith.constant -3.000000e+38 : f32
    %broadcast_in_dim3A_34 = vector.broadcast %broadcast_in_dim3A_33 : f32 to vector<16xf32>
    %broadcast_in_dim3A_35 = arith.constant -3.000000e+38 : f32
    %broadcast_in_dim3A_36 = vector.broadcast %broadcast_in_dim3A_35 : f32 to vector<16xf32>
    %broadcast_in_dim3A_37 = arith.constant -3.000000e+38 : f32
    %broadcast_in_dim3A_38 = vector.broadcast %broadcast_in_dim3A_37 : f32 to vector<16xf32>
    %scan3A_39 = arith.constant 0 : i32
    %scan3A_40 = arith.constant 32 : i32
    %scan3A_41 = arith.addi %scan3A_39, %scan3A_40 : i32
    %scan3A_42 = arith.constant 4 : i32
    %scan3A_43:4 = scf.for %scan3A_321 = %scan3A_39 to %scan3A_41 step %scan3A_42 iter_args(%scan3A_322 = %broadcast_in_dim3A_32, %scan3A_323 = %broadcast_in_dim3A_34, %scan3A_324 = %broadcast_in_dim3A_36, %scan3A_325 = %broadcast_in_dim3A_38) -> (vector<16xf32>, vector<16xf32>, vector<16xf32>, vector<16xf32>)  : i32 {
      %mul3A_326 = arith.constant 16 : i32
      %mul3A_327 = arith.muli %scan3A_321, %mul3A_326 : i32
      %get3A = arith.constant 0 : i32
      %get3A_328 = arith.index_cast %get3A : i32 to index
      %get3A_329 = arith.index_cast %mul3A_327 : i32 to index
      %get3A_330 = tpu.vector_load %arg5[%get3A_328, %get3A_329] {strides = array<i32>} : memref<4x512xf32, #tpu.memory_space<vmem>>, vector<1x16xf32>,
      %get3A_331 = vector.shape_cast %get3A_330 : vector<1x16xf32> to vector<16xf32>
      %max3A_332 = arith.maximumf %scan3A_322, %get3A_331 : vector<16xf32>
      %mul3A_333 = arith.constant 16 : i32
      %mul3A_334 = arith.muli %scan3A_321, %mul3A_333 : i32
      %get3A_335 = arith.constant 1 : i32
      %get3A_336 = arith.index_cast %get3A_335 : i32 to index
      %get3A_337 = arith.index_cast %mul3A_334 : i32 to index
      %get3A_338 = tpu.vector_load %arg5[%get3A_336, %get3A_337] {strides = array<i32>} : memref<4x512xf32, #tpu.memory_space<vmem>>, vector<1x16xf32>,
      %get3A_339 = vector.shape_cast %get3A_338 : vector<1x16xf32> to vector<16xf32>
      %max3A_340 = arith.maximumf %scan3A_323, %get3A_339 : vector<16xf32>
      %mul3A_341 = arith.constant 16 : i32
      %mul3A_342 = arith.muli %scan3A_321, %mul3A_341 : i32
      %get3A_343 = arith.constant 2 : i32
      %get3A_344 = arith.index_cast %get3A_343 : i32 to index
      %get3A_345 = arith.index_cast %mul3A_342 : i32 to index
      %get3A_346 = tpu.vector_load %arg5[%get3A_344, %get3A_345] {strides = array<i32>} : memref<4x512xf32, #tpu.memory_space<vmem>>, vector<1x16xf32>,
      %get3A_347 = vector.shape_cast %get3A_346 : vector<1x16xf32> to vector<16xf32>
      %max3A_348 = arith.maximumf %scan3A_324, %get3A_347 : vector<16xf32>
      %mul3A_349 = arith.constant 16 : i32
      %mul3A_350 = arith.muli %scan3A_321, %mul3A_349 : i32
      %get3A_351 = arith.constant 3 : i32
      %get3A_352 = arith.index_cast %get3A_351 : i32 to index
      %get3A_353 = arith.index_cast %mul3A_350 : i32 to index
      %get3A_354 = tpu.vector_load %arg5[%get3A_352, %get3A_353] {strides = array<i32>} : memref<4x512xf32, #tpu.memory_space<vmem>>, vector<1x16xf32>,
      %get3A_355 = vector.shape_cast %get3A_354 : vector<1x16xf32> to vector<16xf32>
      %max3A_356 = arith.maximumf %scan3A_325, %get3A_355 : vector<16xf32>
      %scan3A_357 = arith.constant 1 : i32
      %scan3A_358 = arith.addi %scan3A_321, %scan3A_357 : i32
      %mul3A_359 = arith.constant 16 : i32
      %mul3A_360 = arith.muli %scan3A_358, %mul3A_359 : i32
      %get3A_361 = arith.constant 0 : i32
      %get3A_362 = arith.index_cast %get3A_361 : i32 to index
      %get3A_363 = arith.index_cast %mul3A_360 : i32 to index
      %get3A_364 = tpu.vector_load %arg5[%get3A_362, %get3A_363] {strides = array<i32>} : memref<4x512xf32, #tpu.memory_space<vmem>>, vector<1x16xf32>,
      %get3A_365 = vector.shape_cast %get3A_364 : vector<1x16xf32> to vector<16xf32>
      %max3A_366 = arith.maximumf %max3A_332, %get3A_365 : vector<16xf32>
      %mul3A_367 = arith.constant 16 : i32
      %mul3A_368 = arith.muli %scan3A_358, %mul3A_367 : i32
      %get3A_369 = arith.constant 1 : i32
      %get3A_370 = arith.index_cast %get3A_369 : i32 to index
      %get3A_371 = arith.index_cast %mul3A_368 : i32 to index
      %get3A_372 = tpu.vector_load %arg5[%get3A_370, %get3A_371] {strides = array<i32>} : memref<4x512xf32, #tpu.memory_space<vmem>>, vector<1x16xf32>,
      %get3A_373 = vector.shape_cast %get3A_372 : vector<1x16xf32> to vector<16xf32>
      %max3A_374 = arith.maximumf %max3A_340, %get3A_373 : vector<16xf32>
      %mul3A_375 = arith.constant 16 : i32
      %mul3A_376 = arith.muli %scan3A_358, %mul3A_375 : i32
      %get3A_377 = arith.constant 2 : i32
      %get3A_378 = arith.index_cast %get3A_377 : i32 to index
      %get3A_379 = arith.index_cast %mul3A_376 : i32 to index
      %get3A_380 = tpu.vector_load %arg5[%get3A_378, %get3A_379] {strides = array<i32>} : memref<4x512xf32, #tpu.memory_space<vmem>>, vector<1x16xf32>,
      %get3A_381 = vector.shape_cast %get3A_380 : vector<1x16xf32> to vector<16xf32>
      %max3A_382 = arith.maximumf %max3A_348, %get3A_381 : vector<16xf32>
      %mul3A_383 = arith.constant 16 : i32
      %mul3A_384 = arith.muli %scan3A_358, %mul3A_383 : i32
      %get3A_385 = arith.constant 3 : i32
      %get3A_386 = arith.index_cast %get3A_385 : i32 to index
      %get3A_387 = arith.index_cast %mul3A_384 : i32 to index
      %get3A_388 = tpu.vector_load %arg5[%get3A_386, %get3A_387] {strides = array<i32>} : memref<4x512xf32, #tpu.memory_space<vmem>>, vector<1x16xf32>,
      %get3A_389 = vector.shape_cast %get3A_388 : vector<1x16xf32> to vector<16xf32>
      %max3A_390 = arith.maximumf %max3A_356, %get3A_389 : vector<16xf32>
      %scan3A_391 = arith.constant 2 : i32
      %scan3A_392 = arith.addi %scan3A_321, %scan3A_391 : i32
      %mul3A_393 = arith.constant 16 : i32
      %mul3A_394 = arith.muli %scan3A_392, %mul3A_393 : i32
      %get3A_395 = arith.constant 0 : i32
      %get3A_396 = arith.index_cast %get3A_395 : i32 to index
      %get3A_397 = arith.index_cast %mul3A_394 : i32 to index
      %get3A_398 = tpu.vector_load %arg5[%get3A_396, %get3A_397] {strides = array<i32>} : memref<4x512xf32, #tpu.memory_space<vmem>>, vector<1x16xf32>,
      %get3A_399 = vector.shape_cast %get3A_398 : vector<1x16xf32> to vector<16xf32>
      %max3A_400 = arith.maximumf %max3A_366, %get3A_399 : vector<16xf32>
      %mul3A_401 = arith.constant 16 : i32
      %mul3A_402 = arith.muli %scan3A_392, %mul3A_401 : i32
      %get3A_403 = arith.constant 1 : i32
      %get3A_404 = arith.index_cast %get3A_403 : i32 to index
      %get3A_405 = arith.index_cast %mul3A_402 : i32 to index
      %get3A_406 = tpu.vector_load %arg5[%get3A_404, %get3A_405] {strides = array<i32>} : memref<4x512xf32, #tpu.memory_space<vmem>>, vector<1x16xf32>,
      %get3A_407 = vector.shape_cast %get3A_406 : vector<1x16xf32> to vector<16xf32>
      %max3A_408 = arith.maximumf %max3A_374, %get3A_407 : vector<16xf32>
      %mul3A_409 = arith.constant 16 : i32
      %mul3A_410 = arith.muli %scan3A_392, %mul3A_409 : i32
      %get3A_411 = arith.constant 2 : i32
      %get3A_412 = arith.index_cast %get3A_411 : i32 to index
      %get3A_413 = arith.index_cast %mul3A_410 : i32 to index
      %get3A_414 = tpu.vector_load %arg5[%get3A_412, %get3A_413] {strides = array<i32>} : memref<4x512xf32, #tpu.memory_space<vmem>>, vector<1x16xf32>,
      %get3A_415 = vector.shape_cast %get3A_414 : vector<1x16xf32> to vector<16xf32>
      %max3A_416 = arith.maximumf %max3A_382, %get3A_415 : vector<16xf32>
      %mul3A_417 = arith.constant 16 : i32
      %mul3A_418 = arith.muli %scan3A_392, %mul3A_417 : i32
      %get3A_419 = arith.constant 3 : i32
      %get3A_420 = arith.index_cast %get3A_419 : i32 to index
      %get3A_421 = arith.index_cast %mul3A_418 : i32 to index
      %get3A_422 = tpu.vector_load %arg5[%get3A_420, %get3A_421] {strides = array<i32>} : memref<4x512xf32, #tpu.memory_space<vmem>>, vector<1x16xf32>,
      %get3A_423 = vector.shape_cast %get3A_422 : vector<1x16xf32> to vector<16xf32>
      %max3A_424 = arith.maximumf %max3A_390, %get3A_423 : vector<16xf32>
      %scan3A_425 = arith.constant 3 : i32
      %scan3A_426 = arith.addi %scan3A_321, %scan3A_425 : i32
      %mul3A_427 = arith.constant 16 : i32
      %mul3A_428 = arith.muli %scan3A_426, %mul3A_427 : i32
      %get3A_429 = arith.constant 0 : i32
      %get3A_430 = arith.index_cast %get3A_429 : i32 to index
      %get3A_431 = arith.index_cast %mul3A_428 : i32 to index
      %get3A_432 = tpu.vector_load %arg5[%get3A_430, %get3A_431] {strides = array<i32>} : memref<4x512xf32, #tpu.memory_space<vmem>>, vector<1x16xf32>,
      %get3A_433 = vector.shape_cast %get3A_432 : vector<1x16xf32> to vector<16xf32>
      %max3A_434 = arith.maximumf %max3A_400, %get3A_433 : vector<16xf32>
      %mul3A_435 = arith.constant 16 : i32
      %mul3A_436 = arith.muli %scan3A_426, %mul3A_435 : i32
      %get3A_437 = arith.constant 1 : i32
      %get3A_438 = arith.index_cast %get3A_437 : i32 to index
      %get3A_439 = arith.index_cast %mul3A_436 : i32 to index
      %get3A_440 = tpu.vector_load %arg5[%get3A_438, %get3A_439] {strides = array<i32>} : memref<4x512xf32, #tpu.memory_space<vmem>>, vector<1x16xf32>,
      %get3A_441 = vector.shape_cast %get3A_440 : vector<1x16xf32> to vector<16xf32>
      %max3A_442 = arith.maximumf %max3A_408, %get3A_441 : vector<16xf32>
      %mul3A_443 = arith.constant 16 : i32
      %mul3A_444 = arith.muli %scan3A_426, %mul3A_443 : i32
      %get3A_445 = arith.constant 2 : i32
      %get3A_446 = arith.index_cast %get3A_445 : i32 to index
      %get3A_447 = arith.index_cast %mul3A_444 : i32 to index
      %get3A_448 = tpu.vector_load %arg5[%get3A_446, %get3A_447] {strides = array<i32>} : memref<4x512xf32, #tpu.memory_space<vmem>>, vector<1x16xf32>,
      %get3A_449 = vector.shape_cast %get3A_448 : vector<1x16xf32> to vector<16xf32>
      %max3A_450 = arith.maximumf %max3A_416, %get3A_449 : vector<16xf32>
      %mul3A_451 = arith.constant 16 : i32
      %mul3A_452 = arith.muli %scan3A_426, %mul3A_451 : i32
      %get3A_453 = arith.constant 3 : i32
      %get3A_454 = arith.index_cast %get3A_453 : i32 to index
      %get3A_455 = arith.index_cast %mul3A_452 : i32 to index
      %get3A_456 = tpu.vector_load %arg5[%get3A_454, %get3A_455] {strides = array<i32>} : memref<4x512xf32, #tpu.memory_space<vmem>>, vector<1x16xf32>,
      %get3A_457 = vector.shape_cast %get3A_456 : vector<1x16xf32> to vector<16xf32>
      %max3A_458 = arith.maximumf %max3A_424, %get3A_457 : vector<16xf32>
      scf.yield %max3A_434, %max3A_442, %max3A_450, %max3A_458 : vector<16xf32>, vector<16xf32>, vector<16xf32>, vector<16xf32>
    }
    %scan3A_44 = arith.constant 32 : i32
    %iota3A = tpu.iota {dimensions = array<i32: 0>} : vector<16xi32>
    %broadcast_in_dim3A_45 = arith.constant 8 : i32
    %broadcast_in_dim3A_46 = vector.broadcast %broadcast_in_dim3A_45 : i32 to vector<16xi32>
    %xor3A = arith.xori %iota3A, %broadcast_in_dim3A_46 : vector<16xi32>
    %broadcast_in_dim3A_47 = vector.shape_cast %xor3A : vector<16xi32> to vector<16x1xi32>
    %gather3A = vector.shape_cast %broadcast_in_dim3A_47 : vector<16x1xi32> to vector<16xi32>
    %gather3A_48 = tpu.dynamic_gather %scan3A_43#0[%gather3A] in [0] : vector<16xf32>, vector<16xi32> -> vector<16xf32>
    %max3A = arith.maximumf %scan3A_43#0, %gather3A_48 : vector<16xf32>
    %iota3A_49 = tpu.iota {dimensions = array<i32: 0>} : vector<16xi32>
    %broadcast_in_dim3A_50 = arith.constant 4 : i32
    %broadcast_in_dim3A_51 = vector.broadcast %broadcast_in_dim3A_50 : i32 to vector<16xi32>
    %xor3A_52 = arith.xori %iota3A_49, %broadcast_in_dim3A_51 : vector<16xi32>
    %broadcast_in_dim3A_53 = vector.shape_cast %xor3A_52 : vector<16xi32> to vector<16x1xi32>
    %gather3A_54 = vector.shape_cast %broadcast_in_dim3A_53 : vector<16x1xi32> to vector<16xi32>
    %gather3A_55 = tpu.dynamic_gather %max3A[%gather3A_54] in [0] : vector<16xf32>, vector<16xi32> -> vector<16xf32>
    %max3A_56 = arith.maximumf %max3A, %gather3A_55 : vector<16xf32>
    %iota3A_57 = tpu.iota {dimensions = array<i32: 0>} : vector<16xi32>
    %broadcast_in_dim3A_58 = arith.constant 2 : i32
    %broadcast_in_dim3A_59 = vector.broadcast %broadcast_in_dim3A_58 : i32 to vector<16xi32>
    %xor3A_60 = arith.xori %iota3A_57, %broadcast_in_dim3A_59 : vector<16xi32>
    %broadcast_in_dim3A_61 = vector.shape_cast %xor3A_60 : vector<16xi32> to vector<16x1xi32>
    %gather3A_62 = vector.shape_cast %broadcast_in_dim3A_61 : vector<16x1xi32> to vector<16xi32>
    %gather3A_63 = tpu.dynamic_gather %max3A_56[%gather3A_62] in [0] : vector<16xf32>, vector<16xi32> -> vector<16xf32>
    %max3A_64 = arith.maximumf %max3A_56, %gather3A_63 : vector<16xf32>
    %iota3A_65 = tpu.iota {dimensions = array<i32: 0>} : vector<16xi32>
    %broadcast_in_dim3A_66 = arith.constant 1 : i32
    %broadcast_in_dim3A_67 = vector.broadcast %broadcast_in_dim3A_66 : i32 to vector<16xi32>
    %xor3A_68 = arith.xori %iota3A_65, %broadcast_in_dim3A_67 : vector<16xi32>
    %broadcast_in_dim3A_69 = vector.shape_cast %xor3A_68 : vector<16xi32> to vector<16x1xi32>
    %gather3A_70 = vector.shape_cast %broadcast_in_dim3A_69 : vector<16x1xi32> to vector<16xi32>
    %gather3A_71 = tpu.dynamic_gather %max3A_64[%gather3A_70] in [0] : vector<16xf32>, vector<16xi32> -> vector<16xf32>
    %max3A_72 = arith.maximumf %max3A_64, %gather3A_71 : vector<16xf32>
    %iota3A_73 = tpu.iota {dimensions = array<i32: 0>} : vector<16xi32>
    %broadcast_in_dim3A_74 = arith.constant 8 : i32
    %broadcast_in_dim3A_75 = vector.broadcast %broadcast_in_dim3A_74 : i32 to vector<16xi32>
    %xor3A_76 = arith.xori %iota3A_73, %broadcast_in_dim3A_75 : vector<16xi32>
    %broadcast_in_dim3A_77 = vector.shape_cast %xor3A_76 : vector<16xi32> to vector<16x1xi32>
    %gather3A_78 = vector.shape_cast %broadcast_in_dim3A_77 : vector<16x1xi32> to vector<16xi32>
    %gather3A_79 = tpu.dynamic_gather %scan3A_43#1[%gather3A_78] in [0] : vector<16xf32>, vector<16xi32> -> vector<16xf32>
    %max3A_80 = arith.maximumf %scan3A_43#1, %gather3A_79 : vector<16xf32>
    %iota3A_81 = tpu.iota {dimensions = array<i32: 0>} : vector<16xi32>
    %broadcast_in_dim3A_82 = arith.constant 4 : i32
    %broadcast_in_dim3A_83 = vector.broadcast %broadcast_in_dim3A_82 : i32 to vector<16xi32>
    %xor3A_84 = arith.xori %iota3A_81, %broadcast_in_dim3A_83 : vector<16xi32>
    %broadcast_in_dim3A_85 = vector.shape_cast %xor3A_84 : vector<16xi32> to vector<16x1xi32>
    %gather3A_86 = vector.shape_cast %broadcast_in_dim3A_85 : vector<16x1xi32> to vector<16xi32>
    %gather3A_87 = tpu.dynamic_gather %max3A_80[%gather3A_86] in [0] : vector<16xf32>, vector<16xi32> -> vector<16xf32>
    %max3A_88 = arith.maximumf %max3A_80, %gather3A_87 : vector<16xf32>
    %iota3A_89 = tpu.iota {dimensions = array<i32: 0>} : vector<16xi32>
    %broadcast_in_dim3A_90 = arith.constant 2 : i32
    %broadcast_in_dim3A_91 = vector.broadcast %broadcast_in_dim3A_90 : i32 to vector<16xi32>
    %xor3A_92 = arith.xori %iota3A_89, %broadcast_in_dim3A_91 : vector<16xi32>
    %broadcast_in_dim3A_93 = vector.shape_cast %xor3A_92 : vector<16xi32> to vector<16x1xi32>
    %gather3A_94 = vector.shape_cast %broadcast_in_dim3A_93 : vector<16x1xi32> to vector<16xi32>
    %gather3A_95 = tpu.dynamic_gather %max3A_88[%gather3A_94] in [0] : vector<16xf32>, vector<16xi32> -> vector<16xf32>
    %max3A_96 = arith.maximumf %max3A_88, %gather3A_95 : vector<16xf32>
    %iota3A_97 = tpu.iota {dimensions = array<i32: 0>} : vector<16xi32>
    %broadcast_in_dim3A_98 = arith.constant 1 : i32
    %broadcast_in_dim3A_99 = vector.broadcast %broadcast_in_dim3A_98 : i32 to vector<16xi32>
    %xor3A_100 = arith.xori %iota3A_97, %broadcast_in_dim3A_99 : vector<16xi32>
    %broadcast_in_dim3A_101 = vector.shape_cast %xor3A_100 : vector<16xi32> to vector<16x1xi32>
    %gather3A_102 = vector.shape_cast %broadcast_in_dim3A_101 : vector<16x1xi32> to vector<16xi32>
    %gather3A_103 = tpu.dynamic_gather %max3A_96[%gather3A_102] in [0] : vector<16xf32>, vector<16xi32> -> vector<16xf32>
    %max3A_104 = arith.maximumf %max3A_96, %gather3A_103 : vector<16xf32>
    %iota3A_105 = tpu.iota {dimensions = array<i32: 0>} : vector<16xi32>
    %broadcast_in_dim3A_106 = arith.constant 8 : i32
    %broadcast_in_dim3A_107 = vector.broadcast %broadcast_in_dim3A_106 : i32 to vector<16xi32>
    %xor3A_108 = arith.xori %iota3A_105, %broadcast_in_dim3A_107 : vector<16xi32>
    %broadcast_in_dim3A_109 = vector.shape_cast %xor3A_108 : vector<16xi32> to vector<16x1xi32>
    %gather3A_110 = vector.shape_cast %broadcast_in_dim3A_109 : vector<16x1xi32> to vector<16xi32>
    %gather3A_111 = tpu.dynamic_gather %scan3A_43#2[%gather3A_110] in [0] : vector<16xf32>, vector<16xi32> -> vector<16xf32>
    %max3A_112 = arith.maximumf %scan3A_43#2, %gather3A_111 : vector<16xf32>
    %iota3A_113 = tpu.iota {dimensions = array<i32: 0>} : vector<16xi32>
    %broadcast_in_dim3A_114 = arith.constant 4 : i32
    %broadcast_in_dim3A_115 = vector.broadcast %broadcast_in_dim3A_114 : i32 to vector<16xi32>
    %xor3A_116 = arith.xori %iota3A_113, %broadcast_in_dim3A_115 : vector<16xi32>
    %broadcast_in_dim3A_117 = vector.shape_cast %xor3A_116 : vector<16xi32> to vector<16x1xi32>
    %gather3A_118 = vector.shape_cast %broadcast_in_dim3A_117 : vector<16x1xi32> to vector<16xi32>
    %gather3A_119 = tpu.dynamic_gather %max3A_112[%gather3A_118] in [0] : vector<16xf32>, vector<16xi32> -> vector<16xf32>
    %max3A_120 = arith.maximumf %max3A_112, %gather3A_119 : vector<16xf32>
    %iota3A_121 = tpu.iota {dimensions = array<i32: 0>} : vector<16xi32>
    %broadcast_in_dim3A_122 = arith.constant 2 : i32
    %broadcast_in_dim3A_123 = vector.broadcast %broadcast_in_dim3A_122 : i32 to vector<16xi32>
    %xor3A_124 = arith.xori %iota3A_121, %broadcast_in_dim3A_123 : vector<16xi32>
    %broadcast_in_dim3A_125 = vector.shape_cast %xor3A_124 : vector<16xi32> to vector<16x1xi32>
    %gather3A_126 = vector.shape_cast %broadcast_in_dim3A_125 : vector<16x1xi32> to vector<16xi32>
    %gather3A_127 = tpu.dynamic_gather %max3A_120[%gather3A_126] in [0] : vector<16xf32>, vector<16xi32> -> vector<16xf32>
    %max3A_128 = arith.maximumf %max3A_120, %gather3A_127 : vector<16xf32>
    %iota3A_129 = tpu.iota {dimensions = array<i32: 0>} : vector<16xi32>
    %broadcast_in_dim3A_130 = arith.constant 1 : i32
    %broadcast_in_dim3A_131 = vector.broadcast %broadcast_in_dim3A_130 : i32 to vector<16xi32>
    %xor3A_132 = arith.xori %iota3A_129, %broadcast_in_dim3A_131 : vector<16xi32>
    %broadcast_in_dim3A_133 = vector.shape_cast %xor3A_132 : vector<16xi32> to vector<16x1xi32>
    %gather3A_134 = vector.shape_cast %broadcast_in_dim3A_133 : vector<16x1xi32> to vector<16xi32>
    %gather3A_135 = tpu.dynamic_gather %max3A_128[%gather3A_134] in [0] : vector<16xf32>, vector<16xi32> -> vector<16xf32>
    %max3A_136 = arith.maximumf %max3A_128, %gather3A_135 : vector<16xf32>
    %iota3A_137 = tpu.iota {dimensions = array<i32: 0>} : vector<16xi32>
    %broadcast_in_dim3A_138 = arith.constant 8 : i32
    %broadcast_in_dim3A_139 = vector.broadcast %broadcast_in_dim3A_138 : i32 to vector<16xi32>
    %xor3A_140 = arith.xori %iota3A_137, %broadcast_in_dim3A_139 : vector<16xi32>
    %broadcast_in_dim3A_141 = vector.shape_cast %xor3A_140 : vector<16xi32> to vector<16x1xi32>
    %gather3A_142 = vector.shape_cast %broadcast_in_dim3A_141 : vector<16x1xi32> to vector<16xi32>
    %gather3A_143 = tpu.dynamic_gather %scan3A_43#3[%gather3A_142] in [0] : vector<16xf32>, vector<16xi32> -> vector<16xf32>
    %max3A_144 = arith.maximumf %scan3A_43#3, %gather3A_143 : vector<16xf32>
    %iota3A_145 = tpu.iota {dimensions = array<i32: 0>} : vector<16xi32>
    %broadcast_in_dim3A_146 = arith.constant 4 : i32
    %broadcast_in_dim3A_147 = vector.broadcast %broadcast_in_dim3A_146 : i32 to vector<16xi32>
    %xor3A_148 = arith.xori %iota3A_145, %broadcast_in_dim3A_147 : vector<16xi32>
    %broadcast_in_dim3A_149 = vector.shape_cast %xor3A_148 : vector<16xi32> to vector<16x1xi32>
    %gather3A_150 = vector.shape_cast %broadcast_in_dim3A_149 : vector<16x1xi32> to vector<16xi32>
    %gather3A_151 = tpu.dynamic_gather %max3A_144[%gather3A_150] in [0] : vector<16xf32>, vector<16xi32> -> vector<16xf32>
    %max3A_152 = arith.maximumf %max3A_144, %gather3A_151 : vector<16xf32>
    %iota3A_153 = tpu.iota {dimensions = array<i32: 0>} : vector<16xi32>
    %broadcast_in_dim3A_154 = arith.constant 2 : i32
    %broadcast_in_dim3A_155 = vector.broadcast %broadcast_in_dim3A_154 : i32 to vector<16xi32>
    %xor3A_156 = arith.xori %iota3A_153, %broadcast_in_dim3A_155 : vector<16xi32>
    %broadcast_in_dim3A_157 = vector.shape_cast %xor3A_156 : vector<16xi32> to vector<16x1xi32>
    %gather3A_158 = vector.shape_cast %broadcast_in_dim3A_157 : vector<16x1xi32> to vector<16xi32>
    %gather3A_159 = tpu.dynamic_gather %max3A_152[%gather3A_158] in [0] : vector<16xf32>, vector<16xi32> -> vector<16xf32>
    %max3A_160 = arith.maximumf %max3A_152, %gather3A_159 : vector<16xf32>
    %iota3A_161 = tpu.iota {dimensions = array<i32: 0>} : vector<16xi32>
    %broadcast_in_dim3A_162 = arith.constant 1 : i32
    %broadcast_in_dim3A_163 = vector.broadcast %broadcast_in_dim3A_162 : i32 to vector<16xi32>
    %xor3A_164 = arith.xori %iota3A_161, %broadcast_in_dim3A_163 : vector<16xi32>
    %broadcast_in_dim3A_165 = vector.shape_cast %xor3A_164 : vector<16xi32> to vector<16x1xi32>
    %gather3A_166 = vector.shape_cast %broadcast_in_dim3A_165 : vector<16x1xi32> to vector<16xi32>
    %gather3A_167 = tpu.dynamic_gather %max3A_160[%gather3A_166] in [0] : vector<16xf32>, vector<16xi32> -> vector<16xf32>
    %max3A_168 = arith.maximumf %max3A_160, %gather3A_167 : vector<16xf32>
    %scan3A_169 = arith.constant 0 : i32
    %scan3A_170 = arith.constant 32 : i32
    %scan3A_171 = arith.addi %scan3A_169, %scan3A_170 : i32
    %scan3A_172 = arith.constant 4 : i32
    %scan3A_173:4 = scf.for %scan3A_321 = %scan3A_169 to %scan3A_171 step %scan3A_172 iter_args(%scan3A_322 = %broadcast_in_dim3A_9, %scan3A_323 = %broadcast_in_dim3A_9, %scan3A_324 = %broadcast_in_dim3A_9, %scan3A_325 = %broadcast_in_dim3A_9) -> (vector<16xf32>, vector<16xf32>, vector<16xf32>, vector<16xf32>)  : i32 {
      %mul3A_326 = arith.constant 16 : i32
      %mul3A_327 = arith.muli %scan3A_321, %mul3A_326 : i32
      %get3A = arith.constant 0 : i32
      %get3A_328 = arith.index_cast %get3A : i32 to index
      %get3A_329 = arith.index_cast %mul3A_327 : i32 to index
      %get3A_330 = tpu.vector_load %arg5[%get3A_328, %get3A_329] {strides = array<i32>} : memref<4x512xf32, #tpu.memory_space<vmem>>, vector<1x16xf32>,
      %get3A_331 = vector.shape_cast %get3A_330 : vector<1x16xf32> to vector<16xf32>
      %mul3A_332 = arith.constant 16 : i32
      %mul3A_333 = arith.muli %scan3A_321, %mul3A_332 : i32
      %get3A_334 = arith.constant 0 : i32
      %get3A_335 = arith.index_cast %get3A_334 : i32 to index
      %get3A_336 = arith.index_cast %mul3A_333 : i32 to index
      %get3A_337 = tpu.vector_load %arg6[%get3A_335, %get3A_336] {strides = array<i32>} : memref<4x512xi32, #tpu.memory_space<vmem>>, vector<1x16xi32>,
      %get3A_338 = vector.shape_cast %get3A_337 : vector<1x16xi32> to vector<16xi32>
      %ge3A = arith.cmpi sge, %get3A_338, %scan3A_29#0 : vector<16xi32>
      %sub3A = arith.subf %get3A_331, %max3A_72 : vector<16xf32>
      %exp3A = math.exp %sub3A : vector<16xf32>
      %select_n3A = arith.select %ge3A, %exp3A, %broadcast_in_dim3A_9 : vector<16xi1>, vector<16xf32>
      %mul3A_339 = arith.constant 16 : i32
      %mul3A_340 = arith.muli %scan3A_321, %mul3A_339 : i32
      %swap3A = arith.constant 0 : i32
      %swap3A_341 = arith.index_cast %swap3A : i32 to index
      %swap3A_342 = arith.index_cast %mul3A_340 : i32 to index
      %swap3A_343 = tpu.vector_load %arg7[%swap3A_341, %swap3A_342] {strides = array<i32>} : memref<4x512xf32, #tpu.memory_space<vmem>>, vector<1x16xf32>,
      %swap3A_344 = vector.shape_cast %swap3A_343 : vector<1x16xf32> to vector<16xf32>
      %swap3A_345 = vector.shape_cast %select_n3A : vector<16xf32> to vector<1x16xf32>
      tpu.vector_store %arg7[%swap3A_341, %swap3A_342], %swap3A_345 {strides = array<i32>} : memref<4x512xf32, #tpu.memory_space<vmem>>, vector<1x16xf32>,
      %add3A_346 = arith.addf %scan3A_322, %select_n3A : vector<16xf32>
      %mul3A_347 = arith.constant 16 : i32
      %mul3A_348 = arith.muli %scan3A_321, %mul3A_347 : i32
      %get3A_349 = arith.constant 1 : i32
      %get3A_350 = arith.index_cast %get3A_349 : i32 to index
      %get3A_351 = arith.index_cast %mul3A_348 : i32 to index
      %get3A_352 = tpu.vector_load %arg5[%get3A_350, %get3A_351] {strides = array<i32>} : memref<4x512xf32, #tpu.memory_space<vmem>>, vector<1x16xf32>,
      %get3A_353 = vector.shape_cast %get3A_352 : vector<1x16xf32> to vector<16xf32>
      %mul3A_354 = arith.constant 16 : i32
      %mul3A_355 = arith.muli %scan3A_321, %mul3A_354 : i32
      %get3A_356 = arith.constant 1 : i32
      %get3A_357 = arith.index_cast %get3A_356 : i32 to index
      %get3A_358 = arith.index_cast %mul3A_355 : i32 to index
      %get3A_359 = tpu.vector_load %arg6[%get3A_357, %get3A_358] {strides = array<i32>} : memref<4x512xi32, #tpu.memory_space<vmem>>, vector<1x16xi32>,
      %get3A_360 = vector.shape_cast %get3A_359 : vector<1x16xi32> to vector<16xi32>
      %ge3A_361 = arith.cmpi sge, %get3A_360, %scan3A_29#1 : vector<16xi32>
      %sub3A_362 = arith.subf %get3A_353, %max3A_104 : vector<16xf32>
      %exp3A_363 = math.exp %sub3A_362 : vector<16xf32>
      %select_n3A_364 = arith.select %ge3A_361, %exp3A_363, %broadcast_in_dim3A_9 : vector<16xi1>, vector<16xf32>
      %mul3A_365 = arith.constant 16 : i32
      %mul3A_366 = arith.muli %scan3A_321, %mul3A_365 : i32
      %swap3A_367 = arith.constant 1 : i32
      %swap3A_368 = arith.index_cast %swap3A_367 : i32 to index
      %swap3A_369 = arith.index_cast %mul3A_366 : i32 to index
      %swap3A_370 = tpu.vector_load %arg7[%swap3A_368, %swap3A_369] {strides = array<i32>} : memref<4x512xf32, #tpu.memory_space<vmem>>, vector<1x16xf32>,
      %swap3A_371 = vector.shape_cast %swap3A_370 : vector<1x16xf32> to vector<16xf32>
      %swap3A_372 = vector.shape_cast %select_n3A_364 : vector<16xf32> to vector<1x16xf32>
      tpu.vector_store %arg7[%swap3A_368, %swap3A_369], %swap3A_372 {strides = array<i32>} : memref<4x512xf32, #tpu.memory_space<vmem>>, vector<1x16xf32>,
      %add3A_373 = arith.addf %scan3A_323, %select_n3A_364 : vector<16xf32>
      %mul3A_374 = arith.constant 16 : i32
      %mul3A_375 = arith.muli %scan3A_321, %mul3A_374 : i32
      %get3A_376 = arith.constant 2 : i32
      %get3A_377 = arith.index_cast %get3A_376 : i32 to index
      %get3A_378 = arith.index_cast %mul3A_375 : i32 to index
      %get3A_379 = tpu.vector_load %arg5[%get3A_377, %get3A_378] {strides = array<i32>} : memref<4x512xf32, #tpu.memory_space<vmem>>, vector<1x16xf32>,
      %get3A_380 = vector.shape_cast %get3A_379 : vector<1x16xf32> to vector<16xf32>
      %mul3A_381 = arith.constant 16 : i32
      %mul3A_382 = arith.muli %scan3A_321, %mul3A_381 : i32
      %get3A_383 = arith.constant 2 : i32
      %get3A_384 = arith.index_cast %get3A_383 : i32 to index
      %get3A_385 = arith.index_cast %mul3A_382 : i32 to index
      %get3A_386 = tpu.vector_load %arg6[%get3A_384, %get3A_385] {strides = array<i32>} : memref<4x512xi32, #tpu.memory_space<vmem>>, vector<1x16xi32>,
      %get3A_387 = vector.shape_cast %get3A_386 : vector<1x16xi32> to vector<16xi32>
      %ge3A_388 = arith.cmpi sge, %get3A_387, %scan3A_29#2 : vector<16xi32>
      %sub3A_389 = arith.subf %get3A_380, %max3A_136 : vector<16xf32>
      %exp3A_390 = math.exp %sub3A_389 : vector<16xf32>
      %select_n3A_391 = arith.select %ge3A_388, %exp3A_390, %broadcast_in_dim3A_9 : vector<16xi1>, vector<16xf32>
      %mul3A_392 = arith.constant 16 : i32
      %mul3A_393 = arith.muli %scan3A_321, %mul3A_392 : i32
      %swap3A_394 = arith.constant 2 : i32
      %swap3A_395 = arith.index_cast %swap3A_394 : i32 to index
      %swap3A_396 = arith.index_cast %mul3A_393 : i32 to index
      %swap3A_397 = tpu.vector_load %arg7[%swap3A_395, %swap3A_396] {strides = array<i32>} : memref<4x512xf32, #tpu.memory_space<vmem>>, vector<1x16xf32>,
      %swap3A_398 = vector.shape_cast %swap3A_397 : vector<1x16xf32> to vector<16xf32>
      %swap3A_399 = vector.shape_cast %select_n3A_391 : vector<16xf32> to vector<1x16xf32>
      tpu.vector_store %arg7[%swap3A_395, %swap3A_396], %swap3A_399 {strides = array<i32>} : memref<4x512xf32, #tpu.memory_space<vmem>>, vector<1x16xf32>,
      %add3A_400 = arith.addf %scan3A_324, %select_n3A_391 : vector<16xf32>
      %mul3A_401 = arith.constant 16 : i32
      %mul3A_402 = arith.muli %scan3A_321, %mul3A_401 : i32
      %get3A_403 = arith.constant 3 : i32
      %get3A_404 = arith.index_cast %get3A_403 : i32 to index
      %get3A_405 = arith.index_cast %mul3A_402 : i32 to index
      %get3A_406 = tpu.vector_load %arg5[%get3A_404, %get3A_405] {strides = array<i32>} : memref<4x512xf32, #tpu.memory_space<vmem>>, vector<1x16xf32>,
      %get3A_407 = vector.shape_cast %get3A_406 : vector<1x16xf32> to vector<16xf32>
      %mul3A_408 = arith.constant 16 : i32
      %mul3A_409 = arith.muli %scan3A_321, %mul3A_408 : i32
      %get3A_410 = arith.constant 3 : i32
      %get3A_411 = arith.index_cast %get3A_410 : i32 to index
      %get3A_412 = arith.index_cast %mul3A_409 : i32 to index
      %get3A_413 = tpu.vector_load %arg6[%get3A_411, %get3A_412] {strides = array<i32>} : memref<4x512xi32, #tpu.memory_space<vmem>>, vector<1x16xi32>,
      %get3A_414 = vector.shape_cast %get3A_413 : vector<1x16xi32> to vector<16xi32>
      %ge3A_415 = arith.cmpi sge, %get3A_414, %scan3A_29#3 : vector<16xi32>
      %sub3A_416 = arith.subf %get3A_407, %max3A_168 : vector<16xf32>
      %exp3A_417 = math.exp %sub3A_416 : vector<16xf32>
      %select_n3A_418 = arith.select %ge3A_415, %exp3A_417, %broadcast_in_dim3A_9 : vector<16xi1>, vector<16xf32>
      %mul3A_419 = arith.constant 16 : i32
      %mul3A_420 = arith.muli %scan3A_321, %mul3A_419 : i32
      %swap3A_421 = arith.constant 3 : i32
      %swap3A_422 = arith.index_cast %swap3A_421 : i32 to index
      %swap3A_423 = arith.index_cast %mul3A_420 : i32 to index
      %swap3A_424 = tpu.vector_load %arg7[%swap3A_422, %swap3A_423] {strides = array<i32>} : memref<4x512xf32, #tpu.memory_space<vmem>>, vector<1x16xf32>,
      %swap3A_425 = vector.shape_cast %swap3A_424 : vector<1x16xf32> to vector<16xf32>
      %swap3A_426 = vector.shape_cast %select_n3A_418 : vector<16xf32> to vector<1x16xf32>
      tpu.vector_store %arg7[%swap3A_422, %swap3A_423], %swap3A_426 {strides = array<i32>} : memref<4x512xf32, #tpu.memory_space<vmem>>, vector<1x16xf32>,
      %add3A_427 = arith.addf %scan3A_325, %select_n3A_418 : vector<16xf32>
      %scan3A_428 = arith.constant 1 : i32
      %scan3A_429 = arith.addi %scan3A_321, %scan3A_428 : i32
      %mul3A_430 = arith.constant 16 : i32
      %mul3A_431 = arith.muli %scan3A_429, %mul3A_430 : i32
      %get3A_432 = arith.constant 0 : i32
      %get3A_433 = arith.index_cast %get3A_432 : i32 to index
      %get3A_434 = arith.index_cast %mul3A_431 : i32 to index
      %get3A_435 = tpu.vector_load %arg5[%get3A_433, %get3A_434] {strides = array<i32>} : memref<4x512xf32, #tpu.memory_space<vmem>>, vector<1x16xf32>,
      %get3A_436 = vector.shape_cast %get3A_435 : vector<1x16xf32> to vector<16xf32>
      %mul3A_437 = arith.constant 16 : i32
      %mul3A_438 = arith.muli %scan3A_429, %mul3A_437 : i32
      %get3A_439 = arith.constant 0 : i32
      %get3A_440 = arith.index_cast %get3A_439 : i32 to index
      %get3A_441 = arith.index_cast %mul3A_438 : i32 to index
      %get3A_442 = tpu.vector_load %arg6[%get3A_440, %get3A_441] {strides = array<i32>} : memref<4x512xi32, #tpu.memory_space<vmem>>, vector<1x16xi32>,
      %get3A_443 = vector.shape_cast %get3A_442 : vector<1x16xi32> to vector<16xi32>
      %ge3A_444 = arith.cmpi sge, %get3A_443, %scan3A_29#0 : vector<16xi32>
      %sub3A_445 = arith.subf %get3A_436, %max3A_72 : vector<16xf32>
      %exp3A_446 = math.exp %sub3A_445 : vector<16xf32>
      %select_n3A_447 = arith.select %ge3A_444, %exp3A_446, %broadcast_in_dim3A_9 : vector<16xi1>, vector<16xf32>
      %mul3A_448 = arith.constant 16 : i32
      %mul3A_449 = arith.muli %scan3A_429, %mul3A_448 : i32
      %swap3A_450 = arith.constant 0 : i32
      %swap3A_451 = arith.index_cast %swap3A_450 : i32 to index
      %swap3A_452 = arith.index_cast %mul3A_449 : i32 to index
      %swap3A_453 = tpu.vector_load %arg7[%swap3A_451, %swap3A_452] {strides = array<i32>} : memref<4x512xf32, #tpu.memory_space<vmem>>, vector<1x16xf32>,
      %swap3A_454 = vector.shape_cast %swap3A_453 : vector<1x16xf32> to vector<16xf32>
      %swap3A_455 = vector.shape_cast %select_n3A_447 : vector<16xf32> to vector<1x16xf32>
      tpu.vector_store %arg7[%swap3A_451, %swap3A_452], %swap3A_455 {strides = array<i32>} : memref<4x512xf32, #tpu.memory_space<vmem>>, vector<1x16xf32>,
      %add3A_456 = arith.addf %add3A_346, %select_n3A_447 : vector<16xf32>
      %mul3A_457 = arith.constant 16 : i32
      %mul3A_458 = arith.muli %scan3A_429, %mul3A_457 : i32
      %get3A_459 = arith.constant 1 : i32
      %get3A_460 = arith.index_cast %get3A_459 : i32 to index
      %get3A_461 = arith.index_cast %mul3A_458 : i32 to index
      %get3A_462 = tpu.vector_load %arg5[%get3A_460, %get3A_461] {strides = array<i32>} : memref<4x512xf32, #tpu.memory_space<vmem>>, vector<1x16xf32>,
      %get3A_463 = vector.shape_cast %get3A_462 : vector<1x16xf32> to vector<16xf32>
      %mul3A_464 = arith.constant 16 : i32
      %mul3A_465 = arith.muli %scan3A_429, %mul3A_464 : i32
      %get3A_466 = arith.constant 1 : i32
      %get3A_467 = arith.index_cast %get3A_466 : i32 to index
      %get3A_468 = arith.index_cast %mul3A_465 : i32 to index
      %get3A_469 = tpu.vector_load %arg6[%get3A_467, %get3A_468] {strides = array<i32>} : memref<4x512xi32, #tpu.memory_space<vmem>>, vector<1x16xi32>,
      %get3A_470 = vector.shape_cast %get3A_469 : vector<1x16xi32> to vector<16xi32>
      %ge3A_471 = arith.cmpi sge, %get3A_470, %scan3A_29#1 : vector<16xi32>
      %sub3A_472 = arith.subf %get3A_463, %max3A_104 : vector<16xf32>
      %exp3A_473 = math.exp %sub3A_472 : vector<16xf32>
      %select_n3A_474 = arith.select %ge3A_471, %exp3A_473, %broadcast_in_dim3A_9 : vector<16xi1>, vector<16xf32>
      %mul3A_475 = arith.constant 16 : i32
      %mul3A_476 = arith.muli %scan3A_429, %mul3A_475 : i32
      %swap3A_477 = arith.constant 1 : i32
      %swap3A_478 = arith.index_cast %swap3A_477 : i32 to index
      %swap3A_479 = arith.index_cast %mul3A_476 : i32 to index
      %swap3A_480 = tpu.vector_load %arg7[%swap3A_478, %swap3A_479] {strides = array<i32>} : memref<4x512xf32, #tpu.memory_space<vmem>>, vector<1x16xf32>,
      %swap3A_481 = vector.shape_cast %swap3A_480 : vector<1x16xf32> to vector<16xf32>
      %swap3A_482 = vector.shape_cast %select_n3A_474 : vector<16xf32> to vector<1x16xf32>
      tpu.vector_store %arg7[%swap3A_478, %swap3A_479], %swap3A_482 {strides = array<i32>} : memref<4x512xf32, #tpu.memory_space<vmem>>, vector<1x16xf32>,
      %add3A_483 = arith.addf %add3A_373, %select_n3A_474 : vector<16xf32>
      %mul3A_484 = arith.constant 16 : i32
      %mul3A_485 = arith.muli %scan3A_429, %mul3A_484 : i32
      %get3A_486 = arith.constant 2 : i32
      %get3A_487 = arith.index_cast %get3A_486 : i32 to index
      %get3A_488 = arith.index_cast %mul3A_485 : i32 to index
      %get3A_489 = tpu.vector_load %arg5[%get3A_487, %get3A_488] {strides = array<i32>} : memref<4x512xf32, #tpu.memory_space<vmem>>, vector<1x16xf32>,
      %get3A_490 = vector.shape_cast %get3A_489 : vector<1x16xf32> to vector<16xf32>
      %mul3A_491 = arith.constant 16 : i32
      %mul3A_492 = arith.muli %scan3A_429, %mul3A_491 : i32
      %get3A_493 = arith.constant 2 : i32
      %get3A_494 = arith.index_cast %get3A_493 : i32 to index
      %get3A_495 = arith.index_cast %mul3A_492 : i32 to index
      %get3A_496 = tpu.vector_load %arg6[%get3A_494, %get3A_495] {strides = array<i32>} : memref<4x512xi32, #tpu.memory_space<vmem>>, vector<1x16xi32>,
      %get3A_497 = vector.shape_cast %get3A_496 : vector<1x16xi32> to vector<16xi32>
      %ge3A_498 = arith.cmpi sge, %get3A_497, %scan3A_29#2 : vector<16xi32>
      %sub3A_499 = arith.subf %get3A_490, %max3A_136 : vector<16xf32>
      %exp3A_500 = math.exp %sub3A_499 : vector<16xf32>
      %select_n3A_501 = arith.select %ge3A_498, %exp3A_500, %broadcast_in_dim3A_9 : vector<16xi1>, vector<16xf32>
      %mul3A_502 = arith.constant 16 : i32
      %mul3A_503 = arith.muli %scan3A_429, %mul3A_502 : i32
      %swap3A_504 = arith.constant 2 : i32
      %swap3A_505 = arith.index_cast %swap3A_504 : i32 to index
      %swap3A_506 = arith.index_cast %mul3A_503 : i32 to index
      %swap3A_507 = tpu.vector_load %arg7[%swap3A_505, %swap3A_506] {strides = array<i32>} : memref<4x512xf32, #tpu.memory_space<vmem>>, vector<1x16xf32>,
      %swap3A_508 = vector.shape_cast %swap3A_507 : vector<1x16xf32> to vector<16xf32>
      %swap3A_509 = vector.shape_cast %select_n3A_501 : vector<16xf32> to vector<1x16xf32>
      tpu.vector_store %arg7[%swap3A_505, %swap3A_506], %swap3A_509 {strides = array<i32>} : memref<4x512xf32, #tpu.memory_space<vmem>>, vector<1x16xf32>,
      %add3A_510 = arith.addf %add3A_400, %select_n3A_501 : vector<16xf32>
      %mul3A_511 = arith.constant 16 : i32
      %mul3A_512 = arith.muli %scan3A_429, %mul3A_511 : i32
      %get3A_513 = arith.constant 3 : i32
      %get3A_514 = arith.index_cast %get3A_513 : i32 to index
      %get3A_515 = arith.index_cast %mul3A_512 : i32 to index
      %get3A_516 = tpu.vector_load %arg5[%get3A_514, %get3A_515] {strides = array<i32>} : memref<4x512xf32, #tpu.memory_space<vmem>>, vector<1x16xf32>,
      %get3A_517 = vector.shape_cast %get3A_516 : vector<1x16xf32> to vector<16xf32>
      %mul3A_518 = arith.constant 16 : i32
      %mul3A_519 = arith.muli %scan3A_429, %mul3A_518 : i32
      %get3A_520 = arith.constant 3 : i32
      %get3A_521 = arith.index_cast %get3A_520 : i32 to index
      %get3A_522 = arith.index_cast %mul3A_519 : i32 to index
      %get3A_523 = tpu.vector_load %arg6[%get3A_521, %get3A_522] {strides = array<i32>} : memref<4x512xi32, #tpu.memory_space<vmem>>, vector<1x16xi32>,
      %get3A_524 = vector.shape_cast %get3A_523 : vector<1x16xi32> to vector<16xi32>
      %ge3A_525 = arith.cmpi sge, %get3A_524, %scan3A_29#3 : vector<16xi32>
      %sub3A_526 = arith.subf %get3A_517, %max3A_168 : vector<16xf32>
      %exp3A_527 = math.exp %sub3A_526 : vector<16xf32>
      %select_n3A_528 = arith.select %ge3A_525, %exp3A_527, %broadcast_in_dim3A_9 : vector<16xi1>, vector<16xf32>
      %mul3A_529 = arith.constant 16 : i32
      %mul3A_530 = arith.muli %scan3A_429, %mul3A_529 : i32
      %swap3A_531 = arith.constant 3 : i32
      %swap3A_532 = arith.index_cast %swap3A_531 : i32 to index
      %swap3A_533 = arith.index_cast %mul3A_530 : i32 to index
      %swap3A_534 = tpu.vector_load %arg7[%swap3A_532, %swap3A_533] {strides = array<i32>} : memref<4x512xf32, #tpu.memory_space<vmem>>, vector<1x16xf32>,
      %swap3A_535 = vector.shape_cast %swap3A_534 : vector<1x16xf32> to vector<16xf32>
      %swap3A_536 = vector.shape_cast %select_n3A_528 : vector<16xf32> to vector<1x16xf32>
      tpu.vector_store %arg7[%swap3A_532, %swap3A_533], %swap3A_536 {strides = array<i32>} : memref<4x512xf32, #tpu.memory_space<vmem>>, vector<1x16xf32>,
      %add3A_537 = arith.addf %add3A_427, %select_n3A_528 : vector<16xf32>
      %scan3A_538 = arith.constant 2 : i32
      %scan3A_539 = arith.addi %scan3A_321, %scan3A_538 : i32
      %mul3A_540 = arith.constant 16 : i32
      %mul3A_541 = arith.muli %scan3A_539, %mul3A_540 : i32
      %get3A_542 = arith.constant 0 : i32
      %get3A_543 = arith.index_cast %get3A_542 : i32 to index
      %get3A_544 = arith.index_cast %mul3A_541 : i32 to index
      %get3A_545 = tpu.vector_load %arg5[%get3A_543, %get3A_544] {strides = array<i32>} : memref<4x512xf32, #tpu.memory_space<vmem>>, vector<1x16xf32>,
      %get3A_546 = vector.shape_cast %get3A_545 : vector<1x16xf32> to vector<16xf32>
      %mul3A_547 = arith.constant 16 : i32
      %mul3A_548 = arith.muli %scan3A_539, %mul3A_547 : i32
      %get3A_549 = arith.constant 0 : i32
      %get3A_550 = arith.index_cast %get3A_549 : i32 to index
      %get3A_551 = arith.index_cast %mul3A_548 : i32 to index
      %get3A_552 = tpu.vector_load %arg6[%get3A_550, %get3A_551] {strides = array<i32>} : memref<4x512xi32, #tpu.memory_space<vmem>>, vector<1x16xi32>,
      %get3A_553 = vector.shape_cast %get3A_552 : vector<1x16xi32> to vector<16xi32>
      %ge3A_554 = arith.cmpi sge, %get3A_553, %scan3A_29#0 : vector<16xi32>
      %sub3A_555 = arith.subf %get3A_546, %max3A_72 : vector<16xf32>
      %exp3A_556 = math.exp %sub3A_555 : vector<16xf32>
      %select_n3A_557 = arith.select %ge3A_554, %exp3A_556, %broadcast_in_dim3A_9 : vector<16xi1>, vector<16xf32>
      %mul3A_558 = arith.constant 16 : i32
      %mul3A_559 = arith.muli %scan3A_539, %mul3A_558 : i32
      %swap3A_560 = arith.constant 0 : i32
      %swap3A_561 = arith.index_cast %swap3A_560 : i32 to index
      %swap3A_562 = arith.index_cast %mul3A_559 : i32 to index
      %swap3A_563 = tpu.vector_load %arg7[%swap3A_561, %swap3A_562] {strides = array<i32>} : memref<4x512xf32, #tpu.memory_space<vmem>>, vector<1x16xf32>,
      %swap3A_564 = vector.shape_cast %swap3A_563 : vector<1x16xf32> to vector<16xf32>
      %swap3A_565 = vector.shape_cast %select_n3A_557 : vector<16xf32> to vector<1x16xf32>
      tpu.vector_store %arg7[%swap3A_561, %swap3A_562], %swap3A_565 {strides = array<i32>} : memref<4x512xf32, #tpu.memory_space<vmem>>, vector<1x16xf32>,
      %add3A_566 = arith.addf %add3A_456, %select_n3A_557 : vector<16xf32>
      %mul3A_567 = arith.constant 16 : i32
      %mul3A_568 = arith.muli %scan3A_539, %mul3A_567 : i32
      %get3A_569 = arith.constant 1 : i32
      %get3A_570 = arith.index_cast %get3A_569 : i32 to index
      %get3A_571 = arith.index_cast %mul3A_568 : i32 to index
      %get3A_572 = tpu.vector_load %arg5[%get3A_570, %get3A_571] {strides = array<i32>} : memref<4x512xf32, #tpu.memory_space<vmem>>, vector<1x16xf32>,
      %get3A_573 = vector.shape_cast %get3A_572 : vector<1x16xf32> to vector<16xf32>
      %mul3A_574 = arith.constant 16 : i32
      %mul3A_575 = arith.muli %scan3A_539, %mul3A_574 : i32
      %get3A_576 = arith.constant 1 : i32
      %get3A_577 = arith.index_cast %get3A_576 : i32 to index
      %get3A_578 = arith.index_cast %mul3A_575 : i32 to index
      %get3A_579 = tpu.vector_load %arg6[%get3A_577, %get3A_578] {strides = array<i32>} : memref<4x512xi32, #tpu.memory_space<vmem>>, vector<1x16xi32>,
      %get3A_580 = vector.shape_cast %get3A_579 : vector<1x16xi32> to vector<16xi32>
      %ge3A_581 = arith.cmpi sge, %get3A_580, %scan3A_29#1 : vector<16xi32>
      %sub3A_582 = arith.subf %get3A_573, %max3A_104 : vector<16xf32>
      %exp3A_583 = math.exp %sub3A_582 : vector<16xf32>
      %select_n3A_584 = arith.select %ge3A_581, %exp3A_583, %broadcast_in_dim3A_9 : vector<16xi1>, vector<16xf32>
      %mul3A_585 = arith.constant 16 : i32
      %mul3A_586 = arith.muli %scan3A_539, %mul3A_585 : i32
      %swap3A_587 = arith.constant 1 : i32
      %swap3A_588 = arith.index_cast %swap3A_587 : i32 to index
      %swap3A_589 = arith.index_cast %mul3A_586 : i32 to index
      %swap3A_590 = tpu.vector_load %arg7[%swap3A_588, %swap3A_589] {strides = array<i32>} : memref<4x512xf32, #tpu.memory_space<vmem>>, vector<1x16xf32>,
      %swap3A_591 = vector.shape_cast %swap3A_590 : vector<1x16xf32> to vector<16xf32>
      %swap3A_592 = vector.shape_cast %select_n3A_584 : vector<16xf32> to vector<1x16xf32>
      tpu.vector_store %arg7[%swap3A_588, %swap3A_589], %swap3A_592 {strides = array<i32>} : memref<4x512xf32, #tpu.memory_space<vmem>>, vector<1x16xf32>,
      %add3A_593 = arith.addf %add3A_483, %select_n3A_584 : vector<16xf32>
      %mul3A_594 = arith.constant 16 : i32
      %mul3A_595 = arith.muli %scan3A_539, %mul3A_594 : i32
      %get3A_596 = arith.constant 2 : i32
      %get3A_597 = arith.index_cast %get3A_596 : i32 to index
      %get3A_598 = arith.index_cast %mul3A_595 : i32 to index
      %get3A_599 = tpu.vector_load %arg5[%get3A_597, %get3A_598] {strides = array<i32>} : memref<4x512xf32, #tpu.memory_space<vmem>>, vector<1x16xf32>,
      %get3A_600 = vector.shape_cast %get3A_599 : vector<1x16xf32> to vector<16xf32>
      %mul3A_601 = arith.constant 16 : i32
      %mul3A_602 = arith.muli %scan3A_539, %mul3A_601 : i32
      %get3A_603 = arith.constant 2 : i32
      %get3A_604 = arith.index_cast %get3A_603 : i32 to index
      %get3A_605 = arith.index_cast %mul3A_602 : i32 to index
      %get3A_606 = tpu.vector_load %arg6[%get3A_604, %get3A_605] {strides = array<i32>} : memref<4x512xi32, #tpu.memory_space<vmem>>, vector<1x16xi32>,
      %get3A_607 = vector.shape_cast %get3A_606 : vector<1x16xi32> to vector<16xi32>
      %ge3A_608 = arith.cmpi sge, %get3A_607, %scan3A_29#2 : vector<16xi32>
      %sub3A_609 = arith.subf %get3A_600, %max3A_136 : vector<16xf32>
      %exp3A_610 = math.exp %sub3A_609 : vector<16xf32>
      %select_n3A_611 = arith.select %ge3A_608, %exp3A_610, %broadcast_in_dim3A_9 : vector<16xi1>, vector<16xf32>
      %mul3A_612 = arith.constant 16 : i32
      %mul3A_613 = arith.muli %scan3A_539, %mul3A_612 : i32
      %swap3A_614 = arith.constant 2 : i32
      %swap3A_615 = arith.index_cast %swap3A_614 : i32 to index
      %swap3A_616 = arith.index_cast %mul3A_613 : i32 to index
      %swap3A_617 = tpu.vector_load %arg7[%swap3A_615, %swap3A_616] {strides = array<i32>} : memref<4x512xf32, #tpu.memory_space<vmem>>, vector<1x16xf32>,
      %swap3A_618 = vector.shape_cast %swap3A_617 : vector<1x16xf32> to vector<16xf32>
      %swap3A_619 = vector.shape_cast %select_n3A_611 : vector<16xf32> to vector<1x16xf32>
      tpu.vector_store %arg7[%swap3A_615, %swap3A_616], %swap3A_619 {strides = array<i32>} : memref<4x512xf32, #tpu.memory_space<vmem>>, vector<1x16xf32>,
      %add3A_620 = arith.addf %add3A_510, %select_n3A_611 : vector<16xf32>
      %mul3A_621 = arith.constant 16 : i32
      %mul3A_622 = arith.muli %scan3A_539, %mul3A_621 : i32
      %get3A_623 = arith.constant 3 : i32
      %get3A_624 = arith.index_cast %get3A_623 : i32 to index
      %get3A_625 = arith.index_cast %mul3A_622 : i32 to index
      %get3A_626 = tpu.vector_load %arg5[%get3A_624, %get3A_625] {strides = array<i32>} : memref<4x512xf32, #tpu.memory_space<vmem>>, vector<1x16xf32>,
      %get3A_627 = vector.shape_cast %get3A_626 : vector<1x16xf32> to vector<16xf32>
      %mul3A_628 = arith.constant 16 : i32
      %mul3A_629 = arith.muli %scan3A_539, %mul3A_628 : i32
      %get3A_630 = arith.constant 3 : i32
      %get3A_631 = arith.index_cast %get3A_630 : i32 to index
      %get3A_632 = arith.index_cast %mul3A_629 : i32 to index
      %get3A_633 = tpu.vector_load %arg6[%get3A_631, %get3A_632] {strides = array<i32>} : memref<4x512xi32, #tpu.memory_space<vmem>>, vector<1x16xi32>,
      %get3A_634 = vector.shape_cast %get3A_633 : vector<1x16xi32> to vector<16xi32>
      %ge3A_635 = arith.cmpi sge, %get3A_634, %scan3A_29#3 : vector<16xi32>
      %sub3A_636 = arith.subf %get3A_627, %max3A_168 : vector<16xf32>
      %exp3A_637 = math.exp %sub3A_636 : vector<16xf32>
      %select_n3A_638 = arith.select %ge3A_635, %exp3A_637, %broadcast_in_dim3A_9 : vector<16xi1>, vector<16xf32>
      %mul3A_639 = arith.constant 16 : i32
      %mul3A_640 = arith.muli %scan3A_539, %mul3A_639 : i32
      %swap3A_641 = arith.constant 3 : i32
      %swap3A_642 = arith.index_cast %swap3A_641 : i32 to index
      %swap3A_643 = arith.index_cast %mul3A_640 : i32 to index
      %swap3A_644 = tpu.vector_load %arg7[%swap3A_642, %swap3A_643] {strides = array<i32>} : memref<4x512xf32, #tpu.memory_space<vmem>>, vector<1x16xf32>,
      %swap3A_645 = vector.shape_cast %swap3A_644 : vector<1x16xf32> to vector<16xf32>
      %swap3A_646 = vector.shape_cast %select_n3A_638 : vector<16xf32> to vector<1x16xf32>
      tpu.vector_store %arg7[%swap3A_642, %swap3A_643], %swap3A_646 {strides = array<i32>} : memref<4x512xf32, #tpu.memory_space<vmem>>, vector<1x16xf32>,
      %add3A_647 = arith.addf %add3A_537, %select_n3A_638 : vector<16xf32>
      %scan3A_648 = arith.constant 3 : i32
      %scan3A_649 = arith.addi %scan3A_321, %scan3A_648 : i32
      %mul3A_650 = arith.constant 16 : i32
      %mul3A_651 = arith.muli %scan3A_649, %mul3A_650 : i32
      %get3A_652 = arith.constant 0 : i32
      %get3A_653 = arith.index_cast %get3A_652 : i32 to index
      %get3A_654 = arith.index_cast %mul3A_651 : i32 to index
      %get3A_655 = tpu.vector_load %arg5[%get3A_653, %get3A_654] {strides = array<i32>} : memref<4x512xf32, #tpu.memory_space<vmem>>, vector<1x16xf32>,
      %get3A_656 = vector.shape_cast %get3A_655 : vector<1x16xf32> to vector<16xf32>
      %mul3A_657 = arith.constant 16 : i32
      %mul3A_658 = arith.muli %scan3A_649, %mul3A_657 : i32
      %get3A_659 = arith.constant 0 : i32
      %get3A_660 = arith.index_cast %get3A_659 : i32 to index
      %get3A_661 = arith.index_cast %mul3A_658 : i32 to index
      %get3A_662 = tpu.vector_load %arg6[%get3A_660, %get3A_661] {strides = array<i32>} : memref<4x512xi32, #tpu.memory_space<vmem>>, vector<1x16xi32>,
      %get3A_663 = vector.shape_cast %get3A_662 : vector<1x16xi32> to vector<16xi32>
      %ge3A_664 = arith.cmpi sge, %get3A_663, %scan3A_29#0 : vector<16xi32>
      %sub3A_665 = arith.subf %get3A_656, %max3A_72 : vector<16xf32>
      %exp3A_666 = math.exp %sub3A_665 : vector<16xf32>
      %select_n3A_667 = arith.select %ge3A_664, %exp3A_666, %broadcast_in_dim3A_9 : vector<16xi1>, vector<16xf32>
      %mul3A_668 = arith.constant 16 : i32
      %mul3A_669 = arith.muli %scan3A_649, %mul3A_668 : i32
      %swap3A_670 = arith.constant 0 : i32
      %swap3A_671 = arith.index_cast %swap3A_670 : i32 to index
      %swap3A_672 = arith.index_cast %mul3A_669 : i32 to index
      %swap3A_673 = tpu.vector_load %arg7[%swap3A_671, %swap3A_672] {strides = array<i32>} : memref<4x512xf32, #tpu.memory_space<vmem>>, vector<1x16xf32>,
      %swap3A_674 = vector.shape_cast %swap3A_673 : vector<1x16xf32> to vector<16xf32>
      %swap3A_675 = vector.shape_cast %select_n3A_667 : vector<16xf32> to vector<1x16xf32>
      tpu.vector_store %arg7[%swap3A_671, %swap3A_672], %swap3A_675 {strides = array<i32>} : memref<4x512xf32, #tpu.memory_space<vmem>>, vector<1x16xf32>,
      %add3A_676 = arith.addf %add3A_566, %select_n3A_667 : vector<16xf32>
      %mul3A_677 = arith.constant 16 : i32
      %mul3A_678 = arith.muli %scan3A_649, %mul3A_677 : i32
      %get3A_679 = arith.constant 1 : i32
      %get3A_680 = arith.index_cast %get3A_679 : i32 to index
      %get3A_681 = arith.index_cast %mul3A_678 : i32 to index
      %get3A_682 = tpu.vector_load %arg5[%get3A_680, %get3A_681] {strides = array<i32>} : memref<4x512xf32, #tpu.memory_space<vmem>>, vector<1x16xf32>,
      %get3A_683 = vector.shape_cast %get3A_682 : vector<1x16xf32> to vector<16xf32>
      %mul3A_684 = arith.constant 16 : i32
      %mul3A_685 = arith.muli %scan3A_649, %mul3A_684 : i32
      %get3A_686 = arith.constant 1 : i32
      %get3A_687 = arith.index_cast %get3A_686 : i32 to index
      %get3A_688 = arith.index_cast %mul3A_685 : i32 to index
      %get3A_689 = tpu.vector_load %arg6[%get3A_687, %get3A_688] {strides = array<i32>} : memref<4x512xi32, #tpu.memory_space<vmem>>, vector<1x16xi32>,
      %get3A_690 = vector.shape_cast %get3A_689 : vector<1x16xi32> to vector<16xi32>
      %ge3A_691 = arith.cmpi sge, %get3A_690, %scan3A_29#1 : vector<16xi32>
      %sub3A_692 = arith.subf %get3A_683, %max3A_104 : vector<16xf32>
      %exp3A_693 = math.exp %sub3A_692 : vector<16xf32>
      %select_n3A_694 = arith.select %ge3A_691, %exp3A_693, %broadcast_in_dim3A_9 : vector<16xi1>, vector<16xf32>
      %mul3A_695 = arith.constant 16 : i32
      %mul3A_696 = arith.muli %scan3A_649, %mul3A_695 : i32
      %swap3A_697 = arith.constant 1 : i32
      %swap3A_698 = arith.index_cast %swap3A_697 : i32 to index
      %swap3A_699 = arith.index_cast %mul3A_696 : i32 to index
      %swap3A_700 = tpu.vector_load %arg7[%swap3A_698, %swap3A_699] {strides = array<i32>} : memref<4x512xf32, #tpu.memory_space<vmem>>, vector<1x16xf32>,
      %swap3A_701 = vector.shape_cast %swap3A_700 : vector<1x16xf32> to vector<16xf32>
      %swap3A_702 = vector.shape_cast %select_n3A_694 : vector<16xf32> to vector<1x16xf32>
      tpu.vector_store %arg7[%swap3A_698, %swap3A_699], %swap3A_702 {strides = array<i32>} : memref<4x512xf32, #tpu.memory_space<vmem>>, vector<1x16xf32>,
      %add3A_703 = arith.addf %add3A_593, %select_n3A_694 : vector<16xf32>
      %mul3A_704 = arith.constant 16 : i32
      %mul3A_705 = arith.muli %scan3A_649, %mul3A_704 : i32
      %get3A_706 = arith.constant 2 : i32
      %get3A_707 = arith.index_cast %get3A_706 : i32 to index
      %get3A_708 = arith.index_cast %mul3A_705 : i32 to index
      %get3A_709 = tpu.vector_load %arg5[%get3A_707, %get3A_708] {strides = array<i32>} : memref<4x512xf32, #tpu.memory_space<vmem>>, vector<1x16xf32>,
      %get3A_710 = vector.shape_cast %get3A_709 : vector<1x16xf32> to vector<16xf32>
      %mul3A_711 = arith.constant 16 : i32
      %mul3A_712 = arith.muli %scan3A_649, %mul3A_711 : i32
      %get3A_713 = arith.constant 2 : i32
      %get3A_714 = arith.index_cast %get3A_713 : i32 to index
      %get3A_715 = arith.index_cast %mul3A_712 : i32 to index
      %get3A_716 = tpu.vector_load %arg6[%get3A_714, %get3A_715] {strides = array<i32>} : memref<4x512xi32, #tpu.memory_space<vmem>>, vector<1x16xi32>,
      %get3A_717 = vector.shape_cast %get3A_716 : vector<1x16xi32> to vector<16xi32>
      %ge3A_718 = arith.cmpi sge, %get3A_717, %scan3A_29#2 : vector<16xi32>
      %sub3A_719 = arith.subf %get3A_710, %max3A_136 : vector<16xf32>
      %exp3A_720 = math.exp %sub3A_719 : vector<16xf32>
      %select_n3A_721 = arith.select %ge3A_718, %exp3A_720, %broadcast_in_dim3A_9 : vector<16xi1>, vector<16xf32>
      %mul3A_722 = arith.constant 16 : i32
      %mul3A_723 = arith.muli %scan3A_649, %mul3A_722 : i32
      %swap3A_724 = arith.constant 2 : i32
      %swap3A_725 = arith.index_cast %swap3A_724 : i32 to index
      %swap3A_726 = arith.index_cast %mul3A_723 : i32 to index
      %swap3A_727 = tpu.vector_load %arg7[%swap3A_725, %swap3A_726] {strides = array<i32>} : memref<4x512xf32, #tpu.memory_space<vmem>>, vector<1x16xf32>,
      %swap3A_728 = vector.shape_cast %swap3A_727 : vector<1x16xf32> to vector<16xf32>
      %swap3A_729 = vector.shape_cast %select_n3A_721 : vector<16xf32> to vector<1x16xf32>
      tpu.vector_store %arg7[%swap3A_725, %swap3A_726], %swap3A_729 {strides = array<i32>} : memref<4x512xf32, #tpu.memory_space<vmem>>, vector<1x16xf32>,
      %add3A_730 = arith.addf %add3A_620, %select_n3A_721 : vector<16xf32>
      %mul3A_731 = arith.constant 16 : i32
      %mul3A_732 = arith.muli %scan3A_649, %mul3A_731 : i32
      %get3A_733 = arith.constant 3 : i32
      %get3A_734 = arith.index_cast %get3A_733 : i32 to index
      %get3A_735 = arith.index_cast %mul3A_732 : i32 to index
      %get3A_736 = tpu.vector_load %arg5[%get3A_734, %get3A_735] {strides = array<i32>} : memref<4x512xf32, #tpu.memory_space<vmem>>, vector<1x16xf32>,
      %get3A_737 = vector.shape_cast %get3A_736 : vector<1x16xf32> to vector<16xf32>
      %mul3A_738 = arith.constant 16 : i32
      %mul3A_739 = arith.muli %scan3A_649, %mul3A_738 : i32
      %get3A_740 = arith.constant 3 : i32
      %get3A_741 = arith.index_cast %get3A_740 : i32 to index
      %get3A_742 = arith.index_cast %mul3A_739 : i32 to index
      %get3A_743 = tpu.vector_load %arg6[%get3A_741, %get3A_742] {strides = array<i32>} : memref<4x512xi32, #tpu.memory_space<vmem>>, vector<1x16xi32>,
      %get3A_744 = vector.shape_cast %get3A_743 : vector<1x16xi32> to vector<16xi32>
      %ge3A_745 = arith.cmpi sge, %get3A_744, %scan3A_29#3 : vector<16xi32>
      %sub3A_746 = arith.subf %get3A_737, %max3A_168 : vector<16xf32>
      %exp3A_747 = math.exp %sub3A_746 : vector<16xf32>
      %select_n3A_748 = arith.select %ge3A_745, %exp3A_747, %broadcast_in_dim3A_9 : vector<16xi1>, vector<16xf32>
      %mul3A_749 = arith.constant 16 : i32
      %mul3A_750 = arith.muli %scan3A_649, %mul3A_749 : i32
      %swap3A_751 = arith.constant 3 : i32
      %swap3A_752 = arith.index_cast %swap3A_751 : i32 to index
      %swap3A_753 = arith.index_cast %mul3A_750 : i32 to index
      %swap3A_754 = tpu.vector_load %arg7[%swap3A_752, %swap3A_753] {strides = array<i32>} : memref<4x512xf32, #tpu.memory_space<vmem>>, vector<1x16xf32>,
      %swap3A_755 = vector.shape_cast %swap3A_754 : vector<1x16xf32> to vector<16xf32>
      %swap3A_756 = vector.shape_cast %select_n3A_748 : vector<16xf32> to vector<1x16xf32>
      tpu.vector_store %arg7[%swap3A_752, %swap3A_753], %swap3A_756 {strides = array<i32>} : memref<4x512xf32, #tpu.memory_space<vmem>>, vector<1x16xf32>,
      %add3A_757 = arith.addf %add3A_647, %select_n3A_748 : vector<16xf32>
      scf.yield %add3A_676, %add3A_703, %add3A_730, %add3A_757 : vector<16xf32>, vector<16xf32>, vector<16xf32>, vector<16xf32>
    }
    %scan3A_174 = arith.constant 32 : i32
    %broadcast_in_dim3A_175 = arith.constant 1.000000e+00 : f32
    %broadcast_in_dim3A_176 = vector.broadcast %broadcast_in_dim3A_175 : f32 to vector<16xf32>
    %iota3A_177 = tpu.iota {dimensions = array<i32: 0>} : vector<16xi32>
    %broadcast_in_dim3A_178 = arith.constant 8 : i32
    %broadcast_in_dim3A_179 = vector.broadcast %broadcast_in_dim3A_178 : i32 to vector<16xi32>
    %xor3A_180 = arith.xori %iota3A_177, %broadcast_in_dim3A_179 : vector<16xi32>
    %broadcast_in_dim3A_181 = vector.shape_cast %xor3A_180 : vector<16xi32> to vector<16x1xi32>
    %gather3A_182 = vector.shape_cast %broadcast_in_dim3A_181 : vector<16x1xi32> to vector<16xi32>
    %gather3A_183 = tpu.dynamic_gather %scan3A_173#0[%gather3A_182] in [0] : vector<16xf32>, vector<16xi32> -> vector<16xf32>
    %add3A_184 = arith.addf %scan3A_173#0, %gather3A_183 : vector<16xf32>
    %iota3A_185 = tpu.iota {dimensions = array<i32: 0>} : vector<16xi32>
    %broadcast_in_dim3A_186 = arith.constant 4 : i32
    %broadcast_in_dim3A_187 = vector.broadcast %broadcast_in_dim3A_186 : i32 to vector<16xi32>
    %xor3A_188 = arith.xori %iota3A_185, %broadcast_in_dim3A_187 : vector<16xi32>
    %broadcast_in_dim3A_189 = vector.shape_cast %xor3A_188 : vector<16xi32> to vector<16x1xi32>
    %gather3A_190 = vector.shape_cast %broadcast_in_dim3A_189 : vector<16x1xi32> to vector<16xi32>
    %gather3A_191 = tpu.dynamic_gather %add3A_184[%gather3A_190] in [0] : vector<16xf32>, vector<16xi32> -> vector<16xf32>
    %add3A_192 = arith.addf %add3A_184, %gather3A_191 : vector<16xf32>
    %iota3A_193 = tpu.iota {dimensions = array<i32: 0>} : vector<16xi32>
    %broadcast_in_dim3A_194 = arith.constant 2 : i32
    %broadcast_in_dim3A_195 = vector.broadcast %broadcast_in_dim3A_194 : i32 to vector<16xi32>
    %xor3A_196 = arith.xori %iota3A_193, %broadcast_in_dim3A_195 : vector<16xi32>
    %broadcast_in_dim3A_197 = vector.shape_cast %xor3A_196 : vector<16xi32> to vector<16x1xi32>
    %gather3A_198 = vector.shape_cast %broadcast_in_dim3A_197 : vector<16x1xi32> to vector<16xi32>
    %gather3A_199 = tpu.dynamic_gather %add3A_192[%gather3A_198] in [0] : vector<16xf32>, vector<16xi32> -> vector<16xf32>
    %add3A_200 = arith.addf %add3A_192, %gather3A_199 : vector<16xf32>
    %iota3A_201 = tpu.iota {dimensions = array<i32: 0>} : vector<16xi32>
    %broadcast_in_dim3A_202 = arith.constant 1 : i32
    %broadcast_in_dim3A_203 = vector.broadcast %broadcast_in_dim3A_202 : i32 to vector<16xi32>
    %xor3A_204 = arith.xori %iota3A_201, %broadcast_in_dim3A_203 : vector<16xi32>
    %broadcast_in_dim3A_205 = vector.shape_cast %xor3A_204 : vector<16xi32> to vector<16x1xi32>
    %gather3A_206 = vector.shape_cast %broadcast_in_dim3A_205 : vector<16x1xi32> to vector<16xi32>
    %gather3A_207 = tpu.dynamic_gather %add3A_200[%gather3A_206] in [0] : vector<16xf32>, vector<16xi32> -> vector<16xf32>
    %add3A_208 = arith.addf %add3A_200, %gather3A_207 : vector<16xf32>
    %div3A = arith.divf %broadcast_in_dim3A_176, %add3A_208 : vector<16xf32>
    %broadcast_in_dim3A_209 = arith.constant 1.000000e+00 : f32
    %broadcast_in_dim3A_210 = vector.broadcast %broadcast_in_dim3A_209 : f32 to vector<16xf32>
    %iota3A_211 = tpu.iota {dimensions = array<i32: 0>} : vector<16xi32>
    %broadcast_in_dim3A_212 = arith.constant 8 : i32
    %broadcast_in_dim3A_213 = vector.broadcast %broadcast_in_dim3A_212 : i32 to vector<16xi32>
    %xor3A_214 = arith.xori %iota3A_211, %broadcast_in_dim3A_213 : vector<16xi32>
    %broadcast_in_dim3A_215 = vector.shape_cast %xor3A_214 : vector<16xi32> to vector<16x1xi32>
    %gather3A_216 = vector.shape_cast %broadcast_in_dim3A_215 : vector<16x1xi32> to vector<16xi32>
    %gather3A_217 = tpu.dynamic_gather %scan3A_173#1[%gather3A_216] in [0] : vector<16xf32>, vector<16xi32> -> vector<16xf32>
    %add3A_218 = arith.addf %scan3A_173#1, %gather3A_217 : vector<16xf32>
    %iota3A_219 = tpu.iota {dimensions = array<i32: 0>} : vector<16xi32>
    %broadcast_in_dim3A_220 = arith.constant 4 : i32
    %broadcast_in_dim3A_221 = vector.broadcast %broadcast_in_dim3A_220 : i32 to vector<16xi32>
    %xor3A_222 = arith.xori %iota3A_219, %broadcast_in_dim3A_221 : vector<16xi32>
    %broadcast_in_dim3A_223 = vector.shape_cast %xor3A_222 : vector<16xi32> to vector<16x1xi32>
    %gather3A_224 = vector.shape_cast %broadcast_in_dim3A_223 : vector<16x1xi32> to vector<16xi32>
    %gather3A_225 = tpu.dynamic_gather %add3A_218[%gather3A_224] in [0] : vector<16xf32>, vector<16xi32> -> vector<16xf32>
    %add3A_226 = arith.addf %add3A_218, %gather3A_225 : vector<16xf32>
    %iota3A_227 = tpu.iota {dimensions = array<i32: 0>} : vector<16xi32>
    %broadcast_in_dim3A_228 = arith.constant 2 : i32
    %broadcast_in_dim3A_229 = vector.broadcast %broadcast_in_dim3A_228 : i32 to vector<16xi32>
    %xor3A_230 = arith.xori %iota3A_227, %broadcast_in_dim3A_229 : vector<16xi32>
    %broadcast_in_dim3A_231 = vector.shape_cast %xor3A_230 : vector<16xi32> to vector<16x1xi32>
    %gather3A_232 = vector.shape_cast %broadcast_in_dim3A_231 : vector<16x1xi32> to vector<16xi32>
    %gather3A_233 = tpu.dynamic_gather %add3A_226[%gather3A_232] in [0] : vector<16xf32>, vector<16xi32> -> vector<16xf32>
    %add3A_234 = arith.addf %add3A_226, %gather3A_233 : vector<16xf32>
    %iota3A_235 = tpu.iota {dimensions = array<i32: 0>} : vector<16xi32>
    %broadcast_in_dim3A_236 = arith.constant 1 : i32
    %broadcast_in_dim3A_237 = vector.broadcast %broadcast_in_dim3A_236 : i32 to vector<16xi32>
    %xor3A_238 = arith.xori %iota3A_235, %broadcast_in_dim3A_237 : vector<16xi32>
    %broadcast_in_dim3A_239 = vector.shape_cast %xor3A_238 : vector<16xi32> to vector<16x1xi32>
    %gather3A_240 = vector.shape_cast %broadcast_in_dim3A_239 : vector<16x1xi32> to vector<16xi32>
    %gather3A_241 = tpu.dynamic_gather %add3A_234[%gather3A_240] in [0] : vector<16xf32>, vector<16xi32> -> vector<16xf32>
    %add3A_242 = arith.addf %add3A_234, %gather3A_241 : vector<16xf32>
    %div3A_243 = arith.divf %broadcast_in_dim3A_210, %add3A_242 : vector<16xf32>
    %broadcast_in_dim3A_244 = arith.constant 1.000000e+00 : f32
    %broadcast_in_dim3A_245 = vector.broadcast %broadcast_in_dim3A_244 : f32 to vector<16xf32>
    %iota3A_246 = tpu.iota {dimensions = array<i32: 0>} : vector<16xi32>
    %broadcast_in_dim3A_247 = arith.constant 8 : i32
    %broadcast_in_dim3A_248 = vector.broadcast %broadcast_in_dim3A_247 : i32 to vector<16xi32>
    %xor3A_249 = arith.xori %iota3A_246, %broadcast_in_dim3A_248 : vector<16xi32>
    %broadcast_in_dim3A_250 = vector.shape_cast %xor3A_249 : vector<16xi32> to vector<16x1xi32>
    %gather3A_251 = vector.shape_cast %broadcast_in_dim3A_250 : vector<16x1xi32> to vector<16xi32>
    %gather3A_252 = tpu.dynamic_gather %scan3A_173#2[%gather3A_251] in [0] : vector<16xf32>, vector<16xi32> -> vector<16xf32>
    %add3A_253 = arith.addf %scan3A_173#2, %gather3A_252 : vector<16xf32>
    %iota3A_254 = tpu.iota {dimensions = array<i32: 0>} : vector<16xi32>
    %broadcast_in_dim3A_255 = arith.constant 4 : i32
    %broadcast_in_dim3A_256 = vector.broadcast %broadcast_in_dim3A_255 : i32 to vector<16xi32>
    %xor3A_257 = arith.xori %iota3A_254, %broadcast_in_dim3A_256 : vector<16xi32>
    %broadcast_in_dim3A_258 = vector.shape_cast %xor3A_257 : vector<16xi32> to vector<16x1xi32>
    %gather3A_259 = vector.shape_cast %broadcast_in_dim3A_258 : vector<16x1xi32> to vector<16xi32>
    %gather3A_260 = tpu.dynamic_gather %add3A_253[%gather3A_259] in [0] : vector<16xf32>, vector<16xi32> -> vector<16xf32>
    %add3A_261 = arith.addf %add3A_253, %gather3A_260 : vector<16xf32>
    %iota3A_262 = tpu.iota {dimensions = array<i32: 0>} : vector<16xi32>
    %broadcast_in_dim3A_263 = arith.constant 2 : i32
    %broadcast_in_dim3A_264 = vector.broadcast %broadcast_in_dim3A_263 : i32 to vector<16xi32>
    %xor3A_265 = arith.xori %iota3A_262, %broadcast_in_dim3A_264 : vector<16xi32>
    %broadcast_in_dim3A_266 = vector.shape_cast %xor3A_265 : vector<16xi32> to vector<16x1xi32>
    %gather3A_267 = vector.shape_cast %broadcast_in_dim3A_266 : vector<16x1xi32> to vector<16xi32>
    %gather3A_268 = tpu.dynamic_gather %add3A_261[%gather3A_267] in [0] : vector<16xf32>, vector<16xi32> -> vector<16xf32>
    %add3A_269 = arith.addf %add3A_261, %gather3A_268 : vector<16xf32>
    %iota3A_270 = tpu.iota {dimensions = array<i32: 0>} : vector<16xi32>
    %broadcast_in_dim3A_271 = arith.constant 1 : i32
    %broadcast_in_dim3A_272 = vector.broadcast %broadcast_in_dim3A_271 : i32 to vector<16xi32>
    %xor3A_273 = arith.xori %iota3A_270, %broadcast_in_dim3A_272 : vector<16xi32>
    %broadcast_in_dim3A_274 = vector.shape_cast %xor3A_273 : vector<16xi32> to vector<16x1xi32>
    %gather3A_275 = vector.shape_cast %broadcast_in_dim3A_274 : vector<16x1xi32> to vector<16xi32>
    %gather3A_276 = tpu.dynamic_gather %add3A_269[%gather3A_275] in [0] : vector<16xf32>, vector<16xi32> -> vector<16xf32>
    %add3A_277 = arith.addf %add3A_269, %gather3A_276 : vector<16xf32>
    %div3A_278 = arith.divf %broadcast_in_dim3A_245, %add3A_277 : vector<16xf32>
    %broadcast_in_dim3A_279 = arith.constant 1.000000e+00 : f32
    %broadcast_in_dim3A_280 = vector.broadcast %broadcast_in_dim3A_279 : f32 to vector<16xf32>
    %iota3A_281 = tpu.iota {dimensions = array<i32: 0>} : vector<16xi32>
    %broadcast_in_dim3A_282 = arith.constant 8 : i32
    %broadcast_in_dim3A_283 = vector.broadcast %broadcast_in_dim3A_282 : i32 to vector<16xi32>
    %xor3A_284 = arith.xori %iota3A_281, %broadcast_in_dim3A_283 : vector<16xi32>
    %broadcast_in_dim3A_285 = vector.shape_cast %xor3A_284 : vector<16xi32> to vector<16x1xi32>
    %gather3A_286 = vector.shape_cast %broadcast_in_dim3A_285 : vector<16x1xi32> to vector<16xi32>
    %gather3A_287 = tpu.dynamic_gather %scan3A_173#3[%gather3A_286] in [0] : vector<16xf32>, vector<16xi32> -> vector<16xf32>
    %add3A_288 = arith.addf %scan3A_173#3, %gather3A_287 : vector<16xf32>
    %iota3A_289 = tpu.iota {dimensions = array<i32: 0>} : vector<16xi32>
    %broadcast_in_dim3A_290 = arith.constant 4 : i32
    %broadcast_in_dim3A_291 = vector.broadcast %broadcast_in_dim3A_290 : i32 to vector<16xi32>
    %xor3A_292 = arith.xori %iota3A_289, %broadcast_in_dim3A_291 : vector<16xi32>
    %broadcast_in_dim3A_293 = vector.shape_cast %xor3A_292 : vector<16xi32> to vector<16x1xi32>
    %gather3A_294 = vector.shape_cast %broadcast_in_dim3A_293 : vector<16x1xi32> to vector<16xi32>
    %gather3A_295 = tpu.dynamic_gather %add3A_288[%gather3A_294] in [0] : vector<16xf32>, vector<16xi32> -> vector<16xf32>
    %add3A_296 = arith.addf %add3A_288, %gather3A_295 : vector<16xf32>
    %iota3A_297 = tpu.iota {dimensions = array<i32: 0>} : vector<16xi32>
    %broadcast_in_dim3A_298 = arith.constant 2 : i32
    %broadcast_in_dim3A_299 = vector.broadcast %broadcast_in_dim3A_298 : i32 to vector<16xi32>
    %xor3A_300 = arith.xori %iota3A_297, %broadcast_in_dim3A_299 : vector<16xi32>
    %broadcast_in_dim3A_301 = vector.shape_cast %xor3A_300 : vector<16xi32> to vector<16x1xi32>
    %gather3A_302 = vector.shape_cast %broadcast_in_dim3A_301 : vector<16x1xi32> to vector<16xi32>
    %gather3A_303 = tpu.dynamic_gather %add3A_296[%gather3A_302] in [0] : vector<16xf32>, vector<16xi32> -> vector<16xf32>
    %add3A_304 = arith.addf %add3A_296, %gather3A_303 : vector<16xf32>
    %iota3A_305 = tpu.iota {dimensions = array<i32: 0>} : vector<16xi32>
    %broadcast_in_dim3A_306 = arith.constant 1 : i32
    %broadcast_in_dim3A_307 = vector.broadcast %broadcast_in_dim3A_306 : i32 to vector<16xi32>
    %xor3A_308 = arith.xori %iota3A_305, %broadcast_in_dim3A_307 : vector<16xi32>
    %broadcast_in_dim3A_309 = vector.shape_cast %xor3A_308 : vector<16xi32> to vector<16x1xi32>
    %gather3A_310 = vector.shape_cast %broadcast_in_dim3A_309 : vector<16x1xi32> to vector<16xi32>
    %gather3A_311 = tpu.dynamic_gather %add3A_304[%gather3A_310] in [0] : vector<16xf32>, vector<16xi32> -> vector<16xf32>
    %add3A_312 = arith.addf %add3A_304, %gather3A_311 : vector<16xf32>
    %div3A_313 = arith.divf %broadcast_in_dim3A_280, %add3A_312 : vector<16xf32>
    %scan3A_314 = arith.constant 0 : i32
    %scan3A_315 = arith.constant 0 : i32
    %scan3A_316 = arith.constant 32 : i32
    %scan3A_317 = arith.addi %scan3A_315, %scan3A_316 : i32
    %scan3A_318 = arith.constant 4 : i32
    %scan3A_319 = scf.for %scan3A_321 = %scan3A_315 to %scan3A_317 step %scan3A_318 iter_args(%scan3A_322 = %scan3A_314) -> (i32)  : i32 {
      %mul3A_323 = arith.constant 16 : i32
      %mul3A_324 = arith.muli %scan3A_321, %mul3A_323 : i32
      %get3A = arith.constant 0 : i32
      %get3A_325 = arith.index_cast %get3A : i32 to index
      %get3A_326 = arith.index_cast %mul3A_324 : i32 to index
      %get3A_327 = tpu.vector_load %arg7[%get3A_325, %get3A_326] {strides = array<i32>} : memref<4x512xf32, #tpu.memory_space<vmem>>, vector<1x16xf32>,
      %get3A_328 = vector.shape_cast %get3A_327 : vector<1x16xf32> to vector<16xf32>
      %mul3A_329 = arith.mulf %get3A_328, %div3A : vector<16xf32>
      %mul3A_330 = arith.constant 16 : i32
      %mul3A_331 = arith.muli %scan3A_321, %mul3A_330 : i32
      %swap3A = arith.constant 0 : i32
      %swap3A_332 = arith.index_cast %swap3A : i32 to index
      %swap3A_333 = arith.index_cast %mul3A_331 : i32 to index
      %swap3A_334 = tpu.vector_load %arg7[%swap3A_332, %swap3A_333] {strides = array<i32>} : memref<4x512xf32, #tpu.memory_space<vmem>>, vector<1x16xf32>,
      %swap3A_335 = vector.shape_cast %swap3A_334 : vector<1x16xf32> to vector<16xf32>
      %swap3A_336 = vector.shape_cast %mul3A_329 : vector<16xf32> to vector<1x16xf32>
      tpu.vector_store %arg7[%swap3A_332, %swap3A_333], %swap3A_336 {strides = array<i32>} : memref<4x512xf32, #tpu.memory_space<vmem>>, vector<1x16xf32>,
      %mul3A_337 = arith.constant 16 : i32
      %mul3A_338 = arith.muli %scan3A_321, %mul3A_337 : i32
      %get3A_339 = arith.constant 1 : i32
      %get3A_340 = arith.index_cast %get3A_339 : i32 to index
      %get3A_341 = arith.index_cast %mul3A_338 : i32 to index
      %get3A_342 = tpu.vector_load %arg7[%get3A_340, %get3A_341] {strides = array<i32>} : memref<4x512xf32, #tpu.memory_space<vmem>>, vector<1x16xf32>,
      %get3A_343 = vector.shape_cast %get3A_342 : vector<1x16xf32> to vector<16xf32>
      %mul3A_344 = arith.mulf %get3A_343, %div3A_243 : vector<16xf32>
      %mul3A_345 = arith.constant 16 : i32
      %mul3A_346 = arith.muli %scan3A_321, %mul3A_345 : i32
      %swap3A_347 = arith.constant 1 : i32
      %swap3A_348 = arith.index_cast %swap3A_347 : i32 to index
      %swap3A_349 = arith.index_cast %mul3A_346 : i32 to index
      %swap3A_350 = tpu.vector_load %arg7[%swap3A_348, %swap3A_349] {strides = array<i32>} : memref<4x512xf32, #tpu.memory_space<vmem>>, vector<1x16xf32>,
      %swap3A_351 = vector.shape_cast %swap3A_350 : vector<1x16xf32> to vector<16xf32>
      %swap3A_352 = vector.shape_cast %mul3A_344 : vector<16xf32> to vector<1x16xf32>
      tpu.vector_store %arg7[%swap3A_348, %swap3A_349], %swap3A_352 {strides = array<i32>} : memref<4x512xf32, #tpu.memory_space<vmem>>, vector<1x16xf32>,
      %mul3A_353 = arith.constant 16 : i32
      %mul3A_354 = arith.muli %scan3A_321, %mul3A_353 : i32
      %get3A_355 = arith.constant 2 : i32
      %get3A_356 = arith.index_cast %get3A_355 : i32 to index
      %get3A_357 = arith.index_cast %mul3A_354 : i32 to index
      %get3A_358 = tpu.vector_load %arg7[%get3A_356, %get3A_357] {strides = array<i32>} : memref<4x512xf32, #tpu.memory_space<vmem>>, vector<1x16xf32>,
      %get3A_359 = vector.shape_cast %get3A_358 : vector<1x16xf32> to vector<16xf32>
      %mul3A_360 = arith.mulf %get3A_359, %div3A_278 : vector<16xf32>
      %mul3A_361 = arith.constant 16 : i32
      %mul3A_362 = arith.muli %scan3A_321, %mul3A_361 : i32
      %swap3A_363 = arith.constant 2 : i32
      %swap3A_364 = arith.index_cast %swap3A_363 : i32 to index
      %swap3A_365 = arith.index_cast %mul3A_362 : i32 to index
      %swap3A_366 = tpu.vector_load %arg7[%swap3A_364, %swap3A_365] {strides = array<i32>} : memref<4x512xf32, #tpu.memory_space<vmem>>, vector<1x16xf32>,
      %swap3A_367 = vector.shape_cast %swap3A_366 : vector<1x16xf32> to vector<16xf32>
      %swap3A_368 = vector.shape_cast %mul3A_360 : vector<16xf32> to vector<1x16xf32>
      tpu.vector_store %arg7[%swap3A_364, %swap3A_365], %swap3A_368 {strides = array<i32>} : memref<4x512xf32, #tpu.memory_space<vmem>>, vector<1x16xf32>,
      %mul3A_369 = arith.constant 16 : i32
      %mul3A_370 = arith.muli %scan3A_321, %mul3A_369 : i32
      %get3A_371 = arith.constant 3 : i32
      %get3A_372 = arith.index_cast %get3A_371 : i32 to index
      %get3A_373 = arith.index_cast %mul3A_370 : i32 to index
      %get3A_374 = tpu.vector_load %arg7[%get3A_372, %get3A_373] {strides = array<i32>} : memref<4x512xf32, #tpu.memory_space<vmem>>, vector<1x16xf32>,
      %get3A_375 = vector.shape_cast %get3A_374 : vector<1x16xf32> to vector<16xf32>
      %mul3A_376 = arith.mulf %get3A_375, %div3A_313 : vector<16xf32>
      %mul3A_377 = arith.constant 16 : i32
      %mul3A_378 = arith.muli %scan3A_321, %mul3A_377 : i32
      %swap3A_379 = arith.constant 3 : i32
      %swap3A_380 = arith.index_cast %swap3A_379 : i32 to index
      %swap3A_381 = arith.index_cast %mul3A_378 : i32 to index
      %swap3A_382 = tpu.vector_load %arg7[%swap3A_380, %swap3A_381] {strides = array<i32>} : memref<4x512xf32, #tpu.memory_space<vmem>>, vector<1x16xf32>,
      %swap3A_383 = vector.shape_cast %swap3A_382 : vector<1x16xf32> to vector<16xf32>
      %swap3A_384 = vector.shape_cast %mul3A_376 : vector<16xf32> to vector<1x16xf32>
      tpu.vector_store %arg7[%swap3A_380, %swap3A_381], %swap3A_384 {strides = array<i32>} : memref<4x512xf32, #tpu.memory_space<vmem>>, vector<1x16xf32>,
      %scan3A_385 = arith.constant 0 : i32
      %scan3A_386 = arith.constant 1 : i32
      %scan3A_387 = arith.addi %scan3A_321, %scan3A_386 : i32
      %mul3A_388 = arith.constant 16 : i32
      %mul3A_389 = arith.muli %scan3A_387, %mul3A_388 : i32
      %get3A_390 = arith.constant 0 : i32
      %get3A_391 = arith.index_cast %get3A_390 : i32 to index
      %get3A_392 = arith.index_cast %mul3A_389 : i32 to index
      %get3A_393 = tpu.vector_load %arg7[%get3A_391, %get3A_392] {strides = array<i32>} : memref<4x512xf32, #tpu.memory_space<vmem>>, vector<1x16xf32>,
      %get3A_394 = vector.shape_cast %get3A_393 : vector<1x16xf32> to vector<16xf32>
      %mul3A_395 = arith.mulf %get3A_394, %div3A : vector<16xf32>
      %mul3A_396 = arith.constant 16 : i32
      %mul3A_397 = arith.muli %scan3A_387, %mul3A_396 : i32
      %swap3A_398 = arith.constant 0 : i32
      %swap3A_399 = arith.index_cast %swap3A_398 : i32 to index
      %swap3A_400 = arith.index_cast %mul3A_397 : i32 to index
      %swap3A_401 = tpu.vector_load %arg7[%swap3A_399, %swap3A_400] {strides = array<i32>} : memref<4x512xf32, #tpu.memory_space<vmem>>, vector<1x16xf32>,
      %swap3A_402 = vector.shape_cast %swap3A_401 : vector<1x16xf32> to vector<16xf32>
      %swap3A_403 = vector.shape_cast %mul3A_395 : vector<16xf32> to vector<1x16xf32>
      tpu.vector_store %arg7[%swap3A_399, %swap3A_400], %swap3A_403 {strides = array<i32>} : memref<4x512xf32, #tpu.memory_space<vmem>>, vector<1x16xf32>,
      %mul3A_404 = arith.constant 16 : i32
      %mul3A_405 = arith.muli %scan3A_387, %mul3A_404 : i32
      %get3A_406 = arith.constant 1 : i32
      %get3A_407 = arith.index_cast %get3A_406 : i32 to index
      %get3A_408 = arith.index_cast %mul3A_405 : i32 to index
      %get3A_409 = tpu.vector_load %arg7[%get3A_407, %get3A_408] {strides = array<i32>} : memref<4x512xf32, #tpu.memory_space<vmem>>, vector<1x16xf32>,
      %get3A_410 = vector.shape_cast %get3A_409 : vector<1x16xf32> to vector<16xf32>
      %mul3A_411 = arith.mulf %get3A_410, %div3A_243 : vector<16xf32>
      %mul3A_412 = arith.constant 16 : i32
      %mul3A_413 = arith.muli %scan3A_387, %mul3A_412 : i32
      %swap3A_414 = arith.constant 1 : i32
      %swap3A_415 = arith.index_cast %swap3A_414 : i32 to index
      %swap3A_416 = arith.index_cast %mul3A_413 : i32 to index
      %swap3A_417 = tpu.vector_load %arg7[%swap3A_415, %swap3A_416] {strides = array<i32>} : memref<4x512xf32, #tpu.memory_space<vmem>>, vector<1x16xf32>,
      %swap3A_418 = vector.shape_cast %swap3A_417 : vector<1x16xf32> to vector<16xf32>
      %swap3A_419 = vector.shape_cast %mul3A_411 : vector<16xf32> to vector<1x16xf32>
      tpu.vector_store %arg7[%swap3A_415, %swap3A_416], %swap3A_419 {strides = array<i32>} : memref<4x512xf32, #tpu.memory_space<vmem>>, vector<1x16xf32>,
      %mul3A_420 = arith.constant 16 : i32
      %mul3A_421 = arith.muli %scan3A_387, %mul3A_420 : i32
      %get3A_422 = arith.constant 2 : i32
      %get3A_423 = arith.index_cast %get3A_422 : i32 to index
      %get3A_424 = arith.index_cast %mul3A_421 : i32 to index
      %get3A_425 = tpu.vector_load %arg7[%get3A_423, %get3A_424] {strides = array<i32>} : memref<4x512xf32, #tpu.memory_space<vmem>>, vector<1x16xf32>,
      %get3A_426 = vector.shape_cast %get3A_425 : vector<1x16xf32> to vector<16xf32>
      %mul3A_427 = arith.mulf %get3A_426, %div3A_278 : vector<16xf32>
      %mul3A_428 = arith.constant 16 : i32
      %mul3A_429 = arith.muli %scan3A_387, %mul3A_428 : i32
      %swap3A_430 = arith.constant 2 : i32
      %swap3A_431 = arith.index_cast %swap3A_430 : i32 to index
      %swap3A_432 = arith.index_cast %mul3A_429 : i32 to index
      %swap3A_433 = tpu.vector_load %arg7[%swap3A_431, %swap3A_432] {strides = array<i32>} : memref<4x512xf32, #tpu.memory_space<vmem>>, vector<1x16xf32>,
      %swap3A_434 = vector.shape_cast %swap3A_433 : vector<1x16xf32> to vector<16xf32>
      %swap3A_435 = vector.shape_cast %mul3A_427 : vector<16xf32> to vector<1x16xf32>
      tpu.vector_store %arg7[%swap3A_431, %swap3A_432], %swap3A_435 {strides = array<i32>} : memref<4x512xf32, #tpu.memory_space<vmem>>, vector<1x16xf32>,
      %mul3A_436 = arith.constant 16 : i32
      %mul3A_437 = arith.muli %scan3A_387, %mul3A_436 : i32
      %get3A_438 = arith.constant 3 : i32
      %get3A_439 = arith.index_cast %get3A_438 : i32 to index
      %get3A_440 = arith.index_cast %mul3A_437 : i32 to index
      %get3A_441 = tpu.vector_load %arg7[%get3A_439, %get3A_440] {strides = array<i32>} : memref<4x512xf32, #tpu.memory_space<vmem>>, vector<1x16xf32>,
      %get3A_442 = vector.shape_cast %get3A_441 : vector<1x16xf32> to vector<16xf32>
      %mul3A_443 = arith.mulf %get3A_442, %div3A_313 : vector<16xf32>
      %mul3A_444 = arith.constant 16 : i32
      %mul3A_445 = arith.muli %scan3A_387, %mul3A_444 : i32
      %swap3A_446 = arith.constant 3 : i32
      %swap3A_447 = arith.index_cast %swap3A_446 : i32 to index
      %swap3A_448 = arith.index_cast %mul3A_445 : i32 to index
      %swap3A_449 = tpu.vector_load %arg7[%swap3A_447, %swap3A_448] {strides = array<i32>} : memref<4x512xf32, #tpu.memory_space<vmem>>, vector<1x16xf32>,
      %swap3A_450 = vector.shape_cast %swap3A_449 : vector<1x16xf32> to vector<16xf32>
      %swap3A_451 = vector.shape_cast %mul3A_443 : vector<16xf32> to vector<1x16xf32>
      tpu.vector_store %arg7[%swap3A_447, %swap3A_448], %swap3A_451 {strides = array<i32>} : memref<4x512xf32, #tpu.memory_space<vmem>>, vector<1x16xf32>,
      %scan3A_452 = arith.constant 0 : i32
      %scan3A_453 = arith.constant 2 : i32
      %scan3A_454 = arith.addi %scan3A_321, %scan3A_453 : i32
      %mul3A_455 = arith.constant 16 : i32
      %mul3A_456 = arith.muli %scan3A_454, %mul3A_455 : i32
      %get3A_457 = arith.constant 0 : i32
      %get3A_458 = arith.index_cast %get3A_457 : i32 to index
      %get3A_459 = arith.index_cast %mul3A_456 : i32 to index
      %get3A_460 = tpu.vector_load %arg7[%get3A_458, %get3A_459] {strides = array<i32>} : memref<4x512xf32, #tpu.memory_space<vmem>>, vector<1x16xf32>,
      %get3A_461 = vector.shape_cast %get3A_460 : vector<1x16xf32> to vector<16xf32>
      %mul3A_462 = arith.mulf %get3A_461, %div3A : vector<16xf32>
      %mul3A_463 = arith.constant 16 : i32
      %mul3A_464 = arith.muli %scan3A_454, %mul3A_463 : i32
      %swap3A_465 = arith.constant 0 : i32
      %swap3A_466 = arith.index_cast %swap3A_465 : i32 to index
      %swap3A_467 = arith.index_cast %mul3A_464 : i32 to index
      %swap3A_468 = tpu.vector_load %arg7[%swap3A_466, %swap3A_467] {strides = array<i32>} : memref<4x512xf32, #tpu.memory_space<vmem>>, vector<1x16xf32>,
      %swap3A_469 = vector.shape_cast %swap3A_468 : vector<1x16xf32> to vector<16xf32>
      %swap3A_470 = vector.shape_cast %mul3A_462 : vector<16xf32> to vector<1x16xf32>
      tpu.vector_store %arg7[%swap3A_466, %swap3A_467], %swap3A_470 {strides = array<i32>} : memref<4x512xf32, #tpu.memory_space<vmem>>, vector<1x16xf32>,
      %mul3A_471 = arith.constant 16 : i32
      %mul3A_472 = arith.muli %scan3A_454, %mul3A_471 : i32
      %get3A_473 = arith.constant 1 : i32
      %get3A_474 = arith.index_cast %get3A_473 : i32 to index
      %get3A_475 = arith.index_cast %mul3A_472 : i32 to index
      %get3A_476 = tpu.vector_load %arg7[%get3A_474, %get3A_475] {strides = array<i32>} : memref<4x512xf32, #tpu.memory_space<vmem>>, vector<1x16xf32>,
      %get3A_477 = vector.shape_cast %get3A_476 : vector<1x16xf32> to vector<16xf32>
      %mul3A_478 = arith.mulf %get3A_477, %div3A_243 : vector<16xf32>
      %mul3A_479 = arith.constant 16 : i32
      %mul3A_480 = arith.muli %scan3A_454, %mul3A_479 : i32
      %swap3A_481 = arith.constant 1 : i32
      %swap3A_482 = arith.index_cast %swap3A_481 : i32 to index
      %swap3A_483 = arith.index_cast %mul3A_480 : i32 to index
      %swap3A_484 = tpu.vector_load %arg7[%swap3A_482, %swap3A_483] {strides = array<i32>} : memref<4x512xf32, #tpu.memory_space<vmem>>, vector<1x16xf32>,
      %swap3A_485 = vector.shape_cast %swap3A_484 : vector<1x16xf32> to vector<16xf32>
      %swap3A_486 = vector.shape_cast %mul3A_478 : vector<16xf32> to vector<1x16xf32>
      tpu.vector_store %arg7[%swap3A_482, %swap3A_483], %swap3A_486 {strides = array<i32>} : memref<4x512xf32, #tpu.memory_space<vmem>>, vector<1x16xf32>,
      %mul3A_487 = arith.constant 16 : i32
      %mul3A_488 = arith.muli %scan3A_454, %mul3A_487 : i32
      %get3A_489 = arith.constant 2 : i32
      %get3A_490 = arith.index_cast %get3A_489 : i32 to index
      %get3A_491 = arith.index_cast %mul3A_488 : i32 to index
      %get3A_492 = tpu.vector_load %arg7[%get3A_490, %get3A_491] {strides = array<i32>} : memref<4x512xf32, #tpu.memory_space<vmem>>, vector<1x16xf32>,
      %get3A_493 = vector.shape_cast %get3A_492 : vector<1x16xf32> to vector<16xf32>
      %mul3A_494 = arith.mulf %get3A_493, %div3A_278 : vector<16xf32>
      %mul3A_495 = arith.constant 16 : i32
      %mul3A_496 = arith.muli %scan3A_454, %mul3A_495 : i32
      %swap3A_497 = arith.constant 2 : i32
      %swap3A_498 = arith.index_cast %swap3A_497 : i32 to index
      %swap3A_499 = arith.index_cast %mul3A_496 : i32 to index
      %swap3A_500 = tpu.vector_load %arg7[%swap3A_498, %swap3A_499] {strides = array<i32>} : memref<4x512xf32, #tpu.memory_space<vmem>>, vector<1x16xf32>,
      %swap3A_501 = vector.shape_cast %swap3A_500 : vector<1x16xf32> to vector<16xf32>
      %swap3A_502 = vector.shape_cast %mul3A_494 : vector<16xf32> to vector<1x16xf32>
      tpu.vector_store %arg7[%swap3A_498, %swap3A_499], %swap3A_502 {strides = array<i32>} : memref<4x512xf32, #tpu.memory_space<vmem>>, vector<1x16xf32>,
      %mul3A_503 = arith.constant 16 : i32
      %mul3A_504 = arith.muli %scan3A_454, %mul3A_503 : i32
      %get3A_505 = arith.constant 3 : i32
      %get3A_506 = arith.index_cast %get3A_505 : i32 to index
      %get3A_507 = arith.index_cast %mul3A_504 : i32 to index
      %get3A_508 = tpu.vector_load %arg7[%get3A_506, %get3A_507] {strides = array<i32>} : memref<4x512xf32, #tpu.memory_space<vmem>>, vector<1x16xf32>,
      %get3A_509 = vector.shape_cast %get3A_508 : vector<1x16xf32> to vector<16xf32>
      %mul3A_510 = arith.mulf %get3A_509, %div3A_313 : vector<16xf32>
      %mul3A_511 = arith.constant 16 : i32
      %mul3A_512 = arith.muli %scan3A_454, %mul3A_511 : i32
      %swap3A_513 = arith.constant 3 : i32
      %swap3A_514 = arith.index_cast %swap3A_513 : i32 to index
      %swap3A_515 = arith.index_cast %mul3A_512 : i32 to index
      %swap3A_516 = tpu.vector_load %arg7[%swap3A_514, %swap3A_515] {strides = array<i32>} : memref<4x512xf32, #tpu.memory_space<vmem>>, vector<1x16xf32>,
      %swap3A_517 = vector.shape_cast %swap3A_516 : vector<1x16xf32> to vector<16xf32>
      %swap3A_518 = vector.shape_cast %mul3A_510 : vector<16xf32> to vector<1x16xf32>
      tpu.vector_store %arg7[%swap3A_514, %swap3A_515], %swap3A_518 {strides = array<i32>} : memref<4x512xf32, #tpu.memory_space<vmem>>, vector<1x16xf32>,
      %scan3A_519 = arith.constant 0 : i32
      %scan3A_520 = arith.constant 3 : i32
      %scan3A_521 = arith.addi %scan3A_321, %scan3A_520 : i32
      %mul3A_522 = arith.constant 16 : i32
      %mul3A_523 = arith.muli %scan3A_521, %mul3A_522 : i32
      %get3A_524 = arith.constant 0 : i32
      %get3A_525 = arith.index_cast %get3A_524 : i32 to index
      %get3A_526 = arith.index_cast %mul3A_523 : i32 to index
      %get3A_527 = tpu.vector_load %arg7[%get3A_525, %get3A_526] {strides = array<i32>} : memref<4x512xf32, #tpu.memory_space<vmem>>, vector<1x16xf32>,
      %get3A_528 = vector.shape_cast %get3A_527 : vector<1x16xf32> to vector<16xf32>
      %mul3A_529 = arith.mulf %get3A_528, %div3A : vector<16xf32>
      %mul3A_530 = arith.constant 16 : i32
      %mul3A_531 = arith.muli %scan3A_521, %mul3A_530 : i32
      %swap3A_532 = arith.constant 0 : i32
      %swap3A_533 = arith.index_cast %swap3A_532 : i32 to index
      %swap3A_534 = arith.index_cast %mul3A_531 : i32 to index
      %swap3A_535 = tpu.vector_load %arg7[%swap3A_533, %swap3A_534] {strides = array<i32>} : memref<4x512xf32, #tpu.memory_space<vmem>>, vector<1x16xf32>,
      %swap3A_536 = vector.shape_cast %swap3A_535 : vector<1x16xf32> to vector<16xf32>
      %swap3A_537 = vector.shape_cast %mul3A_529 : vector<16xf32> to vector<1x16xf32>
      tpu.vector_store %arg7[%swap3A_533, %swap3A_534], %swap3A_537 {strides = array<i32>} : memref<4x512xf32, #tpu.memory_space<vmem>>, vector<1x16xf32>,
      %mul3A_538 = arith.constant 16 : i32
      %mul3A_539 = arith.muli %scan3A_521, %mul3A_538 : i32
      %get3A_540 = arith.constant 1 : i32
      %get3A_541 = arith.index_cast %get3A_540 : i32 to index
      %get3A_542 = arith.index_cast %mul3A_539 : i32 to index
      %get3A_543 = tpu.vector_load %arg7[%get3A_541, %get3A_542] {strides = array<i32>} : memref<4x512xf32, #tpu.memory_space<vmem>>, vector<1x16xf32>,
      %get3A_544 = vector.shape_cast %get3A_543 : vector<1x16xf32> to vector<16xf32>
      %mul3A_545 = arith.mulf %get3A_544, %div3A_243 : vector<16xf32>
      %mul3A_546 = arith.constant 16 : i32
      %mul3A_547 = arith.muli %scan3A_521, %mul3A_546 : i32
      %swap3A_548 = arith.constant 1 : i32
      %swap3A_549 = arith.index_cast %swap3A_548 : i32 to index
      %swap3A_550 = arith.index_cast %mul3A_547 : i32 to index
      %swap3A_551 = tpu.vector_load %arg7[%swap3A_549, %swap3A_550] {strides = array<i32>} : memref<4x512xf32, #tpu.memory_space<vmem>>, vector<1x16xf32>,
      %swap3A_552 = vector.shape_cast %swap3A_551 : vector<1x16xf32> to vector<16xf32>
      %swap3A_553 = vector.shape_cast %mul3A_545 : vector<16xf32> to vector<1x16xf32>
      tpu.vector_store %arg7[%swap3A_549, %swap3A_550], %swap3A_553 {strides = array<i32>} : memref<4x512xf32, #tpu.memory_space<vmem>>, vector<1x16xf32>,
      %mul3A_554 = arith.constant 16 : i32
      %mul3A_555 = arith.muli %scan3A_521, %mul3A_554 : i32
      %get3A_556 = arith.constant 2 : i32
      %get3A_557 = arith.index_cast %get3A_556 : i32 to index
      %get3A_558 = arith.index_cast %mul3A_555 : i32 to index
      %get3A_559 = tpu.vector_load %arg7[%get3A_557, %get3A_558] {strides = array<i32>} : memref<4x512xf32, #tpu.memory_space<vmem>>, vector<1x16xf32>,
      %get3A_560 = vector.shape_cast %get3A_559 : vector<1x16xf32> to vector<16xf32>
      %mul3A_561 = arith.mulf %get3A_560, %div3A_278 : vector<16xf32>
      %mul3A_562 = arith.constant 16 : i32
      %mul3A_563 = arith.muli %scan3A_521, %mul3A_562 : i32
      %swap3A_564 = arith.constant 2 : i32
      %swap3A_565 = arith.index_cast %swap3A_564 : i32 to index
      %swap3A_566 = arith.index_cast %mul3A_563 : i32 to index
      %swap3A_567 = tpu.vector_load %arg7[%swap3A_565, %swap3A_566] {strides = array<i32>} : memref<4x512xf32, #tpu.memory_space<vmem>>, vector<1x16xf32>,
      %swap3A_568 = vector.shape_cast %swap3A_567 : vector<1x16xf32> to vector<16xf32>
      %swap3A_569 = vector.shape_cast %mul3A_561 : vector<16xf32> to vector<1x16xf32>
      tpu.vector_store %arg7[%swap3A_565, %swap3A_566], %swap3A_569 {strides = array<i32>} : memref<4x512xf32, #tpu.memory_space<vmem>>, vector<1x16xf32>,
      %mul3A_570 = arith.constant 16 : i32
      %mul3A_571 = arith.muli %scan3A_521, %mul3A_570 : i32
      %get3A_572 = arith.constant 3 : i32
      %get3A_573 = arith.index_cast %get3A_572 : i32 to index
      %get3A_574 = arith.index_cast %mul3A_571 : i32 to index
      %get3A_575 = tpu.vector_load %arg7[%get3A_573, %get3A_574] {strides = array<i32>} : memref<4x512xf32, #tpu.memory_space<vmem>>, vector<1x16xf32>,
      %get3A_576 = vector.shape_cast %get3A_575 : vector<1x16xf32> to vector<16xf32>
      %mul3A_577 = arith.mulf %get3A_576, %div3A_313 : vector<16xf32>
      %mul3A_578 = arith.constant 16 : i32
      %mul3A_579 = arith.muli %scan3A_521, %mul3A_578 : i32
      %swap3A_580 = arith.constant 3 : i32
      %swap3A_581 = arith.index_cast %swap3A_580 : i32 to index
      %swap3A_582 = arith.index_cast %mul3A_579 : i32 to index
      %swap3A_583 = tpu.vector_load %arg7[%swap3A_581, %swap3A_582] {strides = array<i32>} : memref<4x512xf32, #tpu.memory_space<vmem>>, vector<1x16xf32>,
      %swap3A_584 = vector.shape_cast %swap3A_583 : vector<1x16xf32> to vector<16xf32>
      %swap3A_585 = vector.shape_cast %mul3A_577 : vector<16xf32> to vector<1x16xf32>
      tpu.vector_store %arg7[%swap3A_581, %swap3A_582], %swap3A_585 {strides = array<i32>} : memref<4x512xf32, #tpu.memory_space<vmem>>, vector<1x16xf32>,
      %scan3A_586 = arith.constant 0 : i32
      scf.yield %scan3A_586 : i32
    }
    %scan3A_320 = arith.constant 32 : i32
    "tpu.region"() ({
      %run_scoped3A = tpu.sem_alloc : memref<!tpu.dma_semaphore, #tpu.memory_space<semaphore_mem>>
      %dma_start3A = arith.constant 0 : i32
      %dma_start3A_321 = tpu.memref_slice %arg4[%mul3A_2, %dma_start3A] : memref<128x512xf32, #tpu.memory_space<hbm>> -> memref<4x512xf32, #tpu.memory_space<hbm>>
      %dma_start3A_322 = arith.constant 0 : i32
      %dma_start3A_323 = tpu.memref_slice %arg4[%mul3A_2, %dma_start3A_322] : memref<128x512xf32, #tpu.memory_space<hbm>> -> memref<4x512xf32, #tpu.memory_space<hbm>>
      tpu.enqueue_dma source(%arg7 : memref<4x512xf32, #tpu.memory_space<vmem>>) target(%dma_start3A_323 : memref<4x512xf32, #tpu.memory_space<hbm>>) target_semaphore(%run_scoped3A : memref<!tpu.dma_semaphore, #tpu.memory_space<semaphore_mem>>)
      %dma_wait3A = arith.constant 0 : i32
      %dma_wait3A_324 = tpu.memref_slice %arg4[%mul3A_2, %dma_wait3A] : memref<128x512xf32, #tpu.memory_space<hbm>> -> memref<4x512xf32, #tpu.memory_space<hbm>>
      %dma_wait3A_325 = arith.constant 0 : i32
      %dma_wait3A_326 = tpu.memref_slice %arg4[%mul3A_2, %dma_wait3A_325] : memref<128x512xf32, #tpu.memory_space<hbm>> -> memref<4x512xf32, #tpu.memory_space<hbm>>
      tpu.wait_dma2 semaphore(%run_scoped3A : memref<!tpu.dma_semaphore, #tpu.memory_space<semaphore_mem>>) src(%arg7 : memref<4x512xf32, #tpu.memory_space<vmem>>) dst(%dma_wait3A_326 : memref<4x512xf32, #tpu.memory_space<hbm>>)
      tpu.yield
    }) : () -> ()
    return
  }
}

module attributes {stable_mosaic.version = 14 : i64} {
  func.func @_moe_body(%arg0: i32, %arg1: memref<128x512xf32, #tpu.memory_space<vmem>>, %arg2: memref<128x512xf32, #tpu.memory_space<vmem>>, %arg3: memref<8x512x512xf32, #tpu.memory_space<vmem>>, %arg4: memref<128x512xf32, #tpu.memory_space<vmem>>, %arg5: memref<512x128xf32, #tpu.memory_space<vmem>>, %arg6: memref<512x128xf32, #tpu.memory_space<vmem>>) attributes {dimension_semantics = [#tpu.dimension_semantics<arbitrary>], iteration_bounds = array<i64: 65>, scalar_prefetch = 0 : i64, scratch_operands = 2 : i64, tpu.core_type = #tpu.core_type<tc>, window_params = [{pipeline_mode = #tpu.pipeline_mode<synchronous>, transform_indices = @transform_0, window_bounds = array<i64: 128, 512>}, {pipeline_mode = #tpu.pipeline_mode<synchronous>, transform_indices = @transform_1, window_bounds = array<i64: 128, 512>}, {transform_indices = @transform_2, window_bounds = array<i64: 8, 512, 512>}, {pipeline_mode = #tpu.pipeline_mode<synchronous>, transform_indices = @transform_3, window_bounds = array<i64: 128, 512>}]} {
    %eq3A = arith.constant 0 : i32
    %eq3A_0 = arith.cmpi eq, %arg0, %eq3A : i32
    %convert_element_type3A = arith.extui %eq3A_0 : i1 to i32
    %cond3A = arith.constant 0 : i32
    %cond3A_1 = arith.cmpi ne, %convert_element_type3A, %cond3A : i32
    scf.if %cond3A_1 {
      %get3A = arith.constant 0 : index
      %get3A_11 = arith.constant 0 : index
      %get3A_12 = vector.load %arg2[%get3A, %get3A_11] : memref<128x512xf32, #tpu.memory_space<vmem>>, vector<128x512xf32>
      %transpose3A = tpu.transpose %get3A_12, [1, 0] : vector<128x512xf32> -> vector<512x128xf32>
      %swap3A = arith.constant 0 : index
      %swap3A_13 = arith.constant 0 : index
      %swap3A_14 = vector.load %arg5[%swap3A, %swap3A_13] : memref<512x128xf32, #tpu.memory_space<vmem>>, vector<512x128xf32>
      tpu.vector_store %arg5[%swap3A, %swap3A_13], %transpose3A {strides = array<i32>} : memref<512x128xf32, #tpu.memory_space<vmem>>, vector<512x128xf32>,
      %broadcast_in_dim3A = arith.constant 0.000000e+00 : f32
      %broadcast_in_dim3A_15 = vector.broadcast %broadcast_in_dim3A : f32 to vector<512x128xf32>
      %swap3A_16 = arith.constant 0 : index
      %swap3A_17 = arith.constant 0 : index
      %swap3A_18 = vector.load %arg6[%swap3A_16, %swap3A_17] : memref<512x128xf32, #tpu.memory_space<vmem>>, vector<512x128xf32>
      tpu.vector_store %arg6[%swap3A_16, %swap3A_17], %broadcast_in_dim3A_15 {strides = array<i32>} : memref<512x128xf32, #tpu.memory_space<vmem>>, vector<512x128xf32>,
    } else {
    }
    %gt3A = arith.constant 0 : i32
    %gt3A_2 = arith.cmpi sgt, %arg0, %gt3A : i32
    %convert_element_type3A_3 = arith.extui %gt3A_2 : i1 to i32
    %cond3A_4 = arith.constant 0 : i32
    %cond3A_5 = arith.cmpi ne, %convert_element_type3A_3, %cond3A_4 : i32
    scf.if %cond3A_5 {
      %get3A = arith.constant 0 : index
      %get3A_11 = arith.constant 0 : index
      %get3A_12 = vector.load %arg1[%get3A, %get3A_11] : memref<128x512xf32, #tpu.memory_space<vmem>>, vector<128x512xf32>
      %sub3A = arith.constant 1 : i32
      %sub3A_13 = arith.subi %arg0, %sub3A : i32
      %mul3A = arith.constant 8 : i32
      %mul3A_14 = arith.muli %sub3A_13, %mul3A : i32
      %get3A_15 = arith.index_cast %mul3A_14 : i32 to index
      %get3A_16 = arith.constant 0 : index
      %get3A_17 = vector.load %arg5[%get3A_15, %get3A_16] : memref<512x128xf32, #tpu.memory_space<vmem>>, vector<8x128xf32>
      %get3A_18 = arith.constant 0 : index
      %get3A_19 = arith.constant 0 : index
      %get3A_20 = vector.load %arg6[%get3A_18, %get3A_19] : memref<512x128xf32, #tpu.memory_space<vmem>>, vector<512x128xf32>
      %get3A_21 = arith.constant 0 : index
      %get3A_22 = arith.constant 0 : index
      %get3A_23 = arith.constant 0 : index
      %get3A_24 = vector.load %arg3[%get3A_21, %get3A_22, %get3A_23] : memref<8x512x512xf32, #tpu.memory_space<vmem>>, vector<1x512x512xf32>
      %get3A_25 = vector.shape_cast %get3A_24 : vector<1x512x512xf32> to vector<512x512xf32>
      %dot_general3A = arith.constant dense<0.000000e+00> : vector<512x128xf32>
      %dot_general3A_26 = tpu.matmul %get3A_25, %get3A_12, %dot_general3A {dimension_numbers = #tpu.dot_dimension_numbers<[1], [1], [0], [0], [0, 0, 1, 0], [], []>, transpose_lhs_hint = false} : vector<512x512xf32>, vector<128x512xf32>, vector<512x128xf32> -> vector<512x128xf32>
      %slice3A = vector.extract_strided_slice %get3A_17 {offsets = [0, 0], sizes = [1, 128], strides = [1, 1]} : vector<8x128xf32> to vector<1x128xf32>
      %mul3A_27 = vector.broadcast %slice3A : vector<1x128xf32> to vector<512x128xf32>
      %mul3A_28 = arith.mulf %mul3A_27, %dot_general3A_26 : vector<512x128xf32>
      %add3A = arith.addf %get3A_20, %mul3A_28 : vector<512x128xf32>
      %get3A_29 = arith.constant 1 : index
      %get3A_30 = arith.constant 0 : index
      %get3A_31 = arith.constant 0 : index
      %get3A_32 = vector.load %arg3[%get3A_29, %get3A_30, %get3A_31] : memref<8x512x512xf32, #tpu.memory_space<vmem>>, vector<1x512x512xf32>
      %get3A_33 = vector.shape_cast %get3A_32 : vector<1x512x512xf32> to vector<512x512xf32>
      %dot_general3A_34 = arith.constant dense<0.000000e+00> : vector<512x128xf32>
      %dot_general3A_35 = tpu.matmul %get3A_33, %get3A_12, %dot_general3A_34 {dimension_numbers = #tpu.dot_dimension_numbers<[1], [1], [0], [0], [0, 0, 1, 0], [], []>, transpose_lhs_hint = false} : vector<512x512xf32>, vector<128x512xf32>, vector<512x128xf32> -> vector<512x128xf32>
      %slice3A_36 = vector.extract_strided_slice %get3A_17 {offsets = [1, 0], sizes = [1, 128], strides = [1, 1]} : vector<8x128xf32> to vector<1x128xf32>
      %mul3A_37 = vector.broadcast %slice3A_36 : vector<1x128xf32> to vector<512x128xf32>
      %mul3A_38 = arith.mulf %mul3A_37, %dot_general3A_35 : vector<512x128xf32>
      %add3A_39 = arith.addf %add3A, %mul3A_38 : vector<512x128xf32>
      %get3A_40 = arith.constant 2 : index
      %get3A_41 = arith.constant 0 : index
      %get3A_42 = arith.constant 0 : index
      %get3A_43 = vector.load %arg3[%get3A_40, %get3A_41, %get3A_42] : memref<8x512x512xf32, #tpu.memory_space<vmem>>, vector<1x512x512xf32>
      %get3A_44 = vector.shape_cast %get3A_43 : vector<1x512x512xf32> to vector<512x512xf32>
      %dot_general3A_45 = arith.constant dense<0.000000e+00> : vector<512x128xf32>
      %dot_general3A_46 = tpu.matmul %get3A_44, %get3A_12, %dot_general3A_45 {dimension_numbers = #tpu.dot_dimension_numbers<[1], [1], [0], [0], [0, 0, 1, 0], [], []>, transpose_lhs_hint = false} : vector<512x512xf32>, vector<128x512xf32>, vector<512x128xf32> -> vector<512x128xf32>
      %slice3A_47 = vector.extract_strided_slice %get3A_17 {offsets = [2, 0], sizes = [1, 128], strides = [1, 1]} : vector<8x128xf32> to vector<1x128xf32>
      %mul3A_48 = vector.broadcast %slice3A_47 : vector<1x128xf32> to vector<512x128xf32>
      %mul3A_49 = arith.mulf %mul3A_48, %dot_general3A_46 : vector<512x128xf32>
      %add3A_50 = arith.addf %add3A_39, %mul3A_49 : vector<512x128xf32>
      %get3A_51 = arith.constant 3 : index
      %get3A_52 = arith.constant 0 : index
      %get3A_53 = arith.constant 0 : index
      %get3A_54 = vector.load %arg3[%get3A_51, %get3A_52, %get3A_53] : memref<8x512x512xf32, #tpu.memory_space<vmem>>, vector<1x512x512xf32>
      %get3A_55 = vector.shape_cast %get3A_54 : vector<1x512x512xf32> to vector<512x512xf32>
      %dot_general3A_56 = arith.constant dense<0.000000e+00> : vector<512x128xf32>
      %dot_general3A_57 = tpu.matmul %get3A_55, %get3A_12, %dot_general3A_56 {dimension_numbers = #tpu.dot_dimension_numbers<[1], [1], [0], [0], [0, 0, 1, 0], [], []>, transpose_lhs_hint = false} : vector<512x512xf32>, vector<128x512xf32>, vector<512x128xf32> -> vector<512x128xf32>
      %slice3A_58 = vector.extract_strided_slice %get3A_17 {offsets = [3, 0], sizes = [1, 128], strides = [1, 1]} : vector<8x128xf32> to vector<1x128xf32>
      %mul3A_59 = vector.broadcast %slice3A_58 : vector<1x128xf32> to vector<512x128xf32>
      %mul3A_60 = arith.mulf %mul3A_59, %dot_general3A_57 : vector<512x128xf32>
      %add3A_61 = arith.addf %add3A_50, %mul3A_60 : vector<512x128xf32>
      %get3A_62 = arith.constant 4 : index
      %get3A_63 = arith.constant 0 : index
      %get3A_64 = arith.constant 0 : index
      %get3A_65 = vector.load %arg3[%get3A_62, %get3A_63, %get3A_64] : memref<8x512x512xf32, #tpu.memory_space<vmem>>, vector<1x512x512xf32>
      %get3A_66 = vector.shape_cast %get3A_65 : vector<1x512x512xf32> to vector<512x512xf32>
      %dot_general3A_67 = arith.constant dense<0.000000e+00> : vector<512x128xf32>
      %dot_general3A_68 = tpu.matmul %get3A_66, %get3A_12, %dot_general3A_67 {dimension_numbers = #tpu.dot_dimension_numbers<[1], [1], [0], [0], [0, 0, 1, 0], [], []>, transpose_lhs_hint = false} : vector<512x512xf32>, vector<128x512xf32>, vector<512x128xf32> -> vector<512x128xf32>
      %slice3A_69 = vector.extract_strided_slice %get3A_17 {offsets = [4, 0], sizes = [1, 128], strides = [1, 1]} : vector<8x128xf32> to vector<1x128xf32>
      %mul3A_70 = vector.broadcast %slice3A_69 : vector<1x128xf32> to vector<512x128xf32>
      %mul3A_71 = arith.mulf %mul3A_70, %dot_general3A_68 : vector<512x128xf32>
      %add3A_72 = arith.addf %add3A_61, %mul3A_71 : vector<512x128xf32>
      %get3A_73 = arith.constant 5 : index
      %get3A_74 = arith.constant 0 : index
      %get3A_75 = arith.constant 0 : index
      %get3A_76 = vector.load %arg3[%get3A_73, %get3A_74, %get3A_75] : memref<8x512x512xf32, #tpu.memory_space<vmem>>, vector<1x512x512xf32>
      %get3A_77 = vector.shape_cast %get3A_76 : vector<1x512x512xf32> to vector<512x512xf32>
      %dot_general3A_78 = arith.constant dense<0.000000e+00> : vector<512x128xf32>
      %dot_general3A_79 = tpu.matmul %get3A_77, %get3A_12, %dot_general3A_78 {dimension_numbers = #tpu.dot_dimension_numbers<[1], [1], [0], [0], [0, 0, 1, 0], [], []>, transpose_lhs_hint = false} : vector<512x512xf32>, vector<128x512xf32>, vector<512x128xf32> -> vector<512x128xf32>
      %slice3A_80 = vector.extract_strided_slice %get3A_17 {offsets = [5, 0], sizes = [1, 128], strides = [1, 1]} : vector<8x128xf32> to vector<1x128xf32>
      %mul3A_81 = vector.broadcast %slice3A_80 : vector<1x128xf32> to vector<512x128xf32>
      %mul3A_82 = arith.mulf %mul3A_81, %dot_general3A_79 : vector<512x128xf32>
      %add3A_83 = arith.addf %add3A_72, %mul3A_82 : vector<512x128xf32>
      %get3A_84 = arith.constant 6 : index
      %get3A_85 = arith.constant 0 : index
      %get3A_86 = arith.constant 0 : index
      %get3A_87 = vector.load %arg3[%get3A_84, %get3A_85, %get3A_86] : memref<8x512x512xf32, #tpu.memory_space<vmem>>, vector<1x512x512xf32>
      %get3A_88 = vector.shape_cast %get3A_87 : vector<1x512x512xf32> to vector<512x512xf32>
      %dot_general3A_89 = arith.constant dense<0.000000e+00> : vector<512x128xf32>
      %dot_general3A_90 = tpu.matmul %get3A_88, %get3A_12, %dot_general3A_89 {dimension_numbers = #tpu.dot_dimension_numbers<[1], [1], [0], [0], [0, 0, 1, 0], [], []>, transpose_lhs_hint = false} : vector<512x512xf32>, vector<128x512xf32>, vector<512x128xf32> -> vector<512x128xf32>
      %slice3A_91 = vector.extract_strided_slice %get3A_17 {offsets = [6, 0], sizes = [1, 128], strides = [1, 1]} : vector<8x128xf32> to vector<1x128xf32>
      %mul3A_92 = vector.broadcast %slice3A_91 : vector<1x128xf32> to vector<512x128xf32>
      %mul3A_93 = arith.mulf %mul3A_92, %dot_general3A_90 : vector<512x128xf32>
      %add3A_94 = arith.addf %add3A_83, %mul3A_93 : vector<512x128xf32>
      %get3A_95 = arith.constant 7 : index
      %get3A_96 = arith.constant 0 : index
      %get3A_97 = arith.constant 0 : index
      %get3A_98 = vector.load %arg3[%get3A_95, %get3A_96, %get3A_97] : memref<8x512x512xf32, #tpu.memory_space<vmem>>, vector<1x512x512xf32>
      %get3A_99 = vector.shape_cast %get3A_98 : vector<1x512x512xf32> to vector<512x512xf32>
      %dot_general3A_100 = arith.constant dense<0.000000e+00> : vector<512x128xf32>
      %dot_general3A_101 = tpu.matmul %get3A_99, %get3A_12, %dot_general3A_100 {dimension_numbers = #tpu.dot_dimension_numbers<[1], [1], [0], [0], [0, 0, 1, 0], [], []>, transpose_lhs_hint = false} : vector<512x512xf32>, vector<128x512xf32>, vector<512x128xf32> -> vector<512x128xf32>
      %slice3A_102 = vector.extract_strided_slice %get3A_17 {offsets = [7, 0], sizes = [1, 128], strides = [1, 1]} : vector<8x128xf32> to vector<1x128xf32>
      %mul3A_103 = vector.broadcast %slice3A_102 : vector<1x128xf32> to vector<512x128xf32>
      %mul3A_104 = arith.mulf %mul3A_103, %dot_general3A_101 : vector<512x128xf32>
      %add3A_105 = arith.addf %add3A_94, %mul3A_104 : vector<512x128xf32>
      %swap3A = arith.constant 0 : index
      %swap3A_106 = arith.constant 0 : index
      %swap3A_107 = vector.load %arg6[%swap3A, %swap3A_106] : memref<512x128xf32, #tpu.memory_space<vmem>>, vector<512x128xf32>
      tpu.vector_store %arg6[%swap3A, %swap3A_106], %add3A_105 {strides = array<i32>} : memref<512x128xf32, #tpu.memory_space<vmem>>, vector<512x128xf32>,
    } else {
    }
    %eq3A_6 = arith.constant 64 : i32
    %eq3A_7 = arith.cmpi eq, %arg0, %eq3A_6 : i32
    %convert_element_type3A_8 = arith.extui %eq3A_7 : i1 to i32
    %cond3A_9 = arith.constant 0 : i32
    %cond3A_10 = arith.cmpi ne, %convert_element_type3A_8, %cond3A_9 : i32
    scf.if %cond3A_10 {
      %get3A = arith.constant 0 : index
      %get3A_11 = arith.constant 0 : index
      %get3A_12 = vector.load %arg6[%get3A, %get3A_11] : memref<512x128xf32, #tpu.memory_space<vmem>>, vector<512x128xf32>
      %transpose3A = tpu.transpose %get3A_12, [1, 0] : vector<512x128xf32> -> vector<128x512xf32>
      %swap3A = arith.constant 0 : index
      %swap3A_13 = arith.constant 0 : index
      %swap3A_14 = vector.load %arg4[%swap3A, %swap3A_13] : memref<128x512xf32, #tpu.memory_space<vmem>>, vector<128x512xf32>
      tpu.vector_store %arg4[%swap3A, %swap3A_13], %transpose3A {strides = array<i32>} : memref<128x512xf32, #tpu.memory_space<vmem>>, vector<128x512xf32>,
    } else {
    }
    return
  }
  func.func @transform_0(%arg0: i32) -> (i32, i32) {
    %c0_i32 = arith.constant 0 : i32
    %c0_i32_0 = arith.constant 0 : i32
    %c0_i32_1 = arith.constant 0 : i32
    return %c0_i32, %c0_i32_0 : i32, i32
  }
  func.func @transform_1(%arg0: i32) -> (i32, i32) {
    %c0_i32 = arith.constant 0 : i32
    %c0_i32_0 = arith.constant 0 : i32
    %c0_i32_1 = arith.constant 0 : i32
    return %c0_i32, %c0_i32_0 : i32, i32
  }
  func.func @transform_2(%arg0: i32) -> (i32, i32, i32) {
    %sub3A = arith.constant 1 : i32
    %sub3A_0 = arith.subi %arg0, %sub3A : i32
    %max3A = arith.constant 0 : i32
    %max3A_1 = arith.maxsi %sub3A_0, %max3A : i32
    %c0_i32 = arith.constant 0 : i32
    %c0_i32_2 = arith.constant 0 : i32
    %c0_i32_3 = arith.constant 0 : i32
    return %max3A_1, %c0_i32, %c0_i32_2 : i32, i32, i32
  }
  func.func @transform_3(%arg0: i32) -> (i32, i32) {
    %c0_i32 = arith.constant 0 : i32
    %c0_i32_0 = arith.constant 0 : i32
    %c0_i32_1 = arith.constant 0 : i32
    return %c0_i32, %c0_i32_0 : i32, i32
  }
}

module attributes {stable_mosaic.version = 14 : i64} {
  func.func @_gate_body(%arg0: memref<128x512xf32, #tpu.memory_space<vmem>>, %arg1: memref<512x512xf32, #tpu.memory_space<vmem>>, %arg2: memref<1x512xf32, #tpu.memory_space<vmem>>, %arg3: memref<128x512xf32, #tpu.memory_space<vmem>>, %arg4: memref<128x512xi32, #tpu.memory_space<vmem>>) attributes {dimension_semantics = [], scalar_prefetch = 0 : i64, scratch_operands = 0 : i64, tpu.core_type = #tpu.core_type<tc>} {
    %get3A = arith.constant 0 : index
    %get3A_0 = arith.constant 0 : index
    %get3A_1 = vector.load %arg0[%get3A, %get3A_0] : memref<128x512xf32, #tpu.memory_space<vmem>>, vector<128x512xf32>
    %get3A_2 = arith.constant 0 : index
    %get3A_3 = arith.constant 0 : index
    %get3A_4 = vector.load %arg1[%get3A_2, %get3A_3] : memref<512x512xf32, #tpu.memory_space<vmem>>, vector<512x512xf32>
    %dot_general3A = arith.constant dense<0.000000e+00> : vector<128x512xf32>
    %dot_general3A_5 = tpu.matmul %get3A_1, %get3A_4, %dot_general3A {dimension_numbers = #tpu.dot_dimension_numbers<[1], [1], [0], [0], [0, 0, 1, 0], [], []>, transpose_lhs_hint = false} : vector<128x512xf32>, vector<512x512xf32>, vector<128x512xf32> -> vector<128x512xf32>
    %get3A_6 = arith.constant 0 : index
    %get3A_7 = arith.constant 0 : index
    %get3A_8 = vector.load %arg2[%get3A_6, %get3A_7] : memref<1x512xf32, #tpu.memory_space<vmem>>, vector<1x512xf32>
    %add3A = vector.broadcast %get3A_8 : vector<1x512xf32> to vector<128x512xf32>
    %add3A_9 = arith.addf %dot_general3A_5, %add3A : vector<128x512xf32>
    %swap3A = arith.constant 0 : index
    %swap3A_10 = arith.constant 0 : index
    %swap3A_11 = vector.load %arg3[%swap3A, %swap3A_10] : memref<128x512xf32, #tpu.memory_space<vmem>>, vector<128x512xf32>
    tpu.vector_store %arg3[%swap3A, %swap3A_10], %add3A_9 {strides = array<i32>} : memref<128x512xf32, #tpu.memory_space<vmem>>, vector<128x512xf32>,
    %bitcast_convert_type3A = tpu.bitcast %add3A_9 : vector<128x512xf32> -> vector<128x512xi32>
    %ge3A = arith.constant 0 : i32
    %ge3A_12 = vector.broadcast %ge3A : i32 to vector<128x512xi32>
    %ge3A_13 = arith.cmpi sge, %bitcast_convert_type3A, %ge3A_12 : vector<128x512xi32>
    %not3A = arith.constant dense<-1> : vector<128x512xi32>
    %not3A_14 = arith.xori %bitcast_convert_type3A, %not3A : vector<128x512xi32>
    %xor3A = arith.constant -2147483648 : i32
    %xor3A_15 = vector.broadcast %xor3A : i32 to vector<128x512xi32>
    %xor3A_16 = arith.xori %not3A_14, %xor3A_15 : vector<128x512xi32>
    %select_n3A = arith.select %ge3A_13, %bitcast_convert_type3A, %xor3A_16 : vector<128x512xi1>, vector<128x512xi32>
    %swap3A_17 = arith.constant 0 : index
    %swap3A_18 = arith.constant 0 : index
    %swap3A_19 = vector.load %arg4[%swap3A_17, %swap3A_18] : memref<128x512xi32, #tpu.memory_space<vmem>>, vector<128x512xi32>
    tpu.vector_store %arg4[%swap3A_17, %swap3A_18], %select_n3A {strides = array<i32>} : memref<128x512xi32, #tpu.memory_space<vmem>>, vector<128x512xi32>,
    return
  }
}

</mosaic_0001>

<sc_bundles>
// kernel: kernel.5.cloned.1.call-start
scs
__scs_entry_jumppad:
0x0: {  	(pc) =	sbr.rel $0x88, $3  }
0x1: {  	(tag) =	ssettag $0x0;
	lr =	simm.s32 $0x1  }
0x2: {  	[smem:$0x3F9D] =	sst lr;
	_ =	strace $0xD0000000  }
0x3: {  	_ = 	snop  }
0x4: {  	_ = 	snop  }
0x5: {  	_ = 	snop  }
0x6: {  	_ = 	snop  }
0x7: {  	_ = 	snop  }
__scs_overlays_trampoline_lowered:
0x8: {  	[smem:$0x3FAC] =	sst s0  }
0x9: {  	[smem:$0x3FAD] =	sst s1  }
0xa: {  	[smem:$0x3FAE] =	sst s2  }
0xb: {  	[smem:$0x3FAF] =	sst s3  }
0xc: {  	[smem:$0x3FB0] =	sst s4  }
0xd: {  	[smem:$0x3FB1] =	sst s5  }
0xe: {  	[smem:$0x3FB2] =	sst s6  }
0xf: {  	[smem:$0x3FB3] =	sst s7  }
0x10: {  	[smem:$0x3FB4] =	sst s8  }
0x11: {  	[smem:$0x3FB5] =	sst s9;
	s0 =	simm.s32 @!p0 $0x0  }
0x12: {  	s1 =	sld [smem:$0x3F9B];
	s0 =	simm.s32 @p0 $0x1  }
0x13: {  	[smem:$0x3FB6] =	sst s0;
	s0 =	simm.s32 @!p1 $0x0  }
0x14: {  	s2 =	sld [smem:$0x3F9A];
	s0 =	simm.s32 @p1 $0x1  }
0x15: {  	[smem:$0x3FB7] =	sst s0;
	s0 =	simm.s32 @!p2 $0x0  }
0x16: {  	s3 =	sld [smem:$0x3FDB];
	s0 =	simm.s32 @p2 $0x1  }
0x17: {  	s4 =	simm.s32 $0x1BF5;
	[smem:$0x3FB9] =	sst s0  }
0x18: {  	s0 =	sld [smem:$0x3F9C];
	_ =	swait.ge [sflag:s4], $0x0  }
0x19: {  	s7 =	sld [smem:$0x3F9D]  }
0x1a: {  	s8 =	sadd.s32 $0xFFFFE003, lr  }
0x1b: {  	s9 =	sadd.s32 $0xFFFFFEF7, lr;
	s5 =	simm.s32 $0xFFFFFFFF;
	p2 =	slt.u32 s8, $0xFFFFF086  }
0x1c: {  	p1 =	slt.u32 s9, $0xF7A;
	s5 =	simm.s32 @!p2 $0x0  }
0x1d: {  	s5 =	simm.s32 @p1 $0x1;
	p0 =	seq.s32 s7, s2  }
0x1e: {  	s7 =	smul.u32 @!p0 $0xF7A, s2;
	p2 =	seq.s32 @!p0 s5, $0x0  }
0x1f: {  	s9 =	smul.u32 $0xF7A, s1;
	s8 =	simm.s32 @!p0 $0x1BF5;
	p2 =	por !p2, p0  }
0x20: {  	[sflag:s8] =	ssyncset.s32 @!p0 $0xFFFFF086;
	s6 =	sadd.s32 @!p0 s3, s7;
	s7 =	simm.s32 @!p0 $0x108  }
0x21: {  	s3 =	sadd.s32 s3, s9;
	s6 =	sadd.s32 @!p0 $0x88, s6;
	s7 =	simm.s32 @p2 $0x1082  }
0x22: {  	[simem:s7], [sflag:s8] =	dma.local @!p0 [hbm:s6], $0xF7A  }
0x23: {  	s9 =	sor.u32 $0xD0000000, s2;
	s6 =	simm.s32 $0x108;
	_ =	swait.ge @!p0 [sflag:s8], $0x0  }
0x24: {  	s3 =	sadd.s32 $0x88, s3;
	s6 =	simm.s32 @!p1 $0x1082;
	[sflag:s4] =	ssyncset.s32 $0xFFFFF086  }
0x25: {  	[simem:s6], [sflag:s4] =	dma.local [hbm:s3], $0xF7A  }
0x26: {  	[smem:$0x3F9D] =	sst s1;
	(tag) =	ssettag s2;
	_ =	strace s9  }
0x27: {  	s1 =	sld [smem:$0x3FAD]  }
0x28: {  	s2 =	sld [smem:$0x3FAE]  }
0x29: {  	s4 =	sld [smem:$0x3FB0]  }
0x2a: {  	p0 =	seq.s32 s5, $0x0;
	s5 =	sld [smem:$0x3FB1]  }
0x2b: {  	s6 =	sld [smem:$0x3FB2]  }
0x2c: {  	s7 =	sld [smem:$0x3FB3]  }
0x2d: {  	s3 =	simm.s32 $0x108;
	s8 =	sld [smem:$0x3FB4]  }
0x2e: {  	s3 =	simm.s32 @!p0 $0x1082;
	s9 =	sld [smem:$0x3FB5]  }
0x2f: {  	lr =	sadd.s32 s0, s3;
	s0 =	sld [smem:$0x3FAC]  }
0x30: {  	s3 =	sld [smem:$0x3FAF]  }
0x31: {  	[smem:$0x3FB8] =	sst s10  }
0x32: {  	s10 =	sld [smem:$0x3FB6];
	_ =	sdelay $0x3  }
0x33: {  	p0 =	seq.s32 s10, $0x1;
	s10 =	sld [smem:$0x3FB8];
	_ =	sdelay $0x3  }
0x34: {  	[smem:$0x3FB8] =	sst s10  }
0x35: {  	s10 =	sld [smem:$0x3FB7];
	_ =	sdelay $0x3  }
0x36: {  	p1 =	seq.s32 s10, $0x1;
	s10 =	sld [smem:$0x3FB8];
	_ =	sdelay $0x3  }
0x37: {  	[smem:$0x3FB8] =	sst s10  }
0x38: {  	s10 =	sld [smem:$0x3FB9]  }
0x39: {  	_ = 	snop;
	(pc) =	sbr.ind lr, $3  }
0x3a: {  	_ = 	snop  }
0x3b: {  	_ = 	snop  }
0x3c: {  	p2 =	seq.s32 s10, $0x1;
	s10 =	sld [smem:$0x3FB8]  }
0x3d: {  	_ =	shalt  }
0x3e: {  	_ =	shalt  }
0x3f: {  	_ =	shalt  }
0x40: {  	_ =	shalt  }
0x41: {  	_ =	shalt  }
0x42: {  	_ =	shalt  }
0x43: {  	_ =	shalt  }
0x44: {  	_ =	shalt  }
0x45: {  	_ =	shalt  }
0x46: {  	_ =	shalt  }
0x47: {  	_ =	shalt  }
0x48: {  	_ =	shalt  }
0x49: {  	_ =	shalt  }
0x4a: {  	_ =	shalt  }
0x4b: {  	_ =	shalt  }
0x4c: {  	_ =	shalt  }
0x4d: {  	_ =	shalt  }
0x4e: {  	_ =	shalt  }
0x4f: {  	_ =	shalt  }
0x50: {  	_ =	shalt  }
0x51: {  	_ =	shalt  }
0x52: {  	_ =	shalt  }
0x53: {  	_ =	shalt  }
0x54: {  	_ =	shalt  }
0x55: {  	_ =	shalt  }
0x56: {  	_ =	shalt  }
0x57: {  	_ =	shalt  }
0x58: {  	_ =	shalt  }
0x59: {  	_ =	shalt  }
0x5a: {  	_ =	shalt  }
0x5b: {  	_ =	shalt  }
0x5c: {  	_ =	shalt  }
0x5d: {  	_ =	shalt  }
0x5e: {  	_ =	shalt  }
0x5f: {  	_ =	shalt  }
0x60: {  	_ =	shalt  }
0x61: {  	_ =	shalt  }
0x62: {  	_ =	shalt  }
0x63: {  	_ =	shalt  }
0x64: {  	_ =	shalt  }
0x65: {  	_ =	shalt  }
0x66: {  	_ =	shalt  }
0x67: {  	_ =	shalt  }
0x68: {  	_ =	shalt  }
0x69: {  	_ =	shalt  }
0x6a: {  	_ =	shalt  }
0x6b: {  	_ =	shalt  }
0x6c: {  	_ =	shalt  }
0x6d: {  	_ =	shalt  }
0x6e: {  	_ =	shalt  }
0x6f: {  	_ =	shalt  }
0x70: {  	_ =	shalt  }
0x71: {  	_ =	shalt  }
0x72: {  	_ =	shalt  }
0x73: {  	_ =	shalt  }
0x74: {  	_ =	shalt  }
0x75: {  	_ =	shalt  }
0x76: {  	_ =	shalt  }
0x77: {  	_ =	shalt  }
0x78: {  	_ =	shalt  }
0x79: {  	_ =	shalt  }
0x7a: {  	_ =	shalt  }
0x7b: {  	_ =	shalt  }
0x7c: {  	_ =	shalt  }
0x7d: {  	_ =	shalt  }
0x7e: {  	_ =	shalt  }
0x7f: {  	_ =	shalt  }
0x80: {  	_ =	shalt  }
0x81: {  	_ =	shalt  }
0x82: {  	_ =	shalt  }
0x83: {  	_ =	shalt  }
0x84: {  	_ =	shalt  }
0x85: {  	_ =	shalt  }
0x86: {  	_ =	shalt  }
0x87: {  	_ =	shalt  }
.Lfunc_end0:
.L_simem_size_0:
called_computation_lowered:
.L_overlay_start_0:
0x88: {  	s2 =	sld [smem:$0x3FD9]  }
0x89: {  	s3 =	sld [smem:$0x3FFE];
	_ =	sdelay $0x1  }
0x8a: {  	s1 =	srdreg.scid  }
0x8b: {  	s0 =	sand.u32 $0x1, s1  }
0x8c: {  	s17 =	sshll.u32 s0, $0xA;
	s2 =	sadd.s32 s3, s2  }
0x8d: {  	s2 =	sadd.s32 s2, s17  }
0x8e: {  	[smem:$0x3FC4] =	sst s2  }
0x8f: {  	_ = 	snop  }
0x90: {  	s2 =	sld [smem:$0x3FD0];
	(tm) =	ssettm $0x1  }
0x91: {  	s18 =	sld [smem:$0x3FFB];
	_ =	sdelay $0x3  }
0x92: {  	_ =	strace s18  }
0x93: {  	s3 =	sld [smem:$0x3FFC];
	_ =	sdelay $0x3  }
0x94: {  	_ =	strace s3  }
0x95: {  	s3 =	sld [smem:$0x3FFD];
	_ =	sdelay $0x3  }
0x96: {  	_ =	strace s3  }
0x97: {  	_ =	strace $0x8FFFFFFF  }
0x98: {  	s19 =	sld [smem:$0x3FDB];
	_ =	sdelay $0x1  }
0x99: {  	s4 =	simm.s32 $_scs_section_size  }
0x9a: {  	s5 =	simm.s32 $_size__tile_overlayer_lowered;
	s6 =	simm.s32 $_tile_overlayer_lowered  }
0x9b: {  	s22 =	simm.s32 $0x1BFF;
	s21 =	sshll.u32 s6, $0x1;
	s3 =	sadd.s32 s4, s19  }
0x9c: {  	s7 =	simm.s32 $0x0;
	s20 =	sshll.u32 s5, $0x1;
	s5 =	sadd.s32 s21, s3  }
0x9d: {  	[timem:s7], [sflag:s22] =	dma.local [hbm:s5], s20  }
0x9e: {  	_ =	swait.ge [sflag:s22], s20  }
0x9f: {  	s4 =	ssub.s32 $0x0, s20;
	[sflag:s22] =	ssyncset.done $0x0  }
0xa0: {  	[sflag:s22] =	ssyncadd.s32 s4;
	_ =	sdelay $0x1  }
0xa1: {  	s23 =	simm.s32 $0x1B8B  }
0xa2: {  	_ =	swait.ge [sflag:s23], $0x1  }
0xa3: {  	[sflag:s23] =	ssyncset.done $0x0  }
0xa4: {  	s25 =	simm.s32 $0x1B8E;
	s24 =	sld [smem:$0x3FFE];
	[sflag:s23] =	ssyncadd.s32 $0xFFFFFFFF  }
0xa5: {  	s26 =	simm.s32 $execute0_lowered;
	[smem:$0x3FD2] =	sst s25  }
0xa6: {  	s5 =	sshll.u32 s26, $0x1;
	_ =	strace $0x80000046;
	[dreg:$0x1] =	wrdreg $0xFFFFFFFF  }
0xa7: {  	s28 =	simm.s32 $_size_execute0_lowered;
	s3 =	sadd.s32 s3, s5;
	[dreg:$0x0] =	wrdreg $0x0  }
0xa8: {  	s5 =	sshll.u32 s28, $0x1;
	[dreg:$0x2] =	wrdreg s3  }
0xa9: {  	[dreg:$0x3] =	wrdreg s5  }
0xaa: {  	[dreg:$0x4] =	wrdreg $0xC0  }
0xab: {  	_ =	task [dreg:s7], $0x5FFFF  }
0xac: {  	[dreg:$0x1] =	wrdreg $0xFFFFFFFF  }
0xad: {  	[dreg:$0x0] =	wrdreg $0x60  }
0xae: {  	[dreg:$0x2] =	wrdreg s2  }
0xaf: {  	[dreg:$0x3] =	wrdreg s24  }
0xb0: {  	[dreg:$0x4] =	wrdreg $0x9  }
0xb1: {  	_ =	task.clear_ibuf [dreg:s7], $0x5FFFF;
	_ =	strace $0x90000046  }
0xb2: {  	s29 =	simm.s32 $0x9;
	_ =	strace $0x80000048  }
0xb3: {  	_ =	swait.ge [sflag:s29], $0x1  }
0xb4: {  	[sflag:s29] =	ssyncadd.s32 $0xFFFFFFFF  }
0xb5: {  	_ =	strace $0x90000048  }
0xb6: {  	_ =	sfence  }
0xb7: {  	s30 =	sld [smem:$0x0];
	_ =	sdelay $0x2  }
0xb8: {  	s31 =	sshll.u32 s1, $0xD;
	s1 =	sshrl.u32 s1, $0x2  }
0xb9: {  	s3 =	sand.u32 $0x4000, s31;
	s1 =	sadd.s32 s1, s30  }
0xba: {  	s0 =	sor.u32 s3, s0;
	s1 =	sshll.u32 s1, $0x11  }
0xbb: {  	s0 =	sor.u32 s1, s0  }
0xbc: {  	s0 =	sadd.s32 $0x8F2B, s0  }
0xbd: {  	[sflag:s0] =	ssyncadd.remote.s32 $0x1  }
0xbe: {  	_ =	sfence.sel $0xFFFF  }
0xbf: {  	[dreg:$0x0] =	wrdreg $0xFFFFFFFF;
	(pc) =	sbr.abs _section_cstart, $3  }
0xc0: {  	[dreg:$0x1] =	wrdreg $0xFFFFFFFF  }
0xc1: {  	_ =	task.clear_ibuf [dreg:s7], $0x2FFFF;
	_ =	strace $0x9FFFFFFF  }
0xc2: {  	(tm) =	ssettm $0x7FFFFFFF  }
0xc3: {  	_ =	shalt  }
tec
execute0_lowered:
.L_overlay_start_1:
0x0: {  	(tag) =	ssettag $0x1  }
0x1: {  	v0 =	vimm.s32 $0xFEDCBA98;
	v1 =	vimm.s32 $0x76543210  }
0x2: {  	v2 =	vimm.s32 $0xBA98FEDC;
	v3 =	vimm.s32 $0x32107654;
	v4 =	vimm.s32 $0xDCFE98BA  }
0x3: {  	s3 =	rddreg [dreg:$0x0];
	v5 =	vimm.s32 $0x54761032;
	v6 =	vimm.s32 $0xEFCDAB89;
	v7 =	vimm.s32 $0x67452301  }
0x4: {  	s4 =	rddreg [dreg:$0x1];
	v0 =	vunpack.c.l.s4.s8 v0;
	v1 =	vunpack.c.l.s4.s8 v1;
	v2 =	vunpack.c.l.s4.s8 v2  }
0x5: {  	s0 =	rddreg [dreg:$0x2];
	s1 =	simm.s32 $0x0;
	s5 =	srdreg.scid;
	v3 =	vunpack.c.l.s4.s8 v3;
	v4 =	vunpack.c.l.s4.s8 v4;
	v5 =	vunpack.c.l.s4.s8 v5  }
0x6: {  	s2 =	stileid.u32;
	s9 =	simm.s32 $0x1;
	s10 =	simm.s32 $0x800;
	v6 =	vunpack.c.l.s4.s8 v6;
	v7 =	vunpack.c.l.s4.s8 v7;
	v0 =	vunpack.c.0.s8.s32 v0  }
0x7: {  	s11 =	simm.s32 $0x1000;
	s12 =	simm.s32 $0x0;
	s5 =	sand.u32 $0x1, s5;
	v2 =	vunpack.c.0.s8.s32 v2;
	v3 =	vunpack.c.0.s8.s32 v3;
	v4 =	vunpack.c.0.s8.s32 v4  }
0x8: {  	s6 =	sshll.u32 s2, $0x9;
	s7 =	sshll.u32 s5, $0x6;
	s5 =	ssub.s32 $0x2, s5;
	v5 =	vunpack.c.0.s8.s32 v5;
	v6 =	vunpack.c.0.s8.s32 v6;
	v7 =	vunpack.c.0.s8.s32 v7  }
0x9: {  	[smem:$0x7FF] =	sst s1;
	s6 =	sor.u32 s7, s6;
	s31 =	sshrl.u32 s5, $0x1;
	v1 =	vunpack.c.0.s8.s32 v1;
	v2 =	vcombine.low v3, v2  }
0xa: {  	_ =	strace $0x80000047;
	s8 =	sadd.s32 s6, s4;
	s7 =	ssub.s32 s5, s31;
	v3 =	vcombine.low v5, v4;
	v4 =	vand.u32 $0xF, v0;
	v5 =	vcombine.low v7, v6  }
0xb: {  	s3 =	sadd.s32 s3, s6;
	s4 =	sadd.s32 $0x1200, s8;
	s5 =	sadd.s32 $0x3200, s8;
	v0 =	vimm.s32 $0x0;
	v1 =	vcombine.low v4, v1  }
0xc: {  	s6 =	smax.u32 s7, $0x1;
	s7 =	simm.s32 $0x200;
	s8 =	simm.s32 $0x400;
	v2 =	vand.u32 $0xF, v2;
	v3 =	vand.u32 $0xF, v3;
	v4 =	vand.u32 $0xF, v5  }
.LBB2_1:
0xd: {  	[tilespmem:s1], [sflag:$0x1] =	stream.strided.gather [hbm4b:s3+s7], $0x800, s8, s7, $0x38;
	[tilespmem:$0x1800] =	vst v63  }
0xe: {  	_ =	swait.ge [sflag:s9], $0x800  }
0xf: {  	[sflag:s9] =	ssyncset.done $0x0  }
0x10: {  	[sflag:s9] =	ssyncadd.s32 $0xFFFFF800  }
0x11: {  	[tilespmem:s10], [sflag:$0x1] =	stream.strided.gather [hbm4b:s4+s7], $0x800, s8, s7, $0x38;
	[tilespmem:$0x1800] =	vst v63  }
0x12: {  	v5 =	vimm.s32 $0x80000000;
	v9 =	vimm.s32 $0x7FFFFFFF;
	_ =	swait.ge [sflag:s9], $0x800  }
0x13: {  	v10 =	vimm.s32 $0x7FFFFFFF;
	v11 =	vimm.s32 $0x7FFFFFFF;
	v12 =	vimm.s32 $0x7FFFFFFF;
	[sflag:s9] =	ssyncset.done $0x0  }
0x14: {  	v6 =	vimm.s32 $0x80000000;
	v7 =	vimm.s32 $0x80000000;
	v8 =	vimm.s32 $0x80000000;
	s13 =	simm.s32 $0x0;
	[sflag:s9] =	ssyncadd.s32 $0xFFFFF800  }
.LBB2_2:
0x15: {  	s14 =	simm.s32 $0x0  }
0x16: {  	s15 =	sor.u32 s14, s14  }
0x17: {  	s16 =	sand.u32 $0x40, s14;
	s14 =	sand.u32 $0x600, s14;
	s15 =	sor.u32 $0x180, s15  }
0x18: {  	s14 =	sor.u32 s16, s14;
	v17 =	vld [tilespmem:s15+$0x800]  }
0x19: {  	v18 =	vld [tilespmem:s14+$0x8B0]  }
0x1a: {  	v20 =	vld [tilespmem:s14+$0x8A0]  }
0x1b: {  	p0 =	por $0x0, $0x0;
	v13 =	vxor.u32 v12, v8;
	s15 =	simm.s32 $0x1;
	v19 =	vld [tilespmem:s14+$0x820]  }
0x1c: {  	v14 =	vand.u32 v12, v8;
	v15 =	vxor.u32 v11, v7;
	v16 =	vand.u32 v10, v6;
	v21 =	vld [tilespmem:s14+$0x810];
	s15 =	simm.s32 @!p0 $0x0  }
0x1d: {  	v22 =	vxor.u32 v10, v6;
	v23 =	vxor.u32 v9, v5;
	v26 =	vand.u32 v9, v5;
	v24 =	vld [tilespmem:s14+$0x890];
	s15 =	sshll.u32 s15, $0x6  }
0x1e: {  	v13 =	vshra.s32 v13, $0x1;
	v15 =	vshra.s32 v15, $0x1;
	v22 =	vshra.s32 v22, $0x1;
	v25 =	vld [tilespmem:s14+$0x800];
	s15 =	sadd.s32 $0x0, s15  }
0x1f: {  	v23 =	vshra.s32 v23, $0x1;
	v13 =	vadd.s32 v13, v14;
	v14 =	vand.u32 v11, v7;
	v29 =	vld [tilespmem:s14+$0x880];
	s28 =	sor.u32 $0x100, s15  }
0x20: {  	v14 =	vadd.s32 v15, v14;
	v15 =	vadd.s32 v22, v16;
	v16 =	vadd.s32 v23, v26;
	s29 =	sadd.s32 $0x20, s15;
	v27 =	vld [tilespmem:s28+$0x800]  }
0x21: {  	v26 =	vimm.s32 $0x0;
	s17 =	sadd.s32 $0x30, s15;
	s18 =	sor.u32 $0x180, s29;
	vm0 =	vge.s32 v17, v16;
	vm1 =	vge.s32 v21, v13  }
0x22: {  	s19 =	sadd.s32 $0x10, s15;
	s30 =	sor.u32 $0x100, s17;
	vm2 =	vge.s32 v19, v13;
	vm3 =	vge.s32 v20, v14;
	vm4 =	vge.s32 v18, v14;
	v21 =	vld [tilespmem:s18+$0x800]  }
0x23: {  	s31 =	sor.u32 $0x180, s19;
	v22 =	vsel vm0, $0x1, v0;
	v23 =	vsel vm1, $0x1, v0;
	v19 =	vld [tilespmem:s30+$0x800];
	vm0 =	vge.s32 v25, v13  }
0x24: {  	s16 =	sor.u32 $0x100, s29;
	vm1 =	vge.s32 v24, v14;
	v20 =	vld [tilespmem:s31+$0x800];
	v17 =	vsel vm4, $0x1, v0;
	v18 =	vsel vm0, $0x1, v0  }
0x25: {  	p0 =	por !p0, !p0;
	s15 =	simm.s32 $0x0;
	s19 =	sor.u32 $0x100, s19;
	v24 =	vld [tilespmem:s16+$0x800];
	vm0 =	vge.s32 v29, v14;
	v28 =	vadd.s32 v18, v26;
	vm5 =	vge.s32 v27, v15  }
0x26: {  	s18 =	sor.u32 $0x180, s17;
	v25 =	vld [tilespmem:s19+$0x800];
	s16 =	simm.s32 $0x100;
	s17 =	simm.s32 $0x40;
	v18 =	vimm.s32 $0x0;
	v27 =	vimm.s32 $0x0;
	v29 =	vsel vm5, $0x1, v0  }
.LBB2_3:
0x27: {  	s19 =	simm.s32 $0x1  }
0x28: {  	s20 =	sand.u32 $0x40, s17;
	s21 =	sor.u32 s16, s17;
	v26 =	vadd.s32 v29, v26;
	v22 =	vadd.s32 v22, v27;
	v27 =	vsel vm2, $0x1, v0;
	v29 =	vld [tilespmem:s14+$0x830];
	s19 =	simm.s32 @!p0 $0x0  }
0x29: {  	s14 =	sand.u32 $0x600, s16;
	v23 =	vadd.s32 v23, v28;
	v28 =	vsel vm3, $0x1, v0;
	vm2 =	vge.s32 v21, v16;
	s21 =	sor.u32 $0x180, s21;
	s19 =	sshll.u32 s19, $0x6;
	v21 =	vld [tilespmem:s18+$0x800]  }
0x2a: {  	s15 =	sadd.s32 $0x4, s15;
	v31 =	vsel vm1, $0x1, v0;
	s14 =	sor.u32 s20, s14;
	v23 =	vadd.s32 v27, v23;
	v27 =	vsel vm2, $0x1, v0;
	s18 =	sadd.s32 s19, s16;
	v30 =	vld [tilespmem:s21+$0x800]  }
0x2b: {  	vm3 =	vge.s32 v19, v15;
	vm1 =	vge.s32 v20, v16;
	vm2 =	vge.s32 v24, v15;
	s20 =	sor.u32 $0x100, s18;
	s21 =	sadd.s32 $0x10, s18;
	v32 =	vld [tilespmem:s14+$0x8B0];
	s22 =	sadd.s32 $0x30, s18  }
0x2c: {  	v20 =	vsel vm3, $0x1, v0;
	v19 =	vsel vm1, $0x1, v0;
	s18 =	sadd.s32 $0x20, s18;
	vm4 =	vge.s32 v25, v15;
	s19 =	sor.u32 $0x100, s21;
	v24 =	vld [tilespmem:s14+$0x8A0];
	s23 =	sor.u32 $0x100, s22  }
0x2d: {  	v19 =	vadd.s32 v19, v22;
	v33 =	vsel vm2, $0x1, v0;
	s21 =	sor.u32 $0x180, s21;
	s24 =	sor.u32 $0x100, s18;
	s25 =	sor.u32 $0x180, s18;
	vm1 =	vge.s32 v29, v13;
	v25 =	vld [tilespmem:s14+$0x820]  }
0x2e: {  	p1 =	slt.u32 s15, $0x1C;
	v22 =	vsel vm0, $0x1, v0;
	s18 =	sor.u32 $0x180, s22;
	v34 =	vsel vm4, $0x1, v0;
	v19 =	vadd.s32 v27, v19;
	v29 =	vld [tilespmem:s14+$0x810]  }
0x2f: {  	v18 =	vadd.s32 v22, v18;
	v27 =	vsel vm1, $0x1, v0;
	vm0 =	vge.s32 v21, v16;
	v35 =	vld [tilespmem:s14+$0x890]  }
0x30: {  	v21 =	vadd.s32 v34, v26;
	vm1 =	vge.s32 v30, v16;
	v26 =	vsel vm0, $0x1, v0;
	v36 =	vld [tilespmem:s14+$0x800]  }
0x31: {  	v18 =	vadd.s32 v31, v18;
	v31 =	vadd.s32 v27, v23;
	v22 =	vsel vm1, $0x1, v0;
	v30 =	vld [tilespmem:s20+$0x800]  }
0x32: {  	v18 =	vadd.s32 v28, v18;
	v28 =	vadd.s32 v33, v21;
	v27 =	vadd.s32 v26, v19;
	v34 =	vld [tilespmem:s14+$0x880]  }
.Ltmp0:
0x33: {  	v18 =	vadd.s32 v17, v18;
	vm2 =	vge.s32 v25, v13;
	vm0 =	vge.s32 v29, v13;
	v21 =	vld [tilespmem:s25+$0x800];
	(pc) =	sbr.rel @p1 .LBB2_3-.Ltmp0, $4  }
0x34: {  	v26 =	vadd.s32 v20, v28;
	v23 =	vsel vm0, $0x1, v0;
	vm1 =	vge.s32 v35, v14;
	v19 =	vld [tilespmem:s23+$0x800]  }
0x35: {  	vm4 =	vge.s32 v32, v14;
	vm3 =	vge.s32 v24, v14;
	vm0 =	vge.s32 v36, v13;
	v20 =	vld [tilespmem:s21+$0x800]  }
0x36: {  	v17 =	vsel vm4, $0x1, v0;
	v25 =	vsel vm0, $0x1, v0;
	vm5 =	vge.s32 v30, v15;
	v24 =	vld [tilespmem:s24+$0x800]  }
0x37: {  	s17 =	sadd.s32 $0x40, s17;
	p0 =	por !p0, !p0;
	s16 =	sadd.s32 $0x100, s16;
	v28 =	vadd.s32 v25, v31;
	vm0 =	vge.s32 v34, v14;
	v29 =	vsel vm5, $0x1, v0;
	v25 =	vld [tilespmem:s19+$0x800]  }
0x38: {  	v26 =	vadd.s32 v29, v26;
	v22 =	vadd.s32 v22, v27  }
0x39: {  	v45 =	vsel vm2, $0x1, v0;
	v23 =	vadd.s32 v23, v28;
	v47 =	vsel vm3, $0x1, v0  }
0x3a: {  	v46 =	vld [tilespmem:s14+$0x830];
	vm14 =	vge.s32 v21, v16;
	v30 =	vsel vm1, $0x1, v0;
	v53 =	vsel vm0, $0x1, v0  }
0x3b: {  	v48 =	vld [tilespmem:s18+$0x800];
	v23 =	vadd.s32 v45, v23;
	v49 =	vsel vm14, $0x1, v0;
	vm9 =	vge.s32 v19, v15  }
0x3c: {  	v18 =	vadd.s32 v53, v18;
	vm15 =	vge.s32 v20, v16;
	v51 =	vsel vm9, $0x1, v0  }
0x3d: {  	v18 =	vadd.s32 v30, v18;
	vm8 =	vge.s32 v24, v15;
	v50 =	vsel vm15, $0x1, v0  }
0x3e: {  	v18 =	vadd.s32 v47, v18;
	vm4 =	vge.s32 v25, v15;
	v19 =	vadd.s32 v50, v22  }
0x3f: {  	v52 =	vsel vm8, $0x1, v0;
	v17 =	vadd.s32 v17, v18;
	vm10 =	vge.s32 v46, v13  }
0x40: {  	v25 =	vsel vm4, $0x1, v0;
	v19 =	vadd.s32 v49, v19;
	vm11 =	vge.s32 v48, v16  }
0x41: {  	v59 =	vperm.xlane v17, v1;
	v54 =	vsel vm10, $0x1, v0;
	v55 =	vadd.s32 v25, v26  }
0x42: {  	v56 =	vsel vm11, $0x1, v0;
	v23 =	vadd.s32 v54, v23;
	v21 =	vadd.s32 v52, v55  }
0x43: {  	v19 =	vadd.s32 v56, v19;
	v17 =	vadd.s32 v17, v59;
	v58 =	vperm.xlane v23, v1  }
0x44: {  	v57 =	vadd.s32 v51, v21;
	v61 =	vperm.xlane v19, v1;
	v21 =	vperm.xlane v17, v2  }
0x45: {  	v60 =	vperm.xlane v57, v1;
	v20 =	vadd.s32 v23, v58  }
0x46: {  	v19 =	vadd.s32 v19, v61;
	v17 =	vadd.s32 v21, v17;
	v62 =	vperm.xlane v20, v2  }
0x47: {  	v18 =	vadd.s32 v57, v60;
	v23 =	vperm.xlane v19, v2;
	v21 =	vperm.xlane v17, v3  }
0x48: {  	v22 =	vperm.xlane v18, v2  }
0x49: {  	v20 =	vadd.s32 v62, v20;
	v19 =	vadd.s32 v23, v19;
	v17 =	vadd.s32 v21, v17  }
0x4a: {  	v24 =	vperm.xlane v20, v3;
	v18 =	vadd.s32 v22, v18;
	v23 =	vperm.xlane v19, v3  }
0x4b: {  	v21 =	vperm.xlane v17, v4;
	v22 =	vperm.xlane v18, v3  }
0x4c: {  	v20 =	vadd.s32 v24, v20;
	v19 =	vadd.s32 v23, v19  }
0x4d: {  	s13 =	sadd.s32 $0x1, s13;
	v17 =	vadd.s32 v21, v17;
	v24 =	vperm.xlane v20, v4;
	v18 =	vadd.s32 v22, v18  }
0x4e: {  	p0 =	seq.s32 s13, $0x20;
	v23 =	vperm.xlane v19, v4;
	vm13 =	vgt.s32 v17, $0x99;
	v22 =	vperm.xlane v18, v4  }
.Ltmp1:
0x4f: {  	v7 =	vsel vm13, v14, v7;
	v11 =	vsel vm13, v11, v14;
	(pc) =	sbr.rel @!p0 .LBB2_2-.Ltmp1, $4  }
0x50: {  	v20 =	vadd.s32 v24, v20;
	v63 =	vadd.s32 v23, v19;
	v18 =	vadd.s32 v22, v18  }
0x51: {  	vm12 =	vgt.s32 v20, $0x99;
	vm15 =	vgt.s32 v63, $0x99;
	vm14 =	vgt.s32 v18, $0x99  }
0x52: {  	v8 =	vsel vm12, v13, v8;
	v5 =	vsel vm15, v16, v5;
	v12 =	vsel vm12, v12, v13  }
0x53: {  	v9 =	vsel vm15, v9, v16;
	v6 =	vsel vm14, v15, v6;
	v10 =	vsel vm14, v10, v15  }
0x54: {  	v61 =	vld [tilespmem:$0x250];
	_ =	sdelay $0x4  }
0x55: {  	[tilespmem:$0x1FDD0] =	vst v61;
	v61 =	vld [tilespmem:$0x3D0];
	_ =	sdelay $0x4  }
0x56: {  	[tilespmem:$0x1FDE0] =	vst v61;
	v61 =	vld [tilespmem:$0x260];
	_ =	sdelay $0x4  }
0x57: {  	[tilespmem:$0x1FDF0] =	vst v61;
	v61 =	vld [tilespmem:$0x2E0];
	_ =	sdelay $0x4  }
0x58: {  	[tilespmem:$0x1FE00] =	vst v61;
	v61 =	vld [tilespmem:$0x360];
	_ =	sdelay $0x4  }
0x59: {  	[tilespmem:$0x1FE10] =	vst v61;
	v61 =	vld [tilespmem:$0x3E0];
	_ =	sdelay $0x4  }
0x5a: {  	[tilespmem:$0x1FE20] =	vst v61;
	v61 =	vld [tilespmem:$0x270];
	_ =	sdelay $0x4  }
0x5b: {  	[tilespmem:$0x1FE30] =	vst v61;
	v61 =	vld [tilespmem:$0x2F0];
	_ =	sdelay $0x4  }
0x5c: {  	[tilespmem:$0x1FE40] =	vst v61;
	v61 =	vld [tilespmem:$0x370]  }
0x5d: {  	v9 =	vld [tilespmem:$0x0]  }
0x5e: {  	v10 =	vld [tilespmem:$0x80]  }
0x5f: {  	v11 =	vld [tilespmem:$0x100]  }
0x60: {  	v12 =	vld [tilespmem:$0x180]  }
0x61: {  	[tilespmem:$0x1FE50] =	vst v61;
	v61 =	vld [tilespmem:$0x3F0]  }
0x62: {  	v13 =	vld [tilespmem:$0x10]  }
0x63: {  	v14 =	vld [tilespmem:$0x90]  }
0x64: {  	v15 =	vld [tilespmem:$0x110]  }
0x65: {  	v16 =	vld [tilespmem:$0x190]  }
0x66: {  	[tilespmem:$0x1FE60] =	vst v61;
	v61 =	vld [tilespmem:$0x400]  }
0x67: {  	v17 =	vld [tilespmem:$0x20]  }
0x68: {  	v18 =	vld [tilespmem:$0xA0]  }
0x69: {  	v19 =	vld [tilespmem:$0x120]  }
0x6a: {  	v20 =	vld [tilespmem:$0x1A0]  }
0x6b: {  	[tilespmem:$0x1FE70] =	vst v61;
	v61 =	vld [tilespmem:$0x480]  }
0x6c: {  	v21 =	vld [tilespmem:$0x30]  }
0x6d: {  	v22 =	vld [tilespmem:$0xB0]  }
0x6e: {  	v23 =	vld [tilespmem:$0x130]  }
0x6f: {  	v24 =	vld [tilespmem:$0x1B0]  }
0x70: {  	[tilespmem:$0x1FE80] =	vst v61;
	v61 =	vld [tilespmem:$0x500]  }
0x71: {  	v25 =	vld [tilespmem:$0x40]  }
0x72: {  	v26 =	vld [tilespmem:$0xC0]  }
0x73: {  	v27 =	vld [tilespmem:$0x140]  }
0x74: {  	v28 =	vld [tilespmem:$0x1C0]  }
0x75: {  	[tilespmem:$0x1FE90] =	vst v61;
	v61 =	vld [tilespmem:$0x580]  }
0x76: {  	v29 =	vld [tilespmem:$0x50]  }
0x77: {  	v30 =	vld [tilespmem:$0xD0]  }
0x78: {  	v31 =	vld [tilespmem:$0x150]  }
0x79: {  	v32 =	vld [tilespmem:$0x1D0]  }
0x7a: {  	[tilespmem:$0x1FEA0] =	vst v61;
	v61 =	vld [tilespmem:$0x410]  }
0x7b: {  	v33 =	vld [tilespmem:$0x60]  }
0x7c: {  	v34 =	vld [tilespmem:$0xE0]  }
0x7d: {  	v35 =	vld [tilespmem:$0x160]  }
0x7e: {  	v36 =	vld [tilespmem:$0x1E0]  }
0x7f: {  	[tilespmem:$0x1FEB0] =	vst v61;
	v61 =	vld [tilespmem:$0x490]  }
0x80: {  	v37 =	vld [tilespmem:$0x70]  }
0x81: {  	v38 =	vld [tilespmem:$0xF0]  }
0x82: {  	v39 =	vld [tilespmem:$0x170]  }
0x83: {  	v40 =	vld [tilespmem:$0x1F0]  }
0x84: {  	[tilespmem:$0x1FEC0] =	vst v61;
	v61 =	vld [tilespmem:$0x510]  }
0x85: {  	v41 =	vld [tilespmem:$0x200]  }
0x86: {  	v42 =	vld [tilespmem:$0x280]  }
0x87: {  	v43 =	vld [tilespmem:$0x300]  }
0x88: {  	v44 =	vld [tilespmem:$0x380]  }
0x89: {  	[tilespmem:$0x1FED0] =	vst v61;
	v61 =	vld [tilespmem:$0x590]  }
0x8a: {  	v45 =	vld [tilespmem:$0x210]  }
0x8b: {  	v46 =	vld [tilespmem:$0x290]  }
0x8c: {  	v47 =	vld [tilespmem:$0x310]  }
0x8d: {  	v48 =	vld [tilespmem:$0x390]  }
0x8e: {  	[tilespmem:$0x1FEE0] =	vst v61;
	v61 =	vld [tilespmem:$0x420]  }
0x8f: {  	v49 =	vld [tilespmem:$0x220]  }
0x90: {  	v50 =	vld [tilespmem:$0x2A0]  }
0x91: {  	v51 =	vld [tilespmem:$0x320]  }
0x92: {  	v52 =	vld [tilespmem:$0x3A0]  }
0x93: {  	[tilespmem:$0x1FEF0] =	vst v61;
	v61 =	vld [tilespmem:$0x4A0]  }
0x94: {  	v53 =	vld [tilespmem:$0x230]  }
0x95: {  	v54 =	vld [tilespmem:$0x2B0]  }
0x96: {  	v55 =	vld [tilespmem:$0x330]  }
0x97: {  	v56 =	vld [tilespmem:$0x3B0]  }
0x98: {  	[tilespmem:$0x1FF00] =	vst v61;
	v61 =	vld [tilespmem:$0x520]  }
0x99: {  	v57 =	vld [tilespmem:$0x240]  }
0x9a: {  	v58 =	vld [tilespmem:$0x2C0]  }
0x9b: {  	v59 =	vld [tilespmem:$0x340]  }
0x9c: {  	v60 =	vld [tilespmem:$0x3C0]  }
0x9d: {  	[tilespmem:$0x1FF10] =	vst v61;
	v61 =	vld [tilespmem:$0x5A0]  }
0x9e: {  	v62 =	vld [tilespmem:$0x2D0]  }
0x9f: {  	v63 =	vld [tilespmem:$0x350];
	v9 =	vmax.f32 v9, $-3.000000010e+38  }
0xa0: {  	v10 =	vmax.f32 v10, $-3.000000010e+38;
	v9 =	vmax.f32 v9, v13;
	v13 =	vld [tilespmem:$0x560]  }
0xa1: {  	v10 =	vmax.f32 v10, v14;
	v14 =	vld [tilespmem:$0x5E0]  }
0xa2: {  	v11 =	vmax.f32 v11, $-3.000000010e+38;
	[tilespmem:$0x1FF20] =	vst v61;
	v61 =	vld [tilespmem:$0x430]  }
0xa3: {  	v12 =	vmax.f32 v12, $-3.000000010e+38;
	v11 =	vmax.f32 v11, v15;
	v15 =	vld [tilespmem:$0x470]  }
0xa4: {  	v12 =	vmax.f32 v12, v16;
	v16 =	vld [tilespmem:$0x4F0]  }
0xa5: {  	v9 =	vmax.f32 v9, v17;
	v17 =	vld [tilespmem:$0x570]  }
0xa6: {  	v10 =	vmax.f32 v10, v18;
	v18 =	vld [tilespmem:$0x5F0]  }
0xa7: {  	[tilespmem:$0x1FF30] =	vst v61;
	v61 =	vld [tilespmem:$0x4B0]  }
0xa8: {  	v11 =	vmax.f32 v11, v19;
	v19 =	vld [tilespmem:$0x600]  }
0xa9: {  	v12 =	vmax.f32 v12, v20;
	v20 =	vld [tilespmem:$0x680]  }
0xaa: {  	v9 =	vmax.f32 v9, v21;
	v21 =	vld [tilespmem:$0x700]  }
0xab: {  	v10 =	vmax.f32 v10, v22;
	v22 =	vld [tilespmem:$0x780]  }
0xac: {  	[tilespmem:$0x1FF40] =	vst v61;
	v61 =	vld [tilespmem:$0x530]  }
0xad: {  	v11 =	vmax.f32 v11, v23;
	v23 =	vld [tilespmem:$0x610]  }
0xae: {  	v12 =	vmax.f32 v12, v24;
	v24 =	vld [tilespmem:$0x690]  }
0xaf: {  	v9 =	vmax.f32 v9, v25;
	v25 =	vld [tilespmem:$0x710]  }
0xb0: {  	v10 =	vmax.f32 v10, v26;
	v26 =	vld [tilespmem:$0x790]  }
0xb1: {  	[tilespmem:$0x1FF50] =	vst v61;
	v61 =	vld [tilespmem:$0x5B0]  }
0xb2: {  	v11 =	vmax.f32 v11, v27;
	v27 =	vld [tilespmem:$0x620]  }
0xb3: {  	v12 =	vmax.f32 v12, v28;
	v28 =	vld [tilespmem:$0x6A0]  }
0xb4: {  	v10 =	vmax.f32 v10, v30;
	v30 =	vld [tilespmem:$0x7A0]  }
0xb5: {  	v11 =	vmax.f32 v11, v31;
	v31 =	vld [tilespmem:$0x630]  }
0xb6: {  	[tilespmem:$0x1FF60] =	vst v61;
	v61 =	vld [tilespmem:$0x440]  }
0xb7: {  	v12 =	vmax.f32 v12, v32;
	v32 =	vld [tilespmem:$0x6B0];
	v10 =	vmax.f32 v10, v34  }
0xb8: {  	v9 =	vmax.f32 v9, v29;
	v34 =	vld [tilespmem:$0x7B0];
	v10 =	vmax.f32 v10, v38  }
0xb9: {  	v9 =	vmax.f32 v9, v33;
	v11 =	vmax.f32 v11, v35;
	v35 =	vld [tilespmem:$0x640];
	v10 =	vmax.f32 v10, v42  }
0xba: {  	v12 =	vmax.f32 v12, v36;
	v11 =	vmax.f32 v11, v39;
	v10 =	vmax.f32 v10, v46;
	v46 =	vld [tilespmem:$0x1FDD0]  }
0xbb: {  	v9 =	vmax.f32 v9, v37;
	v12 =	vmax.f32 v12, v40;
	v11 =	vmax.f32 v11, v43;
	[tilespmem:$0x1FF70] =	vst v61;
	v61 =	vld [tilespmem:$0x4C0]  }
0xbc: {  	v9 =	vmax.f32 v9, v41;
	v12 =	vmax.f32 v12, v44;
	v11 =	vmax.f32 v11, v47;
	v47 =	vld [tilespmem:$0x1FDE0]  }
0xbd: {  	v9 =	vmax.f32 v9, v45;
	v12 =	vmax.f32 v12, v48;
	v48 =	vld [tilespmem:$0x1FDF0]  }
0xbe: {  	v9 =	vmax.f32 v9, v49;
	v49 =	vld [tilespmem:$0x1FE00]  }
0xbf: {  	v10 =	vmax.f32 v10, v50;
	v50 =	vld [tilespmem:$0x1FE10]  }
0xc0: {  	[tilespmem:$0x1FF80] =	vst v61;
	v61 =	vld [tilespmem:$0x540]  }
0xc1: {  	v11 =	vmax.f32 v11, v51;
	v51 =	vld [tilespmem:$0x1FE20]  }
0xc2: {  	v12 =	vmax.f32 v12, v52;
	v52 =	vld [tilespmem:$0x1FE30]  }
0xc3: {  	v9 =	vmax.f32 v9, v53;
	v53 =	vld [tilespmem:$0x1FE40]  }
0xc4: {  	v10 =	vmax.f32 v10, v54;
	v54 =	vld [tilespmem:$0x1FE50]  }
0xc5: {  	[tilespmem:$0x1FF90] =	vst v61;
	v61 =	vld [tilespmem:$0x5C0]  }
0xc6: {  	v11 =	vmax.f32 v11, v55;
	v55 =	vld [tilespmem:$0x1FE60]  }
0xc7: {  	v12 =	vmax.f32 v12, v56;
	v56 =	vld [tilespmem:$0x1FE70]  }
0xc8: {  	v9 =	vmax.f32 v9, v57;
	v57 =	vld [tilespmem:$0x1FE80]  }
0xc9: {  	v10 =	vmax.f32 v10, v58;
	v58 =	vld [tilespmem:$0x1FE90]  }
0xca: {  	[tilespmem:$0x1FFA0] =	vst v61;
	v61 =	vld [tilespmem:$0x450]  }
0xcb: {  	v11 =	vmax.f32 v11, v59;
	v59 =	vld [tilespmem:$0x1FEA0]  }
0xcc: {  	v12 =	vmax.f32 v12, v60;
	v60 =	vld [tilespmem:$0x1FEB0]  }
0xcd: {  	v10 =	vmax.f32 v10, v62;
	v62 =	vld [tilespmem:$0x1FEC0]  }
0xce: {  	v11 =	vmax.f32 v11, v63;
	v63 =	vld [tilespmem:$0x1FED0]  }
0xcf: {  	[tilespmem:$0x1FFB0] =	vst v61;
	v61 =	vld [tilespmem:$0x4D0]  }
0xd0: {  	v40 =	vld [tilespmem:$0x1FEE0]  }
0xd1: {  	v41 =	vld [tilespmem:$0x1FEF0]  }
0xd2: {  	v42 =	vld [tilespmem:$0x1FF00]  }
0xd3: {  	v43 =	vld [tilespmem:$0x1FF10]  }
0xd4: {  	[tilespmem:$0x1FFC0] =	vst v61;
	v61 =	vld [tilespmem:$0x550]  }
0xd5: {  	v44 =	vld [tilespmem:$0x1FF20]  }
0xd6: {  	v9 =	vmax.f32 v9, v46;
	v46 =	vld [tilespmem:$0x1FF30]  }
0xd7: {  	v12 =	vmax.f32 v12, v47;
	v47 =	vld [tilespmem:$0x1FF40]  }
0xd8: {  	v9 =	vmax.f32 v9, v48;
	v48 =	vld [tilespmem:$0x1FF50]  }
0xd9: {  	[tilespmem:$0x1FFD0] =	vst v61;
	v61 =	vld [tilespmem:$0x5D0]  }
0xda: {  	v11 =	vmax.f32 v11, v50;
	v50 =	vld [tilespmem:$0x1FF60]  }
0xdb: {  	v12 =	vmax.f32 v12, v51;
	v51 =	vld [tilespmem:$0x1FF70]  }
0xdc: {  	v9 =	vmax.f32 v9, v52;
	v52 =	vld [tilespmem:$0x1FF80]  }
0xdd: {  	v11 =	vmax.f32 v11, v54;
	v54 =	vld [tilespmem:$0x1FF90]  }
0xde: {  	[tilespmem:$0x1FFE0] =	vst v61;
	v61 =	vld [tilespmem:$0x460]  }
0xdf: {  	v12 =	vmax.f32 v12, v55;
	v55 =	vld [tilespmem:$0x1FFA0]  }
0xe0: {  	v10 =	vmax.f32 v10, v49;
	v9 =	vmax.f32 v9, v56;
	v56 =	vld [tilespmem:$0x1FFB0]  }
0xe1: {  	v10 =	vmax.f32 v10, v53;
	v11 =	vmax.f32 v11, v58;
	v58 =	vld [tilespmem:$0x1FFC0]  }
0xe2: {  	v10 =	vmax.f32 v10, v57;
	v12 =	vmax.f32 v12, v59;
	v9 =	vmax.f32 v9, v60;
	v59 =	vld [tilespmem:$0x1FFD0]  }
0xe3: {  	v10 =	vmax.f32 v10, v62;
	v11 =	vmax.f32 v11, v63;
	v12 =	vmax.f32 v12, v40;
	v60 =	vld [tilespmem:$0x1FFE0];
	[tilespmem:$0x1FFF0] =	vst v61  }
0xe4: {  	v9 =	vmax.f32 v9, v41;
	v10 =	vmax.f32 v10, v42;
	v11 =	vmax.f32 v11, v43;
	v63 =	vld [tilespmem:$0x1FFF0]  }
0xe5: {  	v12 =	vmax.f32 v12, v44;
	v9 =	vmax.f32 v9, v46;
	v11 =	vmax.f32 v11, v48;
	v61 =	vld [tilespmem:$0x4E0]  }
0xe6: {  	v36 =	vld [tilespmem:$0x6C0];
	v10 =	vmax.f32 v10, v47;
	v12 =	vmax.f32 v12, v50;
	v11 =	vmax.f32 v11, v54  }
0xe7: {  	v49 =	vld [tilespmem:$0x7C0];
	v9 =	vmax.f32 v9, v51;
	v10 =	vmax.f32 v10, v52;
	v11 =	vmax.f32 v11, v59  }
0xe8: {  	v53 =	vld [tilespmem:$0x650];
	v12 =	vmax.f32 v12, v55;
	v9 =	vmax.f32 v9, v56;
	v11 =	vmax.f32 v11, v13  }
0xe9: {  	v57 =	vld [tilespmem:$0x6D0];
	v10 =	vmax.f32 v10, v58;
	v11 =	vmax.f32 v11, v17;
	v9 =	vmax.f32 v9, v63  }
0xea: {  	v13 =	vld [tilespmem:$0x7D0];
	v12 =	vmax.f32 v12, v60;
	v10 =	vmax.f32 v10, v61;
	v9 =	vmax.f32 v9, v15  }
0xeb: {  	v17 =	vld [tilespmem:$0x7E0];
	v12 =	vmax.f32 v12, v14;
	v10 =	vmax.f32 v10, v16;
	v9 =	vmax.f32 v9, v19  }
0xec: {  	v14 =	vld [tilespmem:$0x660];
	v12 =	vmax.f32 v12, v18;
	v10 =	vmax.f32 v10, v20;
	v9 =	vmax.f32 v9, v23  }
0xed: {  	v12 =	vmax.f32 v12, v22;
	v15 =	vld [tilespmem:$0x6E0];
	v10 =	vmax.f32 v10, v24;
	v9 =	vmax.f32 v9, v27  }
0xee: {  	v12 =	vmax.f32 v12, v26;
	v19 =	vld [tilespmem:$0x6F0];
	v10 =	vmax.f32 v10, v28;
	v9 =	vmax.f32 v9, v31  }
0xef: {  	v12 =	vmax.f32 v12, v30;
	v10 =	vmax.f32 v10, v32;
	v9 =	vmax.f32 v9, v35;
	v35 =	vld [tilespmem:$0x7F0]  }
0xf0: {  	v29 =	vld [tilespmem:$0x720];
	v12 =	vmax.f32 v12, v34;
	v10 =	vmax.f32 v10, v36  }
0xf1: {  	v33 =	vld [tilespmem:$0x730];
	v11 =	vmax.f32 v11, v21;
	v12 =	vmax.f32 v12, v49;
	v10 =	vmax.f32 v10, v57  }
0xf2: {  	v11 =	vmax.f32 v11, v25;
	v18 =	vld [tilespmem:$0x670];
	v12 =	vmax.f32 v12, v13;
	v10 =	vmax.f32 v10, v15  }
0xf3: {  	v45 =	vld [tilespmem:$0x740];
	v12 =	vmax.f32 v12, v17;
	v9 =	vmax.f32 v9, v53;
	v10 =	vmax.f32 v10, v19  }
0xf4: {  	v62 =	vld [tilespmem:$0x750];
	v9 =	vmax.f32 v9, v14;
	v14 =	vperm.xlane v10, v1;
	v12 =	vmax.f32 v12, v35  }
0xf5: {  	v11 =	vmax.f32 v11, v29;
	v15 =	vperm.xlane v12, v1  }
0xf6: {  	v11 =	vmax.f32 v11, v33;
	v16 =	vld [tilespmem:$0x760];
	v10 =	vmax.f32 v10, v14  }
0xf7: {  	v9 =	vmax.f32 v9, v18;
	v14 =	vperm.xlane v10, v2;
	v12 =	vmax.f32 v12, v15  }
0xf8: {  	v11 =	vmax.f32 v11, v45;
	v13 =	vperm.xlane v9, v1;
	v15 =	vperm.xlane v12, v2  }
0xf9: {  	v11 =	vmax.f32 v11, v62;
	v10 =	vmax.f32 v10, v14  }
0xfa: {  	v9 =	vmax.f32 v9, v13;
	v14 =	vperm.xlane v10, v3;
	v12 =	vmax.f32 v12, v15  }
0xfb: {  	v11 =	vmax.f32 v11, v16;
	v16 =	vperm.xlane v9, v2;
	v15 =	vperm.xlane v12, v3  }
0xfc: {  	s13 =	simm.s32 $0x0;
	v10 =	vmax.f32 v10, v14  }
0xfd: {  	s14 =	sand.u32 $0x40, s13;
	s15 =	sand.u32 $0x600, s13;
	v9 =	vmax.f32 v9, v16;
	v14 =	vperm.xlane v10, v4;
	v12 =	vmax.f32 v12, v15  }
0xfe: {  	s14 =	sor.u32 s14, s15;
	v16 =	vperm.xlane v9, v3;
	v15 =	vperm.xlane v12, v4  }
0xff: {  	v10 =	vmax.f32 v10, v14;
	v14 =	vld [tilespmem:s14+$0x0]  }
0x100: {  	v9 =	vmax.f32 v9, v16;
	v12 =	vmax.f32 v12, v15;
	v15 =	vld [tilespmem:s14+$0x80]  }
0x101: {  	v16 =	vperm.xlane v9, v4;
	_ =	sdelay $0x1  }
0x102: {  	v9 =	vmax.f32 v9, v16  }
0x103: {  	v14 =	vsub.f32 v14, v9  }
0x104: {  	v15 =	vsub.f32 v15, v10  }
0x105: {  	v14 =	vmul.f32 $1.442695020e+00, v14  }
0x106: {  	v15 =	vmul.f32 $1.442695020e+00, v15  }
0x107: {  	v34 =	vld [tilespmem:$0x770];
	(erf) = vpow2.f32 v14  }
0x108: {  	(erf) = vpow2.f32 v15;
	_ =	sdelay $0x2  }
0x109: {  	v14 =	vld [tilespmem:s14+$0x800]  }
0x10a: {  	v11 =	vmax.f32 v11, v34;
	v15 =	vld [tilespmem:s14+$0x880]  }
0x10b: {  	v13 =	vperm.xlane v11, v1;
	_ =	sdelay $0x1  }
0x10c: {  	p0 =	por $0x0, $0x0;
	s15 =	simm.s32 $0x1;
	v11 =	vmax.f32 v11, v13  }
0x10d: {  	s15 =	simm.s32 @!p0 $0x0;
	v13 =	vperm.xlane v11, v2;
	vm0 =	vlt.s32 v14, v8;
	v14 =	vpop (erf)  }
0x10e: {  	s15 =	sshll.u32 s15, $0x6;
	vm1 =	vlt.s32 v15, v7;
	v14 =	vsel vm0, $0x0, v14;
	v15 =	vpop (erf)  }
0x10f: {  	s15 =	sadd.s32 $0x0, s15;
	v11 =	vmax.f32 v11, v13;
	[tilespmem:s14+$0x1000] =	vst v14;
	v15 =	vsel vm1, $0x0, v15  }
0x110: {  	s16 =	sor.u32 $0x100, s15;
	v13 =	vperm.xlane v11, v3;
	[tilespmem:s14+$0x1080] =	vst v15  }
0x111: {  	v16 =	vld [tilespmem:s16+$0x0]  }
0x112: {  	v11 =	vmax.f32 v11, v13  }
0x113: {  	v13 =	vperm.xlane v11, v4;
	_ =	sdelay $0x1  }
0x114: {  	v11 =	vmax.f32 v11, v13  }
0x115: {  	v16 =	vsub.f32 v16, v11;
	_ =	sdelay $0x1  }
0x116: {  	v16 =	vmul.f32 $1.442695020e+00, v16;
	_ =	sdelay $0x1  }
0x117: {  	(erf) = vpow2.f32 v16;
	_ =	sdelay $0x3  }
0x118: {  	v16 =	vld [tilespmem:s16+$0x800];
	_ =	sdelay $0x4  }
0x119: {  	vm0 =	vlt.s32 v16, v6;
	v16 =	vpop (erf)  }
0x11a: {  	s17 =	sor.u32 s13, s13;
	v16 =	vsel vm0, $0x0, v16  }
0x11b: {  	s17 =	sor.u32 $0x180, s17;
	[tilespmem:s16+$0x1000] =	vst v16  }
0x11c: {  	v17 =	vld [tilespmem:s17+$0x0];
	_ =	sdelay $0x4  }
0x11d: {  	v17 =	vsub.f32 v17, v12;
	_ =	sdelay $0x1  }
0x11e: {  	v17 =	vmul.f32 $1.442695020e+00, v17;
	_ =	sdelay $0x1  }
0x11f: {  	(erf) = vpow2.f32 v17;
	_ =	sdelay $0x3  }
0x120: {  	v17 =	vld [tilespmem:s17+$0x800];
	_ =	sdelay $0x4  }
0x121: {  	vm0 =	vlt.s32 v17, v5;
	v17 =	vpop (erf)  }
0x122: {  	v17 =	vsel vm0, $0x0, v17  }
0x123: {  	[tilespmem:s17+$0x1000] =	vst v17  }
0x124: {  	v18 =	vld [tilespmem:s14+$0x10]  }
0x125: {  	v19 =	vld [tilespmem:s14+$0x90];
	_ =	sdelay $0x3  }
0x126: {  	v18 =	vsub.f32 v18, v9  }
0x127: {  	v19 =	vsub.f32 v19, v10  }
0x128: {  	v18 =	vmul.f32 $1.442695020e+00, v18  }
0x129: {  	v19 =	vmul.f32 $1.442695020e+00, v19  }
0x12a: {  	(erf) = vpow2.f32 v18  }
0x12b: {  	(erf) = vpow2.f32 v19;
	_ =	sdelay $0x2  }
0x12c: {  	v18 =	vld [tilespmem:s14+$0x810]  }
0x12d: {  	v19 =	vld [tilespmem:s14+$0x890];
	_ =	sdelay $0x3  }
0x12e: {  	vm0 =	vlt.s32 v18, v8;
	v18 =	vpop (erf)  }
0x12f: {  	vm1 =	vlt.s32 v19, v7;
	v18 =	vsel vm0, $0x0, v18;
	v19 =	vpop (erf)  }
0x130: {  	s26 =	sadd.s32 $0x10, s15;
	[tilespmem:s14+$0x1010] =	vst v18;
	v19 =	vsel vm1, $0x0, v19  }
0x131: {  	s28 =	sor.u32 $0x100, s26;
	[tilespmem:s14+$0x1090] =	vst v19  }
0x132: {  	v36 =	vld [tilespmem:s28+$0x0];
	_ =	sdelay $0x4  }
0x133: {  	v20 =	vsub.f32 v36, v11;
	_ =	sdelay $0x1  }
0x134: {  	v20 =	vmul.f32 $1.442695020e+00, v20;
	_ =	sdelay $0x1  }
0x135: {  	(erf) = vpow2.f32 v20;
	_ =	sdelay $0x3  }
0x136: {  	v37 =	vld [tilespmem:s28+$0x800];
	_ =	sdelay $0x4  }
0x137: {  	vm0 =	vlt.s32 v37, v6;
	v38 =	vpop (erf)  }
0x138: {  	v20 =	vsel vm0, $0x0, v38  }
0x139: {  	s16 =	sor.u32 $0x180, s26;
	[tilespmem:s28+$0x1000] =	vst v20  }
0x13a: {  	v39 =	vld [tilespmem:s16+$0x0];
	_ =	sdelay $0x4  }
0x13b: {  	v21 =	vsub.f32 v39, v12;
	_ =	sdelay $0x1  }
0x13c: {  	v21 =	vmul.f32 $1.442695020e+00, v21;
	_ =	sdelay $0x1  }
0x13d: {  	(erf) = vpow2.f32 v21;
	_ =	sdelay $0x3  }
0x13e: {  	v40 =	vld [tilespmem:s16+$0x800];
	_ =	sdelay $0x4  }
0x13f: {  	vm0 =	vlt.s32 v40, v5;
	v41 =	vpop (erf)  }
0x140: {  	v21 =	vsel vm0, $0x0, v41  }
0x141: {  	[tilespmem:s16+$0x1000] =	vst v21  }
0x142: {  	v42 =	vld [tilespmem:s14+$0x20]  }
0x143: {  	v43 =	vld [tilespmem:s14+$0xA0];
	_ =	sdelay $0x3  }
0x144: {  	v22 =	vsub.f32 v42, v9  }
0x145: {  	v23 =	vsub.f32 v43, v10  }
0x146: {  	v22 =	vmul.f32 $1.442695020e+00, v22  }
0x147: {  	v23 =	vmul.f32 $1.442695020e+00, v23  }
0x148: {  	(erf) = vpow2.f32 v22  }
0x149: {  	(erf) = vpow2.f32 v23;
	_ =	sdelay $0x2  }
0x14a: {  	v44 =	vld [tilespmem:s14+$0x820]  }
0x14b: {  	v45 =	vld [tilespmem:s14+$0x8A0];
	_ =	sdelay $0x3  }
0x14c: {  	vm0 =	vlt.s32 v44, v8;
	v46 =	vpop (erf)  }
0x14d: {  	vm1 =	vlt.s32 v45, v7;
	v22 =	vsel vm0, $0x0, v46;
	v47 =	vpop (erf)  }
0x14e: {  	s29 =	sadd.s32 $0x20, s15;
	[tilespmem:s14+$0x1020] =	vst v22;
	v23 =	vsel vm1, $0x0, v47  }
0x14f: {  	s30 =	sor.u32 $0x100, s29;
	[tilespmem:s14+$0x10A0] =	vst v23  }
0x150: {  	v48 =	vld [tilespmem:s30+$0x0];
	_ =	sdelay $0x4  }
0x151: {  	v24 =	vsub.f32 v48, v11;
	_ =	sdelay $0x1  }
0x152: {  	v24 =	vmul.f32 $1.442695020e+00, v24;
	_ =	sdelay $0x1  }
0x153: {  	(erf) = vpow2.f32 v24;
	_ =	sdelay $0x3  }
0x154: {  	v49 =	vld [tilespmem:s30+$0x800];
	_ =	sdelay $0x4  }
0x155: {  	vm0 =	vlt.s32 v49, v6;
	v50 =	vpop (erf)  }
0x156: {  	v24 =	vsel vm0, $0x0, v50  }
0x157: {  	s16 =	sor.u32 $0x180, s29;
	[tilespmem:s30+$0x1000] =	vst v24  }
0x158: {  	v51 =	vld [tilespmem:s16+$0x0];
	_ =	sdelay $0x4  }
0x159: {  	v25 =	vsub.f32 v51, v12;
	_ =	sdelay $0x1  }
0x15a: {  	v25 =	vmul.f32 $1.442695020e+00, v25;
	_ =	sdelay $0x1  }
0x15b: {  	(erf) = vpow2.f32 v25;
	_ =	sdelay $0x3  }
0x15c: {  	v52 =	vld [tilespmem:s16+$0x800];
	_ =	sdelay $0x4  }
0x15d: {  	vm0 =	vlt.s32 v52, v5;
	v53 =	vpop (erf)  }
0x15e: {  	v25 =	vsel vm0, $0x0, v53  }
0x15f: {  	[tilespmem:s16+$0x1000] =	vst v25  }
0x160: {  	v54 =	vld [tilespmem:s14+$0x30]  }
0x161: {  	v55 =	vld [tilespmem:s14+$0xB0];
	_ =	sdelay $0x3  }
0x162: {  	v26 =	vsub.f32 v54, v9  }
0x163: {  	v27 =	vsub.f32 v55, v10  }
0x164: {  	v26 =	vmul.f32 $1.442695020e+00, v26  }
0x165: {  	v27 =	vmul.f32 $1.442695020e+00, v27  }
0x166: {  	(erf) = vpow2.f32 v26  }
0x167: {  	(erf) = vpow2.f32 v27;
	_ =	sdelay $0x2  }
0x168: {  	v56 =	vld [tilespmem:s14+$0x830]  }
0x169: {  	v57 =	vld [tilespmem:s14+$0x8B0];
	_ =	sdelay $0x3  }
0x16a: {  	vm0 =	vlt.s32 v56, v8;
	v58 =	vpop (erf)  }
0x16b: {  	vm1 =	vlt.s32 v57, v7;
	v26 =	vsel vm0, $0x0, v58;
	v59 =	vpop (erf)  }
0x16c: {  	s15 =	sadd.s32 $0x30, s15;
	[tilespmem:s14+$0x1030] =	vst v26;
	v27 =	vsel vm1, $0x0, v59  }
0x16d: {  	s31 =	sor.u32 $0x100, s15;
	[tilespmem:s14+$0x10B0] =	vst v27  }
0x16e: {  	v60 =	vld [tilespmem:s31+$0x0];
	_ =	sdelay $0x4  }
0x16f: {  	v28 =	vsub.f32 v60, v11;
	_ =	sdelay $0x1  }
0x170: {  	v28 =	vmul.f32 $1.442695020e+00, v28;
	_ =	sdelay $0x1  }
0x171: {  	(erf) = vpow2.f32 v28;
	_ =	sdelay $0x3  }
0x172: {  	v61 =	vld [tilespmem:s31+$0x800];
	_ =	sdelay $0x4  }
0x173: {  	vm0 =	vlt.s32 v61, v6;
	v62 =	vpop (erf)  }
0x174: {  	v28 =	vsel vm0, $0x0, v62  }
0x175: {  	s17 =	sor.u32 $0x180, s15;
	[tilespmem:s31+$0x1000] =	vst v28  }
0x176: {  	v63 =	vld [tilespmem:s17+$0x0];
	_ =	sdelay $0x1  }
0x177: {  	v13 =	vimm.f32 $0.0e+00  }
0x178: {  	v15 =	vadd.f32 v15, v13;
	_ =	sdelay $0x1  }
0x179: {  	v15 =	vadd.f32 v19, v15;
	v19 =	vsub.f32 v63, v12  }
0x17a: {  	v14 =	vadd.f32 v14, v13  }
0x17b: {  	v16 =	vadd.f32 v16, v13;
	v13 =	vadd.f32 v17, v13;
	v17 =	vmul.f32 $1.442695020e+00, v19;
	_ =	sdelay $0x1  }
0x17c: {  	(erf) = vpow2.f32 v17  }
0x17d: {  	v14 =	vadd.f32 v18, v14;
	v18 =	vld [tilespmem:s17+$0x800]  }
0x17e: {  	v16 =	vadd.f32 v20, v16  }
0x17f: {  	v14 =	vadd.f32 v22, v14;
	v15 =	vadd.f32 v23, v15  }
0x180: {  	v16 =	vadd.f32 v24, v16;
	v19 =	vadd.f32 v21, v13  }
0x181: {  	v14 =	vadd.f32 v26, v14;
	v15 =	vadd.f32 v27, v15  }
0x182: {  	s15 =	simm.s32 $0x40;
	s14 =	simm.s32 $0x0;
	vm0 =	vlt.s32 v18, v5;
	v13 =	vadd.f32 v28, v16;
	v16 =	vadd.f32 v25, v19  }
.LBB2_6:
0x183: {  	s14 =	sadd.s32 $0x4, s14;
	s13 =	sadd.s32 $0x100, s13;
	p0 =	por !p0, !p0  }
0x184: {  	p1 =	slt.u32 s14, $0x1C  }
0x185: {  	v17 =	vpop (erf)  }
0x186: {  	s16 =	sand.u32 $0x40, s15;
	s18 =	sand.u32 $0x600, s13;
	v17 =	vsel vm0, $0x0, v17  }
0x187: {  	s16 =	sor.u32 s16, s18;
	[tilespmem:s17+$0x1000] =	vst v17;
	v16 =	vadd.f32 v17, v16  }
0x188: {  	v17 =	vld [tilespmem:s16+$0x0]  }
0x189: {  	v18 =	vld [tilespmem:s16+$0x80];
	_ =	sdelay $0x3  }
0x18a: {  	v17 =	vsub.f32 v17, v9  }
0x18b: {  	v18 =	vsub.f32 v18, v10  }
0x18c: {  	v17 =	vmul.f32 $1.442695020e+00, v17  }
0x18d: {  	v18 =	vmul.f32 $1.442695020e+00, v18  }
0x18e: {  	(erf) = vpow2.f32 v17  }
0x18f: {  	(erf) = vpow2.f32 v18;
	_ =	sdelay $0x1  }
0x190: {  	v17 =	vld [tilespmem:s16+$0x880]  }
0x191: {  	v18 =	vld [tilespmem:s16+$0x800];
	_ =	sdelay $0x2  }
0x192: {  	s17 =	simm.s32 $0x1  }
0x193: {  	s17 =	simm.s32 @!p0 $0x0  }
0x194: {  	s17 =	sshll.u32 s17, $0x6;
	vm1 =	vlt.s32 v17, v7;
	vm0 =	vlt.s32 v18, v8;
	v17 =	vpop (erf)  }
0x195: {  	s17 =	sadd.s32 s17, s13;
	v19 =	vsel vm0, $0x0, v17;
	v17 =	vpop (erf)  }
0x196: {  	s20 =	sor.u32 $0x100, s17;
	s19 =	sadd.s32 $0x10, s17;
	s18 =	sadd.s32 $0x20, s17;
	[tilespmem:s16+$0x1000] =	vst v19;
	v20 =	vsel vm1, $0x0, v17  }
0x197: {  	s17 =	sadd.s32 $0x30, s17;
	[tilespmem:s16+$0x1080] =	vst v20  }
0x198: {  	v17 =	vld [tilespmem:s20+$0x0];
	_ =	sdelay $0x4  }
0x199: {  	v17 =	vsub.f32 v17, v11;
	_ =	sdelay $0x1  }
0x19a: {  	v17 =	vmul.f32 $1.442695020e+00, v17;
	_ =	sdelay $0x1  }
0x19b: {  	(erf) = vpow2.f32 v17;
	_ =	sdelay $0x2  }
0x19c: {  	v17 =	vld [tilespmem:s20+$0x800];
	_ =	sdelay $0x4  }
0x19d: {  	vm0 =	vlt.s32 v17, v6  }
0x19e: {  	s21 =	sor.u32 s13, s15;
	v17 =	vpop (erf)  }
0x19f: {  	s21 =	sor.u32 $0x180, s21;
	v17 =	vsel vm0, $0x0, v17  }
0x1a0: {  	[tilespmem:s20+$0x1000] =	vst v17  }
0x1a1: {  	v18 =	vld [tilespmem:s21+$0x0];
	_ =	sdelay $0x4  }
0x1a2: {  	v18 =	vsub.f32 v18, v12;
	_ =	sdelay $0x1  }
0x1a3: {  	v18 =	vmul.f32 $1.442695020e+00, v18;
	_ =	sdelay $0x1  }
0x1a4: {  	(erf) = vpow2.f32 v18;
	_ =	sdelay $0x2  }
0x1a5: {  	v18 =	vld [tilespmem:s21+$0x800];
	_ =	sdelay $0x4  }
0x1a6: {  	vm0 =	vlt.s32 v18, v5  }
0x1a7: {  	v18 =	vpop (erf)  }
0x1a8: {  	v18 =	vsel vm0, $0x0, v18  }
0x1a9: {  	[tilespmem:s21+$0x1000] =	vst v18  }
0x1aa: {  	v21 =	vld [tilespmem:s16+$0x10]  }
0x1ab: {  	v22 =	vld [tilespmem:s16+$0x90];
	_ =	sdelay $0x3  }
0x1ac: {  	v21 =	vsub.f32 v21, v9  }
0x1ad: {  	v22 =	vsub.f32 v22, v10  }
0x1ae: {  	v21 =	vmul.f32 $1.442695020e+00, v21  }
0x1af: {  	v22 =	vmul.f32 $1.442695020e+00, v22  }
0x1b0: {  	(erf) = vpow2.f32 v21  }
0x1b1: {  	(erf) = vpow2.f32 v22  }
0x1b2: {  	v21 =	vld [tilespmem:s16+$0x890]  }
0x1b3: {  	v22 =	vld [tilespmem:s16+$0x810];
	_ =	sdelay $0x4  }
0x1b4: {  	vm1 =	vlt.s32 v21, v7;
	vm0 =	vlt.s32 v22, v8  }
0x1b5: {  	v21 =	vpop (erf)  }
0x1b6: {  	s20 =	sor.u32 $0x100, s19;
	v23 =	vsel vm0, $0x0, v21;
	v21 =	vpop (erf)  }
0x1b7: {  	[tilespmem:s16+$0x1010] =	vst v23;
	v24 =	vsel vm1, $0x0, v21  }
0x1b8: {  	[tilespmem:s16+$0x1090] =	vst v24  }
0x1b9: {  	v21 =	vld [tilespmem:s20+$0x0];
	_ =	sdelay $0x4  }
0x1ba: {  	v21 =	vsub.f32 v21, v11;
	_ =	sdelay $0x1  }
0x1bb: {  	v21 =	vmul.f32 $1.442695020e+00, v21;
	_ =	sdelay $0x1  }
0x1bc: {  	(erf) = vpow2.f32 v21;
	_ =	sdelay $0x1  }
0x1bd: {  	v21 =	vld [tilespmem:s20+$0x800];
	_ =	sdelay $0x4  }
0x1be: {  	vm0 =	vlt.s32 v21, v6;
	_ =	sdelay $0x1  }
0x1bf: {  	s19 =	sor.u32 $0x180, s19;
	v21 =	vpop (erf)  }
0x1c0: {  	v21 =	vsel vm0, $0x0, v21  }
0x1c1: {  	[tilespmem:s20+$0x1000] =	vst v21  }
0x1c2: {  	v22 =	vld [tilespmem:s19+$0x0];
	_ =	sdelay $0x4  }
0x1c3: {  	v22 =	vsub.f32 v22, v12;
	_ =	sdelay $0x1  }
0x1c4: {  	v22 =	vmul.f32 $1.442695020e+00, v22;
	_ =	sdelay $0x1  }
0x1c5: {  	(erf) = vpow2.f32 v22;
	_ =	sdelay $0x1  }
0x1c6: {  	v22 =	vld [tilespmem:s19+$0x800];
	_ =	sdelay $0x4  }
0x1c7: {  	vm0 =	vlt.s32 v22, v5;
	_ =	sdelay $0x1  }
0x1c8: {  	v22 =	vpop (erf)  }
0x1c9: {  	v22 =	vsel vm0, $0x0, v22  }
0x1ca: {  	[tilespmem:s19+$0x1000] =	vst v22  }
0x1cb: {  	v25 =	vld [tilespmem:s16+$0x20]  }
0x1cc: {  	v26 =	vld [tilespmem:s16+$0xA0]  }
0x1cd: {  	v27 =	vld [tilespmem:s16+$0x820]  }
0x1ce: {  	v28 =	vld [tilespmem:s16+$0x8A0];
	_ =	sdelay $0x1  }
0x1cf: {  	v25 =	vsub.f32 v25, v9  }
0x1d0: {  	v26 =	vsub.f32 v26, v10  }
0x1d1: {  	v25 =	vmul.f32 $1.442695020e+00, v25  }
0x1d2: {  	v26 =	vmul.f32 $1.442695020e+00, v26  }
0x1d3: {  	(erf) = vpow2.f32 v25  }
0x1d4: {  	(erf) = vpow2.f32 v26;
	_ =	sdelay $0x5  }
0x1d5: {  	vm0 =	vlt.s32 v27, v8;
	vm1 =	vlt.s32 v28, v7;
	_ =	sdelay $0x1  }
0x1d6: {  	s19 =	sor.u32 $0x100, s18;
	v25 =	vpop (erf)  }
0x1d7: {  	v25 =	vsel vm0, $0x0, v25;
	v26 =	vpop (erf)  }
0x1d8: {  	[tilespmem:s16+$0x1020] =	vst v25;
	v26 =	vsel vm1, $0x0, v26  }
0x1d9: {  	[tilespmem:s16+$0x10A0] =	vst v26  }
0x1da: {  	v27 =	vld [tilespmem:s19+$0x0]  }
0x1db: {  	v28 =	vld [tilespmem:s19+$0x800];
	_ =	sdelay $0x3  }
0x1dc: {  	v27 =	vsub.f32 v27, v11;
	_ =	sdelay $0x1  }
0x1dd: {  	v27 =	vmul.f32 $1.442695020e+00, v27;
	_ =	sdelay $0x1  }
0x1de: {  	(erf) = vpow2.f32 v27;
	_ =	sdelay $0x5  }
0x1df: {  	vm0 =	vlt.s32 v28, v6;
	_ =	sdelay $0x1  }
0x1e0: {  	s18 =	sor.u32 $0x180, s18  }
0x1e1: {  	v27 =	vpop (erf)  }
0x1e2: {  	v27 =	vsel vm0, $0x0, v27  }
0x1e3: {  	[tilespmem:s19+$0x1000] =	vst v27  }
0x1e4: {  	v28 =	vld [tilespmem:s18+$0x0]  }
0x1e5: {  	v29 =	vld [tilespmem:s18+$0x800];
	_ =	sdelay $0x3  }
0x1e6: {  	v28 =	vsub.f32 v28, v12;
	_ =	sdelay $0x1  }
0x1e7: {  	v28 =	vmul.f32 $1.442695020e+00, v28;
	_ =	sdelay $0x1  }
0x1e8: {  	(erf) = vpow2.f32 v28;
	_ =	sdelay $0x5  }
0x1e9: {  	vm0 =	vlt.s32 v29, v5;
	_ =	sdelay $0x2  }
0x1ea: {  	v28 =	vpop (erf)  }
0x1eb: {  	v28 =	vsel vm0, $0x0, v28  }
0x1ec: {  	[tilespmem:s18+$0x1000] =	vst v28  }
0x1ed: {  	v29 =	vld [tilespmem:s16+$0x30]  }
0x1ee: {  	v30 =	vld [tilespmem:s16+$0xB0]  }
0x1ef: {  	v31 =	vld [tilespmem:s16+$0x830]  }
0x1f0: {  	v32 =	vld [tilespmem:s16+$0x8B0];
	_ =	sdelay $0x1  }
0x1f1: {  	v29 =	vsub.f32 v29, v9  }
0x1f2: {  	v30 =	vsub.f32 v30, v10  }
0x1f3: {  	v29 =	vmul.f32 $1.442695020e+00, v29  }
0x1f4: {  	v30 =	vmul.f32 $1.442695020e+00, v30  }
0x1f5: {  	(erf) = vpow2.f32 v29  }
0x1f6: {  	(erf) = vpow2.f32 v30;
	_ =	sdelay $0x3  }
0x1f7: {  	v14 =	vadd.f32 v19, v14  }
0x1f8: {  	v15 =	vadd.f32 v20, v15;
	vm0 =	vlt.s32 v31, v8;
	vm1 =	vlt.s32 v32, v7  }
0x1f9: {  	v14 =	vadd.f32 v23, v14  }
0x1fa: {  	v15 =	vadd.f32 v24, v15;
	s18 =	sor.u32 $0x100, s17  }
0x1fb: {  	v14 =	vadd.f32 v25, v14;
	v19 =	vpop (erf)  }
0x1fc: {  	v15 =	vadd.f32 v26, v15;
	v19 =	vsel vm0, $0x0, v19;
	v20 =	vpop (erf)  }
0x1fd: {  	[tilespmem:s16+$0x1030] =	vst v19;
	v14 =	vadd.f32 v19, v14;
	v19 =	vsel vm1, $0x0, v20  }
0x1fe: {  	[tilespmem:s16+$0x10B0] =	vst v19;
	v15 =	vadd.f32 v19, v15  }
0x1ff: {  	v19 =	vld [tilespmem:s18+$0x0]  }
0x200: {  	v20 =	vld [tilespmem:s18+$0x800];
	_ =	sdelay $0x3  }
0x201: {  	v19 =	vsub.f32 v19, v11;
	_ =	sdelay $0x1  }
0x202: {  	v19 =	vmul.f32 $1.442695020e+00, v19;
	_ =	sdelay $0x1  }
0x203: {  	(erf) = vpow2.f32 v19;
	_ =	sdelay $0x4  }
0x204: {  	v13 =	vadd.f32 v17, v13;
	vm0 =	vlt.s32 v20, v6;
	_ =	sdelay $0x1  }
0x205: {  	v13 =	vadd.f32 v21, v13;
	s17 =	sor.u32 $0x180, s17;
	_ =	sdelay $0x1  }
0x206: {  	v13 =	vadd.f32 v27, v13;
	v17 =	vpop (erf)  }
0x207: {  	v17 =	vsel vm0, $0x0, v17  }
0x208: {  	[tilespmem:s18+$0x1000] =	vst v17;
	v13 =	vadd.f32 v17, v13  }
0x209: {  	v17 =	vld [tilespmem:s17+$0x0]  }
0x20a: {  	v19 =	vld [tilespmem:s17+$0x800];
	_ =	sdelay $0x3  }
0x20b: {  	v17 =	vsub.f32 v17, v12;
	_ =	sdelay $0x1  }
0x20c: {  	v17 =	vmul.f32 $1.442695020e+00, v17;
	_ =	sdelay $0x1  }
0x20d: {  	(erf) = vpow2.f32 v17  }
0x20e: {  	v16 =	vadd.f32 v18, v16  }
.Ltmp2:
0x20f: {  	(pc) =	sbr.rel @p1 .LBB2_6-.Ltmp2, $3  }
0x210: {  	v16 =	vadd.f32 v22, v16;
	_ =	sdelay $0x1  }
0x211: {  	v16 =	vadd.f32 v28, v16;
	vm0 =	vlt.s32 v19, v5  }
0x212: {  	s15 =	sadd.s32 $0x40, s15  }
0x213: {  	v5 =	vperm.xlane v14, v1  }
0x214: {  	v6 =	vperm.xlane v15, v1  }
0x215: {  	v5 =	vadd.f32 v5, v14  }
0x216: {  	v6 =	vadd.f32 v6, v15  }
0x217: {  	v7 =	vperm.xlane v5, v2  }
0x218: {  	v8 =	vperm.xlane v6, v2  }
0x219: {  	v5 =	vadd.f32 v7, v5  }
0x21a: {  	v6 =	vadd.f32 v8, v6  }
0x21b: {  	v7 =	vperm.xlane v5, v3  }
0x21c: {  	v8 =	vperm.xlane v6, v3  }
0x21d: {  	v5 =	vadd.f32 v7, v5;
	v7 =	vperm.xlane v13, v1  }
0x21e: {  	v6 =	vadd.f32 v8, v6  }
0x21f: {  	v8 =	vperm.xlane v5, v4;
	v7 =	vadd.f32 v7, v13  }
0x220: {  	v9 =	vperm.xlane v6, v4  }
0x221: {  	v10 =	vpop (erf);
	v5 =	vadd.f32 v8, v5;
	v8 =	vperm.xlane v7, v2  }
0x222: {  	v6 =	vadd.f32 v9, v6;
	v9 =	vsel vm0, $0x0, v10  }
0x223: {  	v10 =	vadd.f32 v9, v16;
	(erf) = vrcp.f32 v5;
	v5 =	vadd.f32 v8, v7  }
0x224: {  	(erf) = vrcp.f32 v6  }
0x225: {  	v7 =	vperm.xlane v10, v1;
	v6 =	vperm.xlane v5, v3;
	_ =	sdelay $0x1  }
0x226: {  	s13 =	simm.s32 $0x0;
	v5 =	vadd.f32 v6, v5;
	v6 =	vadd.f32 v7, v10  }
0x227: {  	s14 =	sand.u32 $0x40, s13;
	s15 =	sand.u32 $0x600, s13  }
0x228: {  	s14 =	sor.u32 s14, s15;
	[tilespmem:s17+$0x1000] =	vst v9;
	v7 =	vperm.xlane v5, v4;
	v8 =	vperm.xlane v6, v2  }
0x229: {  	v9 =	vld [tilespmem:s14+$0x1000]  }
0x22a: {  	v10 =	vld [tilespmem:s14+$0x1080];
	v7 =	vadd.f32 v7, v5;
	v8 =	vadd.f32 v8, v6;
	_ =	sdelay $0x1  }
0x22b: {  	v5 =	vpop (erf);
	(erf) = vrcp.f32 v7;
	v7 =	vperm.xlane v8, v3  }
0x22c: {  	p0 =	por $0x0, $0x0;
	s15 =	simm.s32 $0x1  }
0x22d: {  	s15 =	simm.s32 @!p0 $0x0;
	v6 =	vpop (erf);
	v9 =	vmul.f32 v9, v5;
	v7 =	vadd.f32 v7, v8  }
0x22e: {  	s15 =	sshll.u32 s15, $0x6;
	v8 =	vmul.f32 v10, v6  }
0x22f: {  	s15 =	sadd.s32 $0x0, s15;
	[tilespmem:s14+$0x1000] =	vst v9;
	v9 =	vperm.xlane v7, v4  }
0x230: {  	s16 =	sor.u32 $0x100, s15;
	[tilespmem:s14+$0x1080] =	vst v8  }
0x231: {  	v8 =	vld [tilespmem:s16+$0x1000];
	v7 =	vadd.f32 v9, v7;
	_ =	sdelay $0x2  }
0x232: {  	(erf) = vrcp.f32 v7  }
0x233: {  	v7 =	vpop (erf)  }
0x234: {  	v8 =	vmul.f32 v8, v7  }
0x235: {  	s25 =	sor.u32 s13, s13  }
0x236: {  	s17 =	sor.u32 $0x180, s25;
	[tilespmem:s16+$0x1000] =	vst v8  }
0x237: {  	v9 =	vld [tilespmem:s17+$0x1000];
	_ =	sdelay $0x3  }
0x238: {  	v8 =	vpop (erf)  }
0x239: {  	v9 =	vmul.f32 v9, v8;
	_ =	sdelay $0x1  }
0x23a: {  	[tilespmem:s17+$0x1000] =	vst v9  }
0x23b: {  	v9 =	vld [tilespmem:s14+$0x1010]  }
0x23c: {  	v10 =	vld [tilespmem:s14+$0x1090];
	_ =	sdelay $0x3  }
0x23d: {  	v9 =	vmul.f32 v9, v5  }
0x23e: {  	v10 =	vmul.f32 v10, v6  }
0x23f: {  	s26 =	sadd.s32 $0x10, s15;
	[tilespmem:s14+$0x1010] =	vst v9  }
0x240: {  	s28 =	sor.u32 $0x100, s26;
	[tilespmem:s14+$0x1090] =	vst v10  }
0x241: {  	v9 =	vld [tilespmem:s28+$0x1000];
	_ =	sdelay $0x4  }
0x242: {  	v9 =	vmul.f32 v9, v7;
	_ =	sdelay $0x1  }
0x243: {  	s16 =	sor.u32 $0x180, s26;
	[tilespmem:s28+$0x1000] =	vst v9  }
0x244: {  	v9 =	vld [tilespmem:s16+$0x1000];
	_ =	sdelay $0x4  }
0x245: {  	v9 =	vmul.f32 v9, v8;
	_ =	sdelay $0x1  }
0x246: {  	[tilespmem:s16+$0x1000] =	vst v9  }
0x247: {  	v9 =	vld [tilespmem:s14+$0x1020]  }
0x248: {  	v10 =	vld [tilespmem:s14+$0x10A0];
	_ =	sdelay $0x3  }
0x249: {  	v9 =	vmul.f32 v9, v5  }
0x24a: {  	v10 =	vmul.f32 v10, v6  }
0x24b: {  	s29 =	sadd.s32 $0x20, s15;
	[tilespmem:s14+$0x1020] =	vst v9  }
0x24c: {  	s30 =	sor.u32 $0x100, s29;
	[tilespmem:s14+$0x10A0] =	vst v10  }
0x24d: {  	v9 =	vld [tilespmem:s30+$0x1000];
	_ =	sdelay $0x4  }
0x24e: {  	v9 =	vmul.f32 v9, v7;
	_ =	sdelay $0x1  }
0x24f: {  	s16 =	sor.u32 $0x180, s29;
	[tilespmem:s30+$0x1000] =	vst v9  }
0x250: {  	v9 =	vld [tilespmem:s16+$0x1000];
	_ =	sdelay $0x4  }
0x251: {  	v9 =	vmul.f32 v9, v8;
	_ =	sdelay $0x1  }
0x252: {  	[tilespmem:s16+$0x1000] =	vst v9  }
0x253: {  	v9 =	vld [tilespmem:s14+$0x1030]  }
0x254: {  	v10 =	vld [tilespmem:s14+$0x10B0];
	_ =	sdelay $0x3  }
0x255: {  	v9 =	vmul.f32 v9, v5  }
0x256: {  	v10 =	vmul.f32 v10, v6  }
0x257: {  	s15 =	sadd.s32 $0x30, s15;
	[tilespmem:s14+$0x1030] =	vst v9  }
0x258: {  	s31 =	sor.u32 $0x100, s15;
	[tilespmem:s14+$0x10B0] =	vst v10  }
0x259: {  	v9 =	vld [tilespmem:s31+$0x1000];
	_ =	sdelay $0x4  }
0x25a: {  	v9 =	vmul.f32 v9, v7;
	_ =	sdelay $0x1  }
0x25b: {  	s17 =	sor.u32 $0x180, s15;
	[tilespmem:s31+$0x1000] =	vst v9  }
0x25c: {  	v9 =	vld [tilespmem:s17+$0x1000];
	_ =	sdelay $0x1  }
0x25d: {  	s15 =	simm.s32 $0x40;
	s14 =	simm.s32 $0x0  }
.LBB2_8:
0x25e: {  	s14 =	sadd.s32 $0x4, s14;
	s13 =	sadd.s32 $0x100, s13;
	p0 =	por !p0, !p0  }
0x25f: {  	p1 =	slt.u32 s14, $0x1C  }
0x260: {  	v9 =	vmul.f32 v9, v8  }
0x261: {  	s16 =	sand.u32 $0x40, s15;
	s18 =	sand.u32 $0x600, s13  }
0x262: {  	s16 =	sor.u32 s16, s18;
	[tilespmem:s17+$0x1000] =	vst v9  }
0x263: {  	v9 =	vld [tilespmem:s16+$0x1000]  }
0x264: {  	v10 =	vld [tilespmem:s16+$0x1080];
	_ =	sdelay $0x1  }
0x265: {  	s17 =	simm.s32 $0x1  }
0x266: {  	s17 =	simm.s32 @!p0 $0x0  }
0x267: {  	s17 =	sshll.u32 s17, $0x6;
	v9 =	vmul.f32 v9, v5  }
0x268: {  	s17 =	sadd.s32 s17, s13;
	v10 =	vmul.f32 v10, v6  }
0x269: {  	s19 =	sor.u32 $0x100, s17;
	s20 =	sadd.s32 $0x10, s17;
	s18 =	sadd.s32 $0x20, s17;
	[tilespmem:s16+$0x1000] =	vst v9  }
0x26a: {  	s17 =	sadd.s32 $0x30, s17;
	[tilespmem:s16+$0x1080] =	vst v10  }
0x26b: {  	v9 =	vld [tilespmem:s19+$0x1000];
	_ =	sdelay $0x4  }
0x26c: {  	s21 =	sor.u32 s13, s15;
	v9 =	vmul.f32 v9, v7  }
0x26d: {  	s21 =	sor.u32 $0x180, s21  }
0x26e: {  	[tilespmem:s19+$0x1000] =	vst v9  }
0x26f: {  	v9 =	vld [tilespmem:s21+$0x1000];
	_ =	sdelay $0x4  }
0x270: {  	v9 =	vmul.f32 v9, v8;
	_ =	sdelay $0x1  }
0x271: {  	[tilespmem:s21+$0x1000] =	vst v9  }
0x272: {  	v9 =	vld [tilespmem:s16+$0x1010]  }
0x273: {  	v10 =	vld [tilespmem:s16+$0x1090];
	_ =	sdelay $0x3  }
0x274: {  	v9 =	vmul.f32 v9, v5  }
0x275: {  	s19 =	sor.u32 $0x100, s20;
	v10 =	vmul.f32 v10, v6  }
0x276: {  	[tilespmem:s16+$0x1010] =	vst v9  }
0x277: {  	[tilespmem:s16+$0x1090] =	vst v10  }
0x278: {  	v9 =	vld [tilespmem:s19+$0x1000];
	_ =	sdelay $0x4  }
0x279: {  	s20 =	sor.u32 $0x180, s20;
	v9 =	vmul.f32 v9, v7;
	_ =	sdelay $0x1  }
0x27a: {  	[tilespmem:s19+$0x1000] =	vst v9  }
0x27b: {  	v9 =	vld [tilespmem:s20+$0x1000];
	_ =	sdelay $0x4  }
0x27c: {  	v9 =	vmul.f32 v9, v8;
	_ =	sdelay $0x1  }
0x27d: {  	[tilespmem:s20+$0x1000] =	vst v9  }
0x27e: {  	v9 =	vld [tilespmem:s16+$0x1020]  }
0x27f: {  	v10 =	vld [tilespmem:s16+$0x10A0];
	_ =	sdelay $0x3  }
0x280: {  	s19 =	sor.u32 $0x100, s18;
	v9 =	vmul.f32 v9, v5  }
0x281: {  	v10 =	vmul.f32 v10, v6  }
0x282: {  	[tilespmem:s16+$0x1020] =	vst v9  }
0x283: {  	[tilespmem:s16+$0x10A0] =	vst v10  }
0x284: {  	v9 =	vld [tilespmem:s19+$0x1000];
	_ =	sdelay $0x3  }
0x285: {  	s18 =	sor.u32 $0x180, s18  }
0x286: {  	v9 =	vmul.f32 v9, v7;
	_ =	sdelay $0x1  }
0x287: {  	[tilespmem:s19+$0x1000] =	vst v9  }
0x288: {  	v9 =	vld [tilespmem:s18+$0x1000];
	_ =	sdelay $0x4  }
0x289: {  	v9 =	vmul.f32 v9, v8;
	_ =	sdelay $0x1  }
0x28a: {  	[tilespmem:s18+$0x1000] =	vst v9  }
0x28b: {  	v9 =	vld [tilespmem:s16+$0x1030]  }
0x28c: {  	v10 =	vld [tilespmem:s16+$0x10B0];
	_ =	sdelay $0x2  }
0x28d: {  	s18 =	sor.u32 $0x100, s17  }
0x28e: {  	v9 =	vmul.f32 v9, v5  }
0x28f: {  	v10 =	vmul.f32 v10, v6  }
0x290: {  	[tilespmem:s16+$0x1030] =	vst v9  }
0x291: {  	[tilespmem:s16+$0x10B0] =	vst v10  }
0x292: {  	v9 =	vld [tilespmem:s18+$0x1000];
	_ =	sdelay $0x2  }
0x293: {  	s17 =	sor.u32 $0x180, s17;
	_ =	sdelay $0x1  }
0x294: {  	v9 =	vmul.f32 v9, v7  }
.Ltmp3:
0x295: {  	(pc) =	sbr.rel @p1 .LBB2_8-.Ltmp3, $3  }
0x296: {  	[tilespmem:s18+$0x1000] =	vst v9  }
0x297: {  	v9 =	vld [tilespmem:s17+$0x1000];
	_ =	sdelay $0x1  }
0x298: {  	s15 =	sadd.s32 $0x40, s15  }
0x299: {  	_ =	sdelay $0x1  }
0x29a: {  	s12 =	sadd.s32 $0x1, s12;
	v5 =	vmul.f32 v9, v8  }
0x29b: {  	p0 =	sne.s32 s12, s6  }
.Ltmp4:
0x29c: {  	[tilespmem:s17+$0x1000] =	vst v5;
	(pc) =	sbr.rel @p0 .LBB2_1-.Ltmp4, $4  }
0x29d: {  	[hbm4b:s5+s7] =	stream.strided.scatter [tilespmem:s11], [sflag:$0x1], $0x800, s8, s7, $0x38;
	[tilespmem:$0x1800] =	vst v63  }
0x29e: {  	_ =	swait.ge [sflag:s9], $0x800  }
0x29f: {  	[sflag:s9] =	ssyncset.done $0x0  }
0x2a0: {  	[sflag:s9] =	ssyncadd.s32 $0xFFFFF800  }
0x2a1: {  	_ =	sfence.sel $0x180000  }
0x2a2: {  	[bflag:$0x0] =	sbarrier.arrive $0xFFFF  }
0x2a3: {  	p0 =	sne.s32 s2, $0x0;
	_ =	strace $0x90000047  }
0x2a4: {  	s0 =	sadd.s32 @!p0 $0x100000, s0;
	[bflag:$0x2] =	sbarrier.arrive $0xFFFF  }
0x2a5: {  	[sflag:s0] =	ssyncadd.tile.s32 @!p0 $0x1;
	_ =	shalt  }
.Lfunc_end2:
_tile_overlayer_lowered:
.L_overlay_start_2:
0x2a6: {  	(tag) =	ssettag $0x2  }
0x2a7: {  	s0 =	rddreg [dreg:$0x0];
	s2 =	stileid.u32  }
0x2a8: {  	s1 =	rddreg [dreg:$0x1];
	p0 =	sne.s32 s2, $0x0  }
0x2a9: {  	s3 =	rddreg [dreg:$0x2];
	[bflag:$0x3] =	sbarrier.arrive $0xFFFF;
	s2 =	simm.s32 @!p0 $0x1C01  }
0x2aa: {  	[timem:s3], [sflag:s2] =	dma.local @!p0 [hbm:s0], s1  }
0x2ab: {  	s0 =	simm.s32 @!p0 $0x1  }
0x2ac: {  	_ =	swait.ge @!p0 [sflag:s0], s1  }
0x2ad: {  	s1 =	ssub.s32 @!p0 $0x0, s1;
	[sflag:s0] =	ssyncset.done @!p0 $0x0  }
0x2ae: {  	[sflag:s0] =	ssyncadd.s32 @!p0 s1  }
0x2af: {  	[bflag:$0x3] =	sbarrier.arrive $0xFFFF  }
0x2b0: {  	_ =	shalt  }

</sc_bundles>
